<compile_context>
chip_gen: v7x
topology: tpu7x:2x2x1
jax: 0.10.2.dev20260603
libtpu: 0.0.44.dev20260713+nightly
codegen_flags: <defaults>
</compile_context>

<pallas_src>
import functools

import jax
import jax.numpy as jnp
from jax import lax
from jax.experimental import pallas as pl
from jax.experimental.pallas import tpu as pltpu
from jax.experimental.pallas import tpu_sc as plsc

N = 10000
E = 320000
G = 64

NC = 2
NS = 16
CH = 128
NCHUNK = E // CH
ROWS_PER_TILE = 624
ROWS_REM = N - NS * ROWS_PER_TILE


def _sc_segsum_body(D, stage, nbuf, h_hbm, src_hbm, dst_hbm, zero_hbm,
                    out_hbm, acc, h_sh, idx_s0, idx_s1, idx_d0, idx_d1,
                    rows0, rows1, gsem0, gsem1, ssem0, ssem1):
    idx_s = [idx_s0, idx_s1]
    idx_d = [idx_d0, idx_d1]
    rows = [rows0, rows1]
    gsem = [gsem0, gsem1]
    ssem = [ssem0, ssem1]
    cid = lax.axis_index("c")
    sid = lax.axis_index("s")
    wid = sid * NC + cid

    pltpu.sync_copy(zero_hbm.at[pl.ds(sid * ROWS_PER_TILE, ROWS_PER_TILE)],
                    acc.at[pl.ds(sid * ROWS_PER_TILE, ROWS_PER_TILE)])
    if stage:
        pltpu.sync_copy(h_hbm.at[pl.ds(sid * ROWS_PER_TILE, ROWS_PER_TILE)],
                        h_sh.at[pl.ds(sid * ROWS_PER_TILE, ROWS_PER_TILE)])

    @pl.when(sid == NS - 1)
    def _zero_tail():
        tl = pl.ds(NS * ROWS_PER_TILE, ROWS_REM)
        pltpu.sync_copy(zero_hbm.at[tl], acc.at[tl])
        if stage:
            pltpu.sync_copy(h_hbm.at[tl], h_sh.at[tl])

    plsc.subcore_barrier()

    gather_src = h_sh if stage else h_hbm

    nwaves = NCHUNK // (NC * NS * nbuf) + 1

    def wave(k, _):
        gd = []
        for b in range(nbuf):
            c = wid + (k * nbuf + b) * (NC * NS)

            @pl.when(c < NCHUNK)
            def _fire(c=c, b=b):
                base = c * CH
                pltpu.sync_copy(src_hbm.at[pl.ds(base, CH)], idx_s[b].at[0])
                pltpu.sync_copy(dst_hbm.at[pl.ds(base, CH)], idx_d[b].at[0])
                gd.append(pltpu.async_copy(gather_src.at[idx_s[b].at[0]],
                                           rows[b].at[0], gsem[b]))

        for b in range(nbuf):
            c = wid + (k * nbuf + b) * (NC * NS)

            @pl.when(c < NCHUNK)
            def _drain(c=c, b=b):
                gd.pop(0).wait()
                pltpu.sync_copy(rows[b].at[0], acc.at[idx_d[b].at[0]],
                                add=True)

        return None

    lax.fori_loop(0, nwaves, wave, None)

    plsc.subcore_barrier()
    sl = pl.ds(sid * ROWS_PER_TILE, ROWS_PER_TILE)
    pltpu.sync_copy(acc.at[sl], out_hbm.at[cid].at[sl])

    @pl.when(sid == NS - 1)
    def _write_tail():
        tl = pl.ds(NS * ROWS_PER_TILE, ROWS_REM)
        pltpu.sync_copy(acc.at[tl], out_hbm.at[cid].at[tl])


def _sc_segment_sum(h, src, dst, zero, D):
    stage = D * N * 4 * 2 <= 7 * 1024 * 1024
    nbuf = 2
    mesh = plsc.VectorSubcoreMesh(core_axis_name="c", subcore_axis_name="s",
                                  num_cores=NC, num_subcores=NS)
    return pl.kernel(
        functools.partial(_sc_segsum_body, D, stage, nbuf),
        out_type=jax.ShapeDtypeStruct((NC, N, D), jnp.float32),
        mesh=mesh,
        scratch_types=[
            pltpu.VMEM_SHARED((N, D), jnp.float32),
            pltpu.VMEM_SHARED((N, D) if stage else (8, D), jnp.float32),
            pltpu.VMEM((1, CH), jnp.int32),
            pltpu.VMEM((1, CH), jnp.int32),
            pltpu.VMEM((1, CH), jnp.int32),
            pltpu.VMEM((1, CH), jnp.int32),
            pltpu.VMEM((1, CH, D), jnp.float32),
            pltpu.VMEM((1, CH, D), jnp.float32),
            pltpu.SemaphoreType.DMA,
            pltpu.SemaphoreType.DMA,
            pltpu.SemaphoreType.DMA,
            pltpu.SemaphoreType.DMA,
        ],
    )(h, src, dst, zero)


def _tc_dense_body(h_ref, p_ref, w1_ref, b1_ref, w2_ref, b2_ref,
                   g_ref, bt_ref, o_ref):
    z = h_ref[...] + p_ref[0] + p_ref[1]
    a = jnp.dot(z, w1_ref[...], preferred_element_type=jnp.float32)
    a = jnp.maximum(a + b1_ref[...], 0.0)
    hh = jnp.dot(a, w2_ref[...], preferred_element_type=jnp.float32)
    hh = hh + b2_ref[...]
    mean = jnp.mean(hh, axis=0, keepdims=True)
    var = jnp.mean((hh - mean) ** 2, axis=0, keepdims=True)
    hn = g_ref[...] * (hh - mean) * lax.rsqrt(var + 1e-5) + bt_ref[...]
    o_ref[...] = jnp.maximum(hn, 0.0)


def _tc_dense(h, p, w1, b1, w2, b2, gamma, beta, dout):
    return pl.pallas_call(
        _tc_dense_body,
        out_shape=jax.ShapeDtypeStruct((N, dout), jnp.float32),
    )(h, p, w1, b1, w2, b2, gamma, beta)


def _tc_dense_pool_body(h_ref, p_ref, w1_ref, b1_ref, w2_ref, b2_ref,
                        g_ref, bt_ref, batch_ref, o_ref):
    z = h_ref[...] + p_ref[0] + p_ref[1]
    a = jnp.dot(z, w1_ref[...], preferred_element_type=jnp.float32)
    a = jnp.maximum(a + b1_ref[...], 0.0)
    hh = jnp.dot(a, w2_ref[...], preferred_element_type=jnp.float32)
    hh = hh + b2_ref[...]
    mean = jnp.mean(hh, axis=0, keepdims=True)
    var = jnp.mean((hh - mean) ** 2, axis=0, keepdims=True)
    hn = g_ref[...] * (hh - mean) * lax.rsqrt(var + 1e-5) + bt_ref[...]
    hr = jnp.maximum(hn, 0.0)
    gids = lax.broadcasted_iota(jnp.int32, (N, G), 1)
    onehot = (batch_ref[...] == gids).astype(jnp.float32)
    sums = lax.dot_general(onehot, hr, (((0,), (0,)), ((), ())),
                           preferred_element_type=jnp.float32)
    ones = jnp.full((N, 1), 1.0, jnp.float32)
    counts = lax.dot_general(onehot, ones, (((0,), (0,)), ((), ())),
                             preferred_element_type=jnp.float32)
    o_ref[...] = sums / jnp.maximum(counts, 1.0)


def _tc_dense_pool(h, p, w1, b1, w2, b2, gamma, beta, batch2d, dout):
    return pl.pallas_call(
        _tc_dense_pool_body,
        out_shape=jax.ShapeDtypeStruct((G, dout), jnp.float32),
    )(h, p, w1, b1, w2, b2, gamma, beta, batch2d)


def kernel(x, edge_index, batch,
           l0_w1, l0_b1, l0_w2, l0_b2, l0_gamma, l0_beta,
           l1_w1, l1_b1, l1_w2, l1_b2, l1_gamma, l1_beta,
           l2_w1, l2_b1, l2_w2, l2_b2, l2_gamma, l2_beta):
    src = edge_index[0]
    dst = edge_index[1]
    batch2d = batch.reshape(N, 1)

    zero128 = jnp.zeros((N, 128), jnp.float32)
    zero64 = jnp.zeros((N, 64), jnp.float32)

    p0 = _sc_segment_sum(x, src, dst, zero128, 128)
    h1 = _tc_dense(x, p0, l0_w1, l0_b1.reshape(1, -1), l0_w2,
                   l0_b2.reshape(1, -1), l0_gamma.reshape(1, -1),
                   l0_beta.reshape(1, -1), 64)
    p1 = _sc_segment_sum(h1, src, dst, zero64, 64)
    h2 = _tc_dense(h1, p1, l1_w1, l1_b1.reshape(1, -1), l1_w2,
                   l1_b2.reshape(1, -1), l1_gamma.reshape(1, -1),
                   l1_beta.reshape(1, -1), 64)
    p2 = _sc_segment_sum(h2, src, dst, zero64, 64)
    out = _tc_dense_pool(h2, p2, l2_w1, l2_b1.reshape(1, -1), l2_w2,
                         l2_b2.reshape(1, -1), l2_gamma.reshape(1, -1),
                         l2_beta.reshape(1, -1), batch2d, 32)
    return out

# --- scband reference (transcript-rebuilt; emitter-appended) ---
"""Pipeline reference for scband-gnnencoder-76278619177362 (READ-ONLY COPY).

The authoritative reference and input builder live on the scoring server;
editing this copy changes nothing except your own understanding.
"""

import jax, jax.numpy as jnp
import numpy as np

N, E, DIN, H, DOUT, G = 10000, 320000, 128, 64, 32, 64


def setup_inputs(seed: int = 0):
    key = jax.random.key(seed)
    ks = jax.random.split(key, 24)
    inp = {}
    inp["x"] = jax.random.normal(ks[0], (N, DIN), dtype=jnp.float32)
    inp["edge_index"] = jax.random.randint(ks[1], (2, E), 0, N, dtype=jnp.int32)
    inp["batch"] = jnp.sort(jax.random.randint(ks[2], (N,), 0, G, dtype=jnp.int32))
    dims = [(DIN, H, H), (H, H, H), (H, H, DOUT)]
    k = 3
    for i, (d0, d1, d2) in enumerate(dims):
        inp[f"l{i}_w1"] = jax.random.normal(ks[k], (d0, d1), dtype=jnp.float32) * (1.0 / np.sqrt(d0)); k += 1
        inp[f"l{i}_b1"] = jnp.zeros((d1,), dtype=jnp.float32)
        inp[f"l{i}_w2"] = jax.random.normal(ks[k], (d1, d2), dtype=jnp.float32) * (1.0 / np.sqrt(d1)); k += 1
        inp[f"l{i}_b2"] = jnp.zeros((d2,), dtype=jnp.float32)
        inp[f"l{i}_gamma"] = jnp.ones((d2,), dtype=jnp.float32)
        inp[f"l{i}_beta"] = jnp.zeros((d2,), dtype=jnp.float32)
    return inp


def _bn(h, gamma, beta):
    mean = jnp.mean(h, axis=0)
    var = jnp.var(h, axis=0)
    return gamma * (h - mean) / jnp.sqrt(var + 1e-5) + beta


def _gin(h, src, dst, w1, b1, w2, b2):
    # GINConv (eps=0): nn((1+eps)*x + sum_{j in N(i)} x_j)
    agg = jax.ops.segment_sum(h[src], dst, num_segments=N)
    z = h + agg
    z = jax.nn.relu(z @ w1 + b1)
    return z @ w2 + b2


def reference(x, edge_index, batch,
              l0_w1, l0_b1, l0_w2, l0_b2, l0_gamma, l0_beta,
              l1_w1, l1_b1, l1_w2, l1_b2, l1_gamma, l1_beta,
              l2_w1, l2_b1, l2_w2, l2_b2, l2_gamma, l2_beta):
    src, dst = edge_index[0], edge_index[1]
    layers = [
        (l0_w1, l0_b1, l0_w2, l0_b2, l0_gamma, l0_beta),
        (l1_w1, l1_b1, l1_w2, l1_b2, l1_gamma, l1_beta),
        (l2_w1, l2_b1, l2_w2, l2_b2, l2_gamma, l2_beta),
    ]
    h = x
    for (w1, b1, w2, b2, g, b) in layers:
        h = _gin(h, src, dst, w1, b1, w2, b2)
        h = _bn(h, g, b)
        h = jax.nn.relu(h)
        # dropout omitted (eval-mode identity)
    sums = jax.ops.segment_sum(h, batch, num_segments=G)
    counts = jax.ops.segment_sum(jnp.ones((N, 1), jnp.float32), batch, num_segments=G)
    return sums / jnp.maximum(counts, 1.0)

if __name__ == "__main__":
    import jax
    _d = setup_inputs()
    print(jax.jit(kernel)(*tuple(_d.values())))

</pallas_src>

<mosaic_0001>
#map = affine_map<(d0, d1) -> (0, 0)>
#map1 = affine_map<(d0, d1) -> (0)>
#map2 = affine_map<(d0, d1) -> (0, 0, 0)>
module attributes {stable_mosaic.version = 14 : i64} {
  func.func @_rewritten_body(%arg0: i32, %arg1: i32, %arg2: memref<10000x64xf32, #tpu.memory_space<hbm>>, %arg3: memref<320000xi32, #tpu.memory_space<hbm>>, %arg4: memref<320000xi32, #tpu.memory_space<hbm>>, %arg5: memref<10000x64xf32, #tpu.memory_space<hbm>>, %arg6: memref<1xi32, #tpu.memory_space<hbm>>, %arg7: memref<1xi32, #tpu.memory_space<hbm>>, %arg8: memref<1xi32, #tpu.memory_space<hbm>>, %arg9: memref<1xi32, #tpu.memory_space<hbm>>, %arg10: memref<2x10000x64xf32, #tpu.memory_space<hbm>>, %arg11: memref<10000x64xf32, #tpu.memory_space<vmem_shared>>, %arg12: memref<10000x64xf32, #tpu.memory_space<vmem_shared>>, %arg13: memref<1x128xi32, #tpu.memory_space<vmem>>, %arg14: memref<1x128xi32, #tpu.memory_space<vmem>>, %arg15: memref<1x128xi32, #tpu.memory_space<vmem>>, %arg16: memref<1x128xi32, #tpu.memory_space<vmem>>, %arg17: memref<1x128x64xf32, #tpu.memory_space<vmem>>, %arg18: memref<1x128x64xf32, #tpu.memory_space<vmem>>, %arg19: memref<!tpu.dma_semaphore, #tpu.memory_space<semaphore_mem>>, %arg20: memref<!tpu.dma_semaphore, #tpu.memory_space<semaphore_mem>>, %arg21: memref<!tpu.dma_semaphore, #tpu.memory_space<semaphore_mem>>, %arg22: memref<!tpu.dma_semaphore, #tpu.memory_space<semaphore_mem>>) attributes {dimension_semantics = [#tpu.dimension_semantics<core_parallel>, #tpu.dimension_semantics<subcore_parallel>], iteration_bounds = array<i64: 2, 16>, scalar_prefetch = 0 : i64, scratch_operands = 12 : i64, tpu.core_type = #tpu.core_type<sc_vector_subcore>, window_params = [{transform_indices = #map}, {transform_indices = #map1}, {transform_indices = #map1}, {transform_indices = #map}, {transform_indices = #map1}, {transform_indices = #map1}, {transform_indices = #map1}, {transform_indices = #map1}, {transform_indices = #map2}]} {
    %empty_ref3A = memref.alloca() : memref<16xi32, #tpu.memory_space<vmem>>
    %empty_ref3A_0 = memref.alloca() : memref<16xi32, #tpu.memory_space<vmem>>
    %empty_ref3A_1 = memref.alloca() : memref<16xi32, #tpu.memory_space<vmem>>
    %empty_ref3A_2 = memref.alloca() : memref<16xi32, #tpu.memory_space<vmem>>
    "tpu.region"() ({
      %run_scoped3A = tpu.sem_alloc : memref<!tpu.dma_semaphore, #tpu.memory_space<semaphore_mem>>
      %dma_start3A = arith.constant 0 : i32
      %dma_start3A_43 = tpu.memref_slice %empty_ref3A[%dma_start3A] : memref<16xi32, #tpu.memory_space<vmem>> -> memref<1xi32, #tpu.memory_space<vmem>>
      %dma_start3A_44 = arith.constant 0 : i32
      %dma_start3A_45 = tpu.memref_slice %empty_ref3A[%dma_start3A_44] : memref<16xi32, #tpu.memory_space<vmem>> -> memref<1xi32, #tpu.memory_space<vmem>>
      tpu.enqueue_dma source(%arg6 : memref<1xi32, #tpu.memory_space<hbm>>) target(%dma_start3A_45 : memref<1xi32, #tpu.memory_space<vmem>>) target_semaphore(%run_scoped3A : memref<!tpu.dma_semaphore, #tpu.memory_space<semaphore_mem>>)
      %dma_start3A_46 = arith.constant 0 : i32
      %dma_start3A_47 = tpu.memref_slice %empty_ref3A_0[%dma_start3A_46] : memref<16xi32, #tpu.memory_space<vmem>> -> memref<1xi32, #tpu.memory_space<vmem>>
      %dma_start3A_48 = arith.constant 0 : i32
      %dma_start3A_49 = tpu.memref_slice %empty_ref3A_0[%dma_start3A_48] : memref<16xi32, #tpu.memory_space<vmem>> -> memref<1xi32, #tpu.memory_space<vmem>>
      tpu.enqueue_dma source(%arg7 : memref<1xi32, #tpu.memory_space<hbm>>) target(%dma_start3A_49 : memref<1xi32, #tpu.memory_space<vmem>>) target_semaphore(%run_scoped3A : memref<!tpu.dma_semaphore, #tpu.memory_space<semaphore_mem>>)
      %dma_start3A_50 = arith.constant 0 : i32
      %dma_start3A_51 = tpu.memref_slice %empty_ref3A_1[%dma_start3A_50] : memref<16xi32, #tpu.memory_space<vmem>> -> memref<1xi32, #tpu.memory_space<vmem>>
      %dma_start3A_52 = arith.constant 0 : i32
      %dma_start3A_53 = tpu.memref_slice %empty_ref3A_1[%dma_start3A_52] : memref<16xi32, #tpu.memory_space<vmem>> -> memref<1xi32, #tpu.memory_space<vmem>>
      tpu.enqueue_dma source(%arg8 : memref<1xi32, #tpu.memory_space<hbm>>) target(%dma_start3A_53 : memref<1xi32, #tpu.memory_space<vmem>>) target_semaphore(%run_scoped3A : memref<!tpu.dma_semaphore, #tpu.memory_space<semaphore_mem>>)
      %dma_start3A_54 = arith.constant 0 : i32
      %dma_start3A_55 = tpu.memref_slice %empty_ref3A_2[%dma_start3A_54] : memref<16xi32, #tpu.memory_space<vmem>> -> memref<1xi32, #tpu.memory_space<vmem>>
      %dma_start3A_56 = arith.constant 0 : i32
      %dma_start3A_57 = tpu.memref_slice %empty_ref3A_2[%dma_start3A_56] : memref<16xi32, #tpu.memory_space<vmem>> -> memref<1xi32, #tpu.memory_space<vmem>>
      tpu.enqueue_dma source(%arg9 : memref<1xi32, #tpu.memory_space<hbm>>) target(%dma_start3A_57 : memref<1xi32, #tpu.memory_space<vmem>>) target_semaphore(%run_scoped3A : memref<!tpu.dma_semaphore, #tpu.memory_space<semaphore_mem>>)
      %dma_wait3A = arith.constant 0 : i32
      %dma_wait3A_58 = tpu.memref_slice %empty_ref3A[%dma_wait3A] : memref<16xi32, #tpu.memory_space<vmem>> -> memref<1xi32, #tpu.memory_space<vmem>>
      %dma_wait3A_59 = arith.constant 0 : i32
      %dma_wait3A_60 = tpu.memref_slice %empty_ref3A[%dma_wait3A_59] : memref<16xi32, #tpu.memory_space<vmem>> -> memref<1xi32, #tpu.memory_space<vmem>>
      tpu.wait_dma2 semaphore(%run_scoped3A : memref<!tpu.dma_semaphore, #tpu.memory_space<semaphore_mem>>) src(%arg6 : memref<1xi32, #tpu.memory_space<hbm>>) dst(%dma_wait3A_60 : memref<1xi32, #tpu.memory_space<vmem>>)
      %dma_wait3A_61 = arith.constant 0 : i32
      %dma_wait3A_62 = tpu.memref_slice %empty_ref3A_0[%dma_wait3A_61] : memref<16xi32, #tpu.memory_space<vmem>> -> memref<1xi32, #tpu.memory_space<vmem>>
      %dma_wait3A_63 = arith.constant 0 : i32
      %dma_wait3A_64 = tpu.memref_slice %empty_ref3A_0[%dma_wait3A_63] : memref<16xi32, #tpu.memory_space<vmem>> -> memref<1xi32, #tpu.memory_space<vmem>>
      tpu.wait_dma2 semaphore(%run_scoped3A : memref<!tpu.dma_semaphore, #tpu.memory_space<semaphore_mem>>) src(%arg7 : memref<1xi32, #tpu.memory_space<hbm>>) dst(%dma_wait3A_64 : memref<1xi32, #tpu.memory_space<vmem>>)
      %dma_wait3A_65 = arith.constant 0 : i32
      %dma_wait3A_66 = tpu.memref_slice %empty_ref3A_1[%dma_wait3A_65] : memref<16xi32, #tpu.memory_space<vmem>> -> memref<1xi32, #tpu.memory_space<vmem>>
      %dma_wait3A_67 = arith.constant 0 : i32
      %dma_wait3A_68 = tpu.memref_slice %empty_ref3A_1[%dma_wait3A_67] : memref<16xi32, #tpu.memory_space<vmem>> -> memref<1xi32, #tpu.memory_space<vmem>>
      tpu.wait_dma2 semaphore(%run_scoped3A : memref<!tpu.dma_semaphore, #tpu.memory_space<semaphore_mem>>) src(%arg8 : memref<1xi32, #tpu.memory_space<hbm>>) dst(%dma_wait3A_68 : memref<1xi32, #tpu.memory_space<vmem>>)
      %dma_wait3A_69 = arith.constant 0 : i32
      %dma_wait3A_70 = tpu.memref_slice %empty_ref3A_2[%dma_wait3A_69] : memref<16xi32, #tpu.memory_space<vmem>> -> memref<1xi32, #tpu.memory_space<vmem>>
      %dma_wait3A_71 = arith.constant 0 : i32
      %dma_wait3A_72 = tpu.memref_slice %empty_ref3A_2[%dma_wait3A_71] : memref<16xi32, #tpu.memory_space<vmem>> -> memref<1xi32, #tpu.memory_space<vmem>>
      tpu.wait_dma2 semaphore(%run_scoped3A : memref<!tpu.dma_semaphore, #tpu.memory_space<semaphore_mem>>) src(%arg9 : memref<1xi32, #tpu.memory_space<hbm>>) dst(%dma_wait3A_72 : memref<1xi32, #tpu.memory_space<vmem>>)
      tpu.yield
    }) : () -> ()
    %get3A = arith.constant 0 : index
    %get3A_3 = tpu.vector_load %empty_ref3A[%get3A] {strides = array<i32>} : memref<16xi32, #tpu.memory_space<vmem>>, vector<16xi32>,
    %get3A_4 = vector.shape_cast %get3A_3 : vector<16xi32> to vector<16xi32>
    %slice3A = vector.extract_strided_slice %get3A_4 {offsets = [0], sizes = [1], strides = [1]} : vector<16xi32> to vector<1xi32>
    %squeeze3A = vector.extract %slice3A[0] : i32 from vector<1xi32>
    %get3A_5 = arith.constant 0 : index
    %get3A_6 = tpu.vector_load %empty_ref3A_0[%get3A_5] {strides = array<i32>} : memref<16xi32, #tpu.memory_space<vmem>>, vector<16xi32>,
    %get3A_7 = vector.shape_cast %get3A_6 : vector<16xi32> to vector<16xi32>
    %slice3A_8 = vector.extract_strided_slice %get3A_7 {offsets = [0], sizes = [1], strides = [1]} : vector<16xi32> to vector<1xi32>
    %squeeze3A_9 = vector.extract %slice3A_8[0] : i32 from vector<1xi32>
    %get3A_10 = arith.constant 0 : index
    %get3A_11 = tpu.vector_load %empty_ref3A_1[%get3A_10] {strides = array<i32>} : memref<16xi32, #tpu.memory_space<vmem>>, vector<16xi32>,
    %get3A_12 = vector.shape_cast %get3A_11 : vector<16xi32> to vector<16xi32>
    %slice3A_13 = vector.extract_strided_slice %get3A_12 {offsets = [0], sizes = [1], strides = [1]} : vector<16xi32> to vector<1xi32>
    %squeeze3A_14 = vector.extract %slice3A_13[0] : i32 from vector<1xi32>
    %get3A_15 = arith.constant 0 : index
    %get3A_16 = tpu.vector_load %empty_ref3A_2[%get3A_15] {strides = array<i32>} : memref<16xi32, #tpu.memory_space<vmem>>, vector<16xi32>,
    %get3A_17 = vector.shape_cast %get3A_16 : vector<16xi32> to vector<16xi32>
    %slice3A_18 = vector.extract_strided_slice %get3A_17 {offsets = [0], sizes = [1], strides = [1]} : vector<16xi32> to vector<1xi32>
    %squeeze3A_19 = vector.extract %slice3A_18[0] : i32 from vector<1xi32>
    %mul3A = arith.constant 2 : i32
    %mul3A_20 = arith.muli %arg1, %mul3A : i32
    %add3A = arith.addi %mul3A_20, %arg0 : i32
    %mul3A_21 = arith.constant 624 : i32
    %mul3A_22 = arith.muli %arg1, %mul3A_21 : i32
    %mul3A_23 = arith.constant 624 : i32
    %mul3A_24 = arith.muli %arg1, %mul3A_23 : i32
    "tpu.region"() ({
      %run_scoped3A = tpu.sem_alloc : memref<!tpu.dma_semaphore, #tpu.memory_space<semaphore_mem>>
      %dma_start3A = arith.constant 0 : i32
      %dma_start3A_43 = tpu.memref_slice %arg11[%mul3A_24, %dma_start3A] : memref<10000x64xf32, #tpu.memory_space<vmem_shared>> -> memref<624x64xf32, #tpu.memory_space<vmem_shared>>
      %dma_start3A_44 = arith.constant 0 : i32
      %dma_start3A_45 = tpu.memref_slice %arg5[%mul3A_22, %dma_start3A_44] : memref<10000x64xf32, #tpu.memory_space<hbm>> -> memref<624x64xf32, #tpu.memory_space<hbm>>
      tpu.enqueue_dma source(%dma_start3A_45 : memref<624x64xf32, #tpu.memory_space<hbm>>) target(%dma_start3A_43 : memref<624x64xf32, #tpu.memory_space<vmem_shared>>) target_semaphore(%run_scoped3A : memref<!tpu.dma_semaphore, #tpu.memory_space<semaphore_mem>>)
      %dma_wait3A = arith.constant 0 : i32
      %dma_wait3A_46 = tpu.memref_slice %arg11[%mul3A_24, %dma_wait3A] : memref<10000x64xf32, #tpu.memory_space<vmem_shared>> -> memref<624x64xf32, #tpu.memory_space<vmem_shared>>
      %dma_wait3A_47 = arith.constant 0 : i32
      %dma_wait3A_48 = tpu.memref_slice %arg5[%mul3A_22, %dma_wait3A_47] : memref<10000x64xf32, #tpu.memory_space<hbm>> -> memref<624x64xf32, #tpu.memory_space<hbm>>
      tpu.wait_dma2 semaphore(%run_scoped3A : memref<!tpu.dma_semaphore, #tpu.memory_space<semaphore_mem>>) src(%dma_wait3A_48 : memref<624x64xf32, #tpu.memory_space<hbm>>) dst(%dma_wait3A_46 : memref<624x64xf32, #tpu.memory_space<vmem_shared>>)
      tpu.yield
    }) : () -> ()
    %mul3A_25 = arith.constant 624 : i32
    %mul3A_26 = arith.muli %arg1, %mul3A_25 : i32
    %mul3A_27 = arith.constant 624 : i32
    %mul3A_28 = arith.muli %arg1, %mul3A_27 : i32
    "tpu.region"() ({
      %run_scoped3A = tpu.sem_alloc : memref<!tpu.dma_semaphore, #tpu.memory_space<semaphore_mem>>
      %dma_start3A = arith.constant 0 : i32
      %dma_start3A_43 = tpu.memref_slice %arg12[%mul3A_28, %dma_start3A] : memref<10000x64xf32, #tpu.memory_space<vmem_shared>> -> memref<624x64xf32, #tpu.memory_space<vmem_shared>>
      %dma_start3A_44 = arith.constant 0 : i32
      %dma_start3A_45 = tpu.memref_slice %arg2[%mul3A_26, %dma_start3A_44] : memref<10000x64xf32, #tpu.memory_space<hbm>> -> memref<624x64xf32, #tpu.memory_space<hbm>>
      tpu.enqueue_dma source(%dma_start3A_45 : memref<624x64xf32, #tpu.memory_space<hbm>>) target(%dma_start3A_43 : memref<624x64xf32, #tpu.memory_space<vmem_shared>>) target_semaphore(%run_scoped3A : memref<!tpu.dma_semaphore, #tpu.memory_space<semaphore_mem>>)
      %dma_wait3A = arith.constant 0 : i32
      %dma_wait3A_46 = tpu.memref_slice %arg12[%mul3A_28, %dma_wait3A] : memref<10000x64xf32, #tpu.memory_space<vmem_shared>> -> memref<624x64xf32, #tpu.memory_space<vmem_shared>>
      %dma_wait3A_47 = arith.constant 0 : i32
      %dma_wait3A_48 = tpu.memref_slice %arg2[%mul3A_26, %dma_wait3A_47] : memref<10000x64xf32, #tpu.memory_space<hbm>> -> memref<624x64xf32, #tpu.memory_space<hbm>>
      tpu.wait_dma2 semaphore(%run_scoped3A : memref<!tpu.dma_semaphore, #tpu.memory_space<semaphore_mem>>) src(%dma_wait3A_48 : memref<624x64xf32, #tpu.memory_space<hbm>>) dst(%dma_wait3A_46 : memref<624x64xf32, #tpu.memory_space<vmem_shared>>)
      tpu.yield
    }) : () -> ()
    %eq3A = arith.constant 15 : i32
    %eq3A_29 = arith.cmpi eq, %arg1, %eq3A : i32
    %convert_element_type3A = arith.extui %eq3A_29 : i1 to i32
    %cond3A = arith.constant 0 : i32
    %cond3A_30 = arith.cmpi ne, %convert_element_type3A, %cond3A : i32
    scf.if %cond3A_30 {
      "tpu.region"() ({
        %run_scoped3A = tpu.sem_alloc : memref<!tpu.dma_semaphore, #tpu.memory_space<semaphore_mem>>
        %dma_start3A = arith.constant 9984 : i32
        %dma_start3A_43 = arith.constant 0 : i32
        %dma_start3A_44 = tpu.memref_slice %arg11[%dma_start3A, %dma_start3A_43] : memref<10000x64xf32, #tpu.memory_space<vmem_shared>> -> memref<16x64xf32, #tpu.memory_space<vmem_shared>>
        %dma_start3A_45 = arith.constant 9984 : i32
        %dma_start3A_46 = arith.constant 0 : i32
        %dma_start3A_47 = tpu.memref_slice %arg5[%dma_start3A_45, %dma_start3A_46] : memref<10000x64xf32, #tpu.memory_space<hbm>> -> memref<16x64xf32, #tpu.memory_space<hbm>>
        tpu.enqueue_dma source(%dma_start3A_47 : memref<16x64xf32, #tpu.memory_space<hbm>>) target(%dma_start3A_44 : memref<16x64xf32, #tpu.memory_space<vmem_shared>>) target_semaphore(%run_scoped3A : memref<!tpu.dma_semaphore, #tpu.memory_space<semaphore_mem>>)
        %dma_wait3A = arith.constant 9984 : i32
        %dma_wait3A_48 = arith.constant 0 : i32
        %dma_wait3A_49 = tpu.memref_slice %arg11[%dma_wait3A, %dma_wait3A_48] : memref<10000x64xf32, #tpu.memory_space<vmem_shared>> -> memref<16x64xf32, #tpu.memory_space<vmem_shared>>
        %dma_wait3A_50 = arith.constant 9984 : i32
        %dma_wait3A_51 = arith.constant 0 : i32
        %dma_wait3A_52 = tpu.memref_slice %arg5[%dma_wait3A_50, %dma_wait3A_51] : memref<10000x64xf32, #tpu.memory_space<hbm>> -> memref<16x64xf32, #tpu.memory_space<hbm>>
        tpu.wait_dma2 semaphore(%run_scoped3A : memref<!tpu.dma_semaphore, #tpu.memory_space<semaphore_mem>>) src(%dma_wait3A_52 : memref<16x64xf32, #tpu.memory_space<hbm>>) dst(%dma_wait3A_49 : memref<16x64xf32, #tpu.memory_space<vmem_shared>>)
        tpu.yield
      }) : () -> ()
      "tpu.region"() ({
        %run_scoped3A = tpu.sem_alloc : memref<!tpu.dma_semaphore, #tpu.memory_space<semaphore_mem>>
        %dma_start3A = arith.constant 9984 : i32
        %dma_start3A_43 = arith.constant 0 : i32
        %dma_start3A_44 = tpu.memref_slice %arg12[%dma_start3A, %dma_start3A_43] : memref<10000x64xf32, #tpu.memory_space<vmem_shared>> -> memref<16x64xf32, #tpu.memory_space<vmem_shared>>
        %dma_start3A_45 = arith.constant 9984 : i32
        %dma_start3A_46 = arith.constant 0 : i32
        %dma_start3A_47 = tpu.memref_slice %arg2[%dma_start3A_45, %dma_start3A_46] : memref<10000x64xf32, #tpu.memory_space<hbm>> -> memref<16x64xf32, #tpu.memory_space<hbm>>
        tpu.enqueue_dma source(%dma_start3A_47 : memref<16x64xf32, #tpu.memory_space<hbm>>) target(%dma_start3A_44 : memref<16x64xf32, #tpu.memory_space<vmem_shared>>) target_semaphore(%run_scoped3A : memref<!tpu.dma_semaphore, #tpu.memory_space<semaphore_mem>>)
        %dma_wait3A = arith.constant 9984 : i32
        %dma_wait3A_48 = arith.constant 0 : i32
        %dma_wait3A_49 = tpu.memref_slice %arg12[%dma_wait3A, %dma_wait3A_48] : memref<10000x64xf32, #tpu.memory_space<vmem_shared>> -> memref<16x64xf32, #tpu.memory_space<vmem_shared>>
        %dma_wait3A_50 = arith.constant 9984 : i32
        %dma_wait3A_51 = arith.constant 0 : i32
        %dma_wait3A_52 = tpu.memref_slice %arg2[%dma_wait3A_50, %dma_wait3A_51] : memref<10000x64xf32, #tpu.memory_space<hbm>> -> memref<16x64xf32, #tpu.memory_space<hbm>>
        tpu.wait_dma2 semaphore(%run_scoped3A : memref<!tpu.dma_semaphore, #tpu.memory_space<semaphore_mem>>) src(%dma_wait3A_52 : memref<16x64xf32, #tpu.memory_space<hbm>>) dst(%dma_wait3A_49 : memref<16x64xf32, #tpu.memory_space<vmem_shared>>)
        tpu.yield
      }) : () -> ()
    } else {
    }
    %barrier3A = arith.constant 0 : index
    tpu.barrier barrier_id(%barrier3A)
    %scan3A = arith.constant 0 : i32
    %scan3A_31 = arith.constant 40 : i32
    %scan3A_32 = arith.addi %scan3A, %scan3A_31 : i32
    %scan3A_33 = arith.constant 1 : i32
    scf.for %scan3A_43 = %scan3A to %scan3A_32 step %scan3A_33  : i32 {
      %mul3A_44 = arith.constant 2 : i32
      %mul3A_45 = arith.muli %scan3A_43, %mul3A_44 : i32
      %add3A_46 = arith.constant 0 : i32
      %add3A_47 = arith.addi %mul3A_45, %add3A_46 : i32
      %mul3A_48 = arith.constant 32 : i32
      %mul3A_49 = arith.muli %add3A_47, %mul3A_48 : i32
      %add3A_50 = arith.addi %add3A, %mul3A_49 : i32
      %lt3A = arith.constant 2500 : i32
      %lt3A_51 = arith.cmpi slt, %add3A_50, %lt3A : i32
      %convert_element_type3A_52 = arith.extui %lt3A_51 : i1 to i32
      %cond3A_53 = arith.constant 0 : i32
      %cond3A_54 = arith.cmpi ne, %convert_element_type3A_52, %cond3A_53 : i32
      scf.if %cond3A_54 {
        %mul3A_91 = arith.constant 128 : i32
        %mul3A_92 = arith.muli %add3A_50, %mul3A_91 : i32
        %run_scoped3A = arith.constant 0 : i32
        "tpu.region"() ({
          %run_scoped3A_105 = tpu.sem_alloc : memref<!tpu.dma_semaphore, #tpu.memory_space<semaphore_mem>>
          %dma_start3A_106 = arith.constant 0 : i32
          %dma_start3A_107 = tpu.memref_slice %arg13[%run_scoped3A, %dma_start3A_106] : memref<1x128xi32, #tpu.memory_space<vmem>> -> memref<1x128xi32, #tpu.memory_space<vmem>>
          %dma_start3A_108 = tpu.memref_squeeze %dma_start3A_107 : memref<1x128xi32, #tpu.memory_space<vmem>> -> memref<128xi32, #tpu.memory_space<vmem>>
          %dma_start3A_109 = tpu.memref_slice %arg3[%mul3A_92] : memref<320000xi32, #tpu.memory_space<hbm>> -> memref<128xi32, #tpu.memory_space<hbm>>
          %dma_start3A_110 = arith.constant 0 : i32
          %dma_start3A_111 = tpu.memref_slice %arg13[%run_scoped3A, %dma_start3A_110] : memref<1x128xi32, #tpu.memory_space<vmem>> -> memref<1x128xi32, #tpu.memory_space<vmem>>
          %dma_start3A_112 = tpu.memref_squeeze %dma_start3A_111 : memref<1x128xi32, #tpu.memory_space<vmem>> -> memref<128xi32, #tpu.memory_space<vmem>>
          %dma_start3A_113 = tpu.memref_slice %arg3[%mul3A_92] : memref<320000xi32, #tpu.memory_space<hbm>> -> memref<128xi32, #tpu.memory_space<hbm>>
          tpu.enqueue_dma source(%dma_start3A_113 : memref<128xi32, #tpu.memory_space<hbm>>) target(%dma_start3A_112 : memref<128xi32, #tpu.memory_space<vmem>>) target_semaphore(%run_scoped3A_105 : memref<!tpu.dma_semaphore, #tpu.memory_space<semaphore_mem>>)
          %dma_wait3A = arith.constant 0 : i32
          %dma_wait3A_114 = tpu.memref_slice %arg13[%run_scoped3A, %dma_wait3A] : memref<1x128xi32, #tpu.memory_space<vmem>> -> memref<1x128xi32, #tpu.memory_space<vmem>>
          %dma_wait3A_115 = tpu.memref_squeeze %dma_wait3A_114 : memref<1x128xi32, #tpu.memory_space<vmem>> -> memref<128xi32, #tpu.memory_space<vmem>>
          %dma_wait3A_116 = tpu.memref_slice %arg3[%mul3A_92] : memref<320000xi32, #tpu.memory_space<hbm>> -> memref<128xi32, #tpu.memory_space<hbm>>
          %dma_wait3A_117 = arith.constant 0 : i32
          %dma_wait3A_118 = tpu.memref_slice %arg13[%run_scoped3A, %dma_wait3A_117] : memref<1x128xi32, #tpu.memory_space<vmem>> -> memref<1x128xi32, #tpu.memory_space<vmem>>
          %dma_wait3A_119 = tpu.memref_squeeze %dma_wait3A_118 : memref<1x128xi32, #tpu.memory_space<vmem>> -> memref<128xi32, #tpu.memory_space<vmem>>
          %dma_wait3A_120 = tpu.memref_slice %arg3[%mul3A_92] : memref<320000xi32, #tpu.memory_space<hbm>> -> memref<128xi32, #tpu.memory_space<hbm>>
          tpu.wait_dma2 semaphore(%run_scoped3A_105 : memref<!tpu.dma_semaphore, #tpu.memory_space<semaphore_mem>>) src(%dma_wait3A_120 : memref<128xi32, #tpu.memory_space<hbm>>) dst(%dma_wait3A_119 : memref<128xi32, #tpu.memory_space<vmem>>)
          tpu.yield
        }) : () -> ()
        %run_scoped3A_93 = arith.constant 0 : i32
        "tpu.region"() ({
          %run_scoped3A_105 = tpu.sem_alloc : memref<!tpu.dma_semaphore, #tpu.memory_space<semaphore_mem>>
          %dma_start3A_106 = arith.constant 0 : i32
          %dma_start3A_107 = tpu.memref_slice %arg15[%run_scoped3A_93, %dma_start3A_106] : memref<1x128xi32, #tpu.memory_space<vmem>> -> memref<1x128xi32, #tpu.memory_space<vmem>>
          %dma_start3A_108 = tpu.memref_squeeze %dma_start3A_107 : memref<1x128xi32, #tpu.memory_space<vmem>> -> memref<128xi32, #tpu.memory_space<vmem>>
          %dma_start3A_109 = tpu.memref_slice %arg4[%mul3A_92] : memref<320000xi32, #tpu.memory_space<hbm>> -> memref<128xi32, #tpu.memory_space<hbm>>
          %dma_start3A_110 = arith.constant 0 : i32
          %dma_start3A_111 = tpu.memref_slice %arg15[%run_scoped3A_93, %dma_start3A_110] : memref<1x128xi32, #tpu.memory_space<vmem>> -> memref<1x128xi32, #tpu.memory_space<vmem>>
          %dma_start3A_112 = tpu.memref_squeeze %dma_start3A_111 : memref<1x128xi32, #tpu.memory_space<vmem>> -> memref<128xi32, #tpu.memory_space<vmem>>
          %dma_start3A_113 = tpu.memref_slice %arg4[%mul3A_92] : memref<320000xi32, #tpu.memory_space<hbm>> -> memref<128xi32, #tpu.memory_space<hbm>>
          tpu.enqueue_dma source(%dma_start3A_113 : memref<128xi32, #tpu.memory_space<hbm>>) target(%dma_start3A_112 : memref<128xi32, #tpu.memory_space<vmem>>) target_semaphore(%run_scoped3A_105 : memref<!tpu.dma_semaphore, #tpu.memory_space<semaphore_mem>>)
          %dma_wait3A = arith.constant 0 : i32
          %dma_wait3A_114 = tpu.memref_slice %arg15[%run_scoped3A_93, %dma_wait3A] : memref<1x128xi32, #tpu.memory_space<vmem>> -> memref<1x128xi32, #tpu.memory_space<vmem>>
          %dma_wait3A_115 = tpu.memref_squeeze %dma_wait3A_114 : memref<1x128xi32, #tpu.memory_space<vmem>> -> memref<128xi32, #tpu.memory_space<vmem>>
          %dma_wait3A_116 = tpu.memref_slice %arg4[%mul3A_92] : memref<320000xi32, #tpu.memory_space<hbm>> -> memref<128xi32, #tpu.memory_space<hbm>>
          %dma_wait3A_117 = arith.constant 0 : i32
          %dma_wait3A_118 = tpu.memref_slice %arg15[%run_scoped3A_93, %dma_wait3A_117] : memref<1x128xi32, #tpu.memory_space<vmem>> -> memref<1x128xi32, #tpu.memory_space<vmem>>
          %dma_wait3A_119 = tpu.memref_squeeze %dma_wait3A_118 : memref<1x128xi32, #tpu.memory_space<vmem>> -> memref<128xi32, #tpu.memory_space<vmem>>
          %dma_wait3A_120 = tpu.memref_slice %arg4[%mul3A_92] : memref<320000xi32, #tpu.memory_space<hbm>> -> memref<128xi32, #tpu.memory_space<hbm>>
          tpu.wait_dma2 semaphore(%run_scoped3A_105 : memref<!tpu.dma_semaphore, #tpu.memory_space<semaphore_mem>>) src(%dma_wait3A_120 : memref<128xi32, #tpu.memory_space<hbm>>) dst(%dma_wait3A_119 : memref<128xi32, #tpu.memory_space<vmem>>)
          tpu.yield
        }) : () -> ()
        %dma_start3A = arith.constant 0 : i32
        %dma_start3A_94 = arith.constant 0 : i32
        %dma_start3A_95 = arith.constant 0 : i32
        %dma_start3A_96 = arith.constant 0 : i32
        %dma_start3A_97 = tpu.memref_slice %arg17[%dma_start3A_94, %dma_start3A_95, %dma_start3A_96] : memref<1x128x64xf32, #tpu.memory_space<vmem>> -> memref<1x128x64xf32, #tpu.memory_space<vmem>>
        %dma_start3A_98 = tpu.memref_squeeze %dma_start3A_97 : memref<1x128x64xf32, #tpu.memory_space<vmem>> -> memref<128x64xf32, #tpu.memory_space<vmem>>
        %dma_start3A_99 = arith.constant 0 : i32
        %dma_start3A_100 = tpu.memref_slice %arg13[%dma_start3A, %dma_start3A_99] : memref<1x128xi32, #tpu.memory_space<vmem>> -> memref<1x128xi32, #tpu.memory_space<vmem>>
        %dma_start3A_101 = tpu.memref_squeeze %dma_start3A_100 : memref<1x128xi32, #tpu.memory_space<vmem>> -> memref<128xi32, #tpu.memory_space<vmem>>
        %dma_start3A_102 = arith.constant 0 : i32
        %dma_start3A_103 = arith.constant 0 : i32
        %dma_start3A_104 = tpu.memref_slice %arg12[%dma_start3A_102, %dma_start3A_103] : memref<10000x64xf32, #tpu.memory_space<vmem_shared>> -> memref<10000x64xf32, #tpu.memory_space<vmem_shared>>
        tpu.enqueue_indirect_dma source(%dma_start3A_104 : memref<10000x64xf32, #tpu.memory_space<vmem_shared>>) target(%dma_start3A_98 : memref<128x64xf32, #tpu.memory_space<vmem>>) offsets(%dma_start3A_101 : memref<128xi32, #tpu.memory_space<vmem>>) semaphore(%arg19 : memref<!tpu.dma_semaphore, #tpu.memory_space<semaphore_mem>>)
      } else {
      }
      %mul3A_55 = arith.constant 2 : i32
      %mul3A_56 = arith.muli %scan3A_43, %mul3A_55 : i32
      %add3A_57 = arith.constant 1 : i32
      %add3A_58 = arith.addi %mul3A_56, %add3A_57 : i32
      %mul3A_59 = arith.constant 32 : i32
      %mul3A_60 = arith.muli %add3A_58, %mul3A_59 : i32
      %add3A_61 = arith.addi %add3A, %mul3A_60 : i32
      %lt3A_62 = arith.constant 2500 : i32
      %lt3A_63 = arith.cmpi slt, %add3A_61, %lt3A_62 : i32
      %convert_element_type3A_64 = arith.extui %lt3A_63 : i1 to i32
      %cond3A_65 = arith.constant 0 : i32
      %cond3A_66 = arith.cmpi ne, %convert_element_type3A_64, %cond3A_65 : i32
      scf.if %cond3A_66 {
        %mul3A_91 = arith.constant 128 : i32
        %mul3A_92 = arith.muli %add3A_61, %mul3A_91 : i32
        %run_scoped3A = arith.constant 0 : i32
        "tpu.region"() ({
          %run_scoped3A_105 = tpu.sem_alloc : memref<!tpu.dma_semaphore, #tpu.memory_space<semaphore_mem>>
          %dma_start3A_106 = arith.constant 0 : i32
          %dma_start3A_107 = tpu.memref_slice %arg14[%run_scoped3A, %dma_start3A_106] : memref<1x128xi32, #tpu.memory_space<vmem>> -> memref<1x128xi32, #tpu.memory_space<vmem>>
          %dma_start3A_108 = tpu.memref_squeeze %dma_start3A_107 : memref<1x128xi32, #tpu.memory_space<vmem>> -> memref<128xi32, #tpu.memory_space<vmem>>
          %dma_start3A_109 = tpu.memref_slice %arg3[%mul3A_92] : memref<320000xi32, #tpu.memory_space<hbm>> -> memref<128xi32, #tpu.memory_space<hbm>>
          %dma_start3A_110 = arith.constant 0 : i32
          %dma_start3A_111 = tpu.memref_slice %arg14[%run_scoped3A, %dma_start3A_110] : memref<1x128xi32, #tpu.memory_space<vmem>> -> memref<1x128xi32, #tpu.memory_space<vmem>>
          %dma_start3A_112 = tpu.memref_squeeze %dma_start3A_111 : memref<1x128xi32, #tpu.memory_space<vmem>> -> memref<128xi32, #tpu.memory_space<vmem>>
          %dma_start3A_113 = tpu.memref_slice %arg3[%mul3A_92] : memref<320000xi32, #tpu.memory_space<hbm>> -> memref<128xi32, #tpu.memory_space<hbm>>
          tpu.enqueue_dma source(%dma_start3A_113 : memref<128xi32, #tpu.memory_space<hbm>>) target(%dma_start3A_112 : memref<128xi32, #tpu.memory_space<vmem>>) target_semaphore(%run_scoped3A_105 : memref<!tpu.dma_semaphore, #tpu.memory_space<semaphore_mem>>)
          %dma_wait3A = arith.constant 0 : i32
          %dma_wait3A_114 = tpu.memref_slice %arg14[%run_scoped3A, %dma_wait3A] : memref<1x128xi32, #tpu.memory_space<vmem>> -> memref<1x128xi32, #tpu.memory_space<vmem>>
          %dma_wait3A_115 = tpu.memref_squeeze %dma_wait3A_114 : memref<1x128xi32, #tpu.memory_space<vmem>> -> memref<128xi32, #tpu.memory_space<vmem>>
          %dma_wait3A_116 = tpu.memref_slice %arg3[%mul3A_92] : memref<320000xi32, #tpu.memory_space<hbm>> -> memref<128xi32, #tpu.memory_space<hbm>>
          %dma_wait3A_117 = arith.constant 0 : i32
          %dma_wait3A_118 = tpu.memref_slice %arg14[%run_scoped3A, %dma_wait3A_117] : memref<1x128xi32, #tpu.memory_space<vmem>> -> memref<1x128xi32, #tpu.memory_space<vmem>>
          %dma_wait3A_119 = tpu.memref_squeeze %dma_wait3A_118 : memref<1x128xi32, #tpu.memory_space<vmem>> -> memref<128xi32, #tpu.memory_space<vmem>>
          %dma_wait3A_120 = tpu.memref_slice %arg3[%mul3A_92] : memref<320000xi32, #tpu.memory_space<hbm>> -> memref<128xi32, #tpu.memory_space<hbm>>
          tpu.wait_dma2 semaphore(%run_scoped3A_105 : memref<!tpu.dma_semaphore, #tpu.memory_space<semaphore_mem>>) src(%dma_wait3A_120 : memref<128xi32, #tpu.memory_space<hbm>>) dst(%dma_wait3A_119 : memref<128xi32, #tpu.memory_space<vmem>>)
          tpu.yield
        }) : () -> ()
        %run_scoped3A_93 = arith.constant 0 : i32
        "tpu.region"() ({
          %run_scoped3A_105 = tpu.sem_alloc : memref<!tpu.dma_semaphore, #tpu.memory_space<semaphore_mem>>
          %dma_start3A_106 = arith.constant 0 : i32
          %dma_start3A_107 = tpu.memref_slice %arg16[%run_scoped3A_93, %dma_start3A_106] : memref<1x128xi32, #tpu.memory_space<vmem>> -> memref<1x128xi32, #tpu.memory_space<vmem>>
          %dma_start3A_108 = tpu.memref_squeeze %dma_start3A_107 : memref<1x128xi32, #tpu.memory_space<vmem>> -> memref<128xi32, #tpu.memory_space<vmem>>
          %dma_start3A_109 = tpu.memref_slice %arg4[%mul3A_92] : memref<320000xi32, #tpu.memory_space<hbm>> -> memref<128xi32, #tpu.memory_space<hbm>>
          %dma_start3A_110 = arith.constant 0 : i32
          %dma_start3A_111 = tpu.memref_slice %arg16[%run_scoped3A_93, %dma_start3A_110] : memref<1x128xi32, #tpu.memory_space<vmem>> -> memref<1x128xi32, #tpu.memory_space<vmem>>
          %dma_start3A_112 = tpu.memref_squeeze %dma_start3A_111 : memref<1x128xi32, #tpu.memory_space<vmem>> -> memref<128xi32, #tpu.memory_space<vmem>>
          %dma_start3A_113 = tpu.memref_slice %arg4[%mul3A_92] : memref<320000xi32, #tpu.memory_space<hbm>> -> memref<128xi32, #tpu.memory_space<hbm>>
          tpu.enqueue_dma source(%dma_start3A_113 : memref<128xi32, #tpu.memory_space<hbm>>) target(%dma_start3A_112 : memref<128xi32, #tpu.memory_space<vmem>>) target_semaphore(%run_scoped3A_105 : memref<!tpu.dma_semaphore, #tpu.memory_space<semaphore_mem>>)
          %dma_wait3A = arith.constant 0 : i32
          %dma_wait3A_114 = tpu.memref_slice %arg16[%run_scoped3A_93, %dma_wait3A] : memref<1x128xi32, #tpu.memory_space<vmem>> -> memref<1x128xi32, #tpu.memory_space<vmem>>
          %dma_wait3A_115 = tpu.memref_squeeze %dma_wait3A_114 : memref<1x128xi32, #tpu.memory_space<vmem>> -> memref<128xi32, #tpu.memory_space<vmem>>
          %dma_wait3A_116 = tpu.memref_slice %arg4[%mul3A_92] : memref<320000xi32, #tpu.memory_space<hbm>> -> memref<128xi32, #tpu.memory_space<hbm>>
          %dma_wait3A_117 = arith.constant 0 : i32
          %dma_wait3A_118 = tpu.memref_slice %arg16[%run_scoped3A_93, %dma_wait3A_117] : memref<1x128xi32, #tpu.memory_space<vmem>> -> memref<1x128xi32, #tpu.memory_space<vmem>>
          %dma_wait3A_119 = tpu.memref_squeeze %dma_wait3A_118 : memref<1x128xi32, #tpu.memory_space<vmem>> -> memref<128xi32, #tpu.memory_space<vmem>>
          %dma_wait3A_120 = tpu.memref_slice %arg4[%mul3A_92] : memref<320000xi32, #tpu.memory_space<hbm>> -> memref<128xi32, #tpu.memory_space<hbm>>
          tpu.wait_dma2 semaphore(%run_scoped3A_105 : memref<!tpu.dma_semaphore, #tpu.memory_space<semaphore_mem>>) src(%dma_wait3A_120 : memref<128xi32, #tpu.memory_space<hbm>>) dst(%dma_wait3A_119 : memref<128xi32, #tpu.memory_space<vmem>>)
          tpu.yield
        }) : () -> ()
        %dma_start3A = arith.constant 0 : i32
        %dma_start3A_94 = arith.constant 0 : i32
        %dma_start3A_95 = arith.constant 0 : i32
        %dma_start3A_96 = arith.constant 0 : i32
        %dma_start3A_97 = tpu.memref_slice %arg18[%dma_start3A_94, %dma_start3A_95, %dma_start3A_96] : memref<1x128x64xf32, #tpu.memory_space<vmem>> -> memref<1x128x64xf32, #tpu.memory_space<vmem>>
        %dma_start3A_98 = tpu.memref_squeeze %dma_start3A_97 : memref<1x128x64xf32, #tpu.memory_space<vmem>> -> memref<128x64xf32, #tpu.memory_space<vmem>>
        %dma_start3A_99 = arith.constant 0 : i32
        %dma_start3A_100 = tpu.memref_slice %arg14[%dma_start3A, %dma_start3A_99] : memref<1x128xi32, #tpu.memory_space<vmem>> -> memref<1x128xi32, #tpu.memory_space<vmem>>
        %dma_start3A_101 = tpu.memref_squeeze %dma_start3A_100 : memref<1x128xi32, #tpu.memory_space<vmem>> -> memref<128xi32, #tpu.memory_space<vmem>>
        %dma_start3A_102 = arith.constant 0 : i32
        %dma_start3A_103 = arith.constant 0 : i32
        %dma_start3A_104 = tpu.memref_slice %arg12[%dma_start3A_102, %dma_start3A_103] : memref<10000x64xf32, #tpu.memory_space<vmem_shared>> -> memref<10000x64xf32, #tpu.memory_space<vmem_shared>>
        tpu.enqueue_indirect_dma source(%dma_start3A_104 : memref<10000x64xf32, #tpu.memory_space<vmem_shared>>) target(%dma_start3A_98 : memref<128x64xf32, #tpu.memory_space<vmem>>) offsets(%dma_start3A_101 : memref<128xi32, #tpu.memory_space<vmem>>) semaphore(%arg20 : memref<!tpu.dma_semaphore, #tpu.memory_space<semaphore_mem>>)
      } else {
      }
      %mul3A_67 = arith.constant 2 : i32
      %mul3A_68 = arith.muli %scan3A_43, %mul3A_67 : i32
      %add3A_69 = arith.constant 0 : i32
      %add3A_70 = arith.addi %mul3A_68, %add3A_69 : i32
      %mul3A_71 = arith.constant 32 : i32
      %mul3A_72 = arith.muli %add3A_70, %mul3A_71 : i32
      %add3A_73 = arith.addi %add3A, %mul3A_72 : i32
      %lt3A_74 = arith.constant 2500 : i32
      %lt3A_75 = arith.cmpi slt, %add3A_73, %lt3A_74 : i32
      %convert_element_type3A_76 = arith.extui %lt3A_75 : i1 to i32
      %cond3A_77 = arith.constant 0 : i32
      %cond3A_78 = arith.cmpi ne, %convert_element_type3A_76, %cond3A_77 : i32
      scf.if %cond3A_78 {
        %dma_wait3A = arith.constant 0 : i32
        %dma_wait3A_91 = arith.constant 0 : i32
        %dma_wait3A_92 = tpu.memref_slice %arg17[%squeeze3A_9, %dma_wait3A, %dma_wait3A_91] : memref<1x128x64xf32, #tpu.memory_space<vmem>> -> memref<1x128x64xf32, #tpu.memory_space<vmem>>
        %dma_wait3A_93 = tpu.memref_squeeze %dma_wait3A_92 : memref<1x128x64xf32, #tpu.memory_space<vmem>> -> memref<128x64xf32, #tpu.memory_space<vmem>>
        %dma_wait3A_94 = arith.constant 0 : i32
        %dma_wait3A_95 = tpu.memref_slice %arg13[%squeeze3A, %dma_wait3A_94] : memref<1x128xi32, #tpu.memory_space<vmem>> -> memref<1x128xi32, #tpu.memory_space<vmem>>
        %dma_wait3A_96 = tpu.memref_squeeze %dma_wait3A_95 : memref<1x128xi32, #tpu.memory_space<vmem>> -> memref<128xi32, #tpu.memory_space<vmem>>
        %dma_wait3A_97 = arith.constant 0 : i32
        %dma_wait3A_98 = arith.constant 0 : i32
        %dma_wait3A_99 = tpu.memref_slice %arg12[%dma_wait3A_97, %dma_wait3A_98] : memref<10000x64xf32, #tpu.memory_space<vmem_shared>> -> memref<10000x64xf32, #tpu.memory_space<vmem_shared>>
        tpu.wait_indirect_dma semaphore(%arg19 : memref<!tpu.dma_semaphore, #tpu.memory_space<semaphore_mem>>) src(%dma_wait3A_99 : memref<10000x64xf32, #tpu.memory_space<vmem_shared>>) dst(%dma_wait3A_93 : memref<128x64xf32, #tpu.memory_space<vmem>>)
        %run_scoped3A = arith.constant 0 : i32
        %run_scoped3A_100 = arith.constant 0 : i32
        "tpu.region"() ({
          %run_scoped3A_101 = tpu.sem_alloc : memref<!tpu.dma_semaphore, #tpu.memory_space<semaphore_mem>>
          %dma_start3A = arith.constant 0 : i32
          %dma_start3A_102 = arith.constant 0 : i32
          %dma_start3A_103 = tpu.memref_slice %arg17[%run_scoped3A, %dma_start3A, %dma_start3A_102] : memref<1x128x64xf32, #tpu.memory_space<vmem>> -> memref<1x128x64xf32, #tpu.memory_space<vmem>>
          %dma_start3A_104 = tpu.memref_squeeze %dma_start3A_103 : memref<1x128x64xf32, #tpu.memory_space<vmem>> -> memref<128x64xf32, #tpu.memory_space<vmem>>
          %dma_start3A_105 = arith.constant 0 : i32
          %dma_start3A_106 = tpu.memref_slice %arg15[%run_scoped3A_100, %dma_start3A_105] : memref<1x128xi32, #tpu.memory_space<vmem>> -> memref<1x128xi32, #tpu.memory_space<vmem>>
          %dma_start3A_107 = tpu.memref_squeeze %dma_start3A_106 : memref<1x128xi32, #tpu.memory_space<vmem>> -> memref<128xi32, #tpu.memory_space<vmem>>
          %dma_start3A_108 = arith.constant 0 : i32
          %dma_start3A_109 = arith.constant 0 : i32
          %dma_start3A_110 = tpu.memref_slice %arg11[%dma_start3A_108, %dma_start3A_109] : memref<10000x64xf32, #tpu.memory_space<vmem_shared>> -> memref<10000x64xf32, #tpu.memory_space<vmem_shared>>
          tpu.enqueue_indirect_dma source(%dma_start3A_104 : memref<128x64xf32, #tpu.memory_space<vmem>>) target(%dma_start3A_110 : memref<10000x64xf32, #tpu.memory_space<vmem_shared>>) offsets(%dma_start3A_107 : memref<128xi32, #tpu.memory_space<vmem>>) semaphore(%run_scoped3A_101 : memref<!tpu.dma_semaphore, #tpu.memory_space<semaphore_mem>>) {add = true}
          %dma_wait3A_111 = arith.constant 0 : i32
          %dma_wait3A_112 = arith.constant 0 : i32
          %dma_wait3A_113 = tpu.memref_slice %arg17[%run_scoped3A, %dma_wait3A_111, %dma_wait3A_112] : memref<1x128x64xf32, #tpu.memory_space<vmem>> -> memref<1x128x64xf32, #tpu.memory_space<vmem>>
          %dma_wait3A_114 = tpu.memref_squeeze %dma_wait3A_113 : memref<1x128x64xf32, #tpu.memory_space<vmem>> -> memref<128x64xf32, #tpu.memory_space<vmem>>
          %dma_wait3A_115 = arith.constant 0 : i32
          %dma_wait3A_116 = tpu.memref_slice %arg15[%run_scoped3A_100, %dma_wait3A_115] : memref<1x128xi32, #tpu.memory_space<vmem>> -> memref<1x128xi32, #tpu.memory_space<vmem>>
          %dma_wait3A_117 = tpu.memref_squeeze %dma_wait3A_116 : memref<1x128xi32, #tpu.memory_space<vmem>> -> memref<128xi32, #tpu.memory_space<vmem>>
          %dma_wait3A_118 = arith.constant 0 : i32
          %dma_wait3A_119 = arith.constant 0 : i32
          %dma_wait3A_120 = tpu.memref_slice %arg11[%dma_wait3A_118, %dma_wait3A_119] : memref<10000x64xf32, #tpu.memory_space<vmem_shared>> -> memref<10000x64xf32, #tpu.memory_space<vmem_shared>>
          tpu.wait_indirect_dma semaphore(%run_scoped3A_101 : memref<!tpu.dma_semaphore, #tpu.memory_space<semaphore_mem>>) src(%dma_wait3A_114 : memref<128x64xf32, #tpu.memory_space<vmem>>) dst(%dma_wait3A_120 : memref<10000x64xf32, #tpu.memory_space<vmem_shared>>)
          tpu.yield
        }) : () -> ()
      } else {
      }
      %mul3A_79 = arith.constant 2 : i32
      %mul3A_80 = arith.muli %scan3A_43, %mul3A_79 : i32
      %add3A_81 = arith.constant 1 : i32
      %add3A_82 = arith.addi %mul3A_80, %add3A_81 : i32
      %mul3A_83 = arith.constant 32 : i32
      %mul3A_84 = arith.muli %add3A_82, %mul3A_83 : i32
      %add3A_85 = arith.addi %add3A, %mul3A_84 : i32
      %lt3A_86 = arith.constant 2500 : i32
      %lt3A_87 = arith.cmpi slt, %add3A_85, %lt3A_86 : i32
      %convert_element_type3A_88 = arith.extui %lt3A_87 : i1 to i32
      %cond3A_89 = arith.constant 0 : i32
      %cond3A_90 = arith.cmpi ne, %convert_element_type3A_88, %cond3A_89 : i32
      scf.if %cond3A_90 {
        %dma_wait3A = arith.constant 0 : i32
        %dma_wait3A_91 = arith.constant 0 : i32
        %dma_wait3A_92 = tpu.memref_slice %arg18[%squeeze3A_19, %dma_wait3A, %dma_wait3A_91] : memref<1x128x64xf32, #tpu.memory_space<vmem>> -> memref<1x128x64xf32, #tpu.memory_space<vmem>>
        %dma_wait3A_93 = tpu.memref_squeeze %dma_wait3A_92 : memref<1x128x64xf32, #tpu.memory_space<vmem>> -> memref<128x64xf32, #tpu.memory_space<vmem>>
        %dma_wait3A_94 = arith.constant 0 : i32
        %dma_wait3A_95 = tpu.memref_slice %arg14[%squeeze3A_14, %dma_wait3A_94] : memref<1x128xi32, #tpu.memory_space<vmem>> -> memref<1x128xi32, #tpu.memory_space<vmem>>
        %dma_wait3A_96 = tpu.memref_squeeze %dma_wait3A_95 : memref<1x128xi32, #tpu.memory_space<vmem>> -> memref<128xi32, #tpu.memory_space<vmem>>
        %dma_wait3A_97 = arith.constant 0 : i32
        %dma_wait3A_98 = arith.constant 0 : i32
        %dma_wait3A_99 = tpu.memref_slice %arg12[%dma_wait3A_97, %dma_wait3A_98] : memref<10000x64xf32, #tpu.memory_space<vmem_shared>> -> memref<10000x64xf32, #tpu.memory_space<vmem_shared>>
        tpu.wait_indirect_dma semaphore(%arg20 : memref<!tpu.dma_semaphore, #tpu.memory_space<semaphore_mem>>) src(%dma_wait3A_99 : memref<10000x64xf32, #tpu.memory_space<vmem_shared>>) dst(%dma_wait3A_93 : memref<128x64xf32, #tpu.memory_space<vmem>>)
        %run_scoped3A = arith.constant 0 : i32
        %run_scoped3A_100 = arith.constant 0 : i32
        "tpu.region"() ({
          %run_scoped3A_101 = tpu.sem_alloc : memref<!tpu.dma_semaphore, #tpu.memory_space<semaphore_mem>>
          %dma_start3A = arith.constant 0 : i32
          %dma_start3A_102 = arith.constant 0 : i32
          %dma_start3A_103 = tpu.memref_slice %arg18[%run_scoped3A, %dma_start3A, %dma_start3A_102] : memref<1x128x64xf32, #tpu.memory_space<vmem>> -> memref<1x128x64xf32, #tpu.memory_space<vmem>>
          %dma_start3A_104 = tpu.memref_squeeze %dma_start3A_103 : memref<1x128x64xf32, #tpu.memory_space<vmem>> -> memref<128x64xf32, #tpu.memory_space<vmem>>
          %dma_start3A_105 = arith.constant 0 : i32
          %dma_start3A_106 = tpu.memref_slice %arg16[%run_scoped3A_100, %dma_start3A_105] : memref<1x128xi32, #tpu.memory_space<vmem>> -> memref<1x128xi32, #tpu.memory_space<vmem>>
          %dma_start3A_107 = tpu.memref_squeeze %dma_start3A_106 : memref<1x128xi32, #tpu.memory_space<vmem>> -> memref<128xi32, #tpu.memory_space<vmem>>
          %dma_start3A_108 = arith.constant 0 : i32
          %dma_start3A_109 = arith.constant 0 : i32
          %dma_start3A_110 = tpu.memref_slice %arg11[%dma_start3A_108, %dma_start3A_109] : memref<10000x64xf32, #tpu.memory_space<vmem_shared>> -> memref<10000x64xf32, #tpu.memory_space<vmem_shared>>
          tpu.enqueue_indirect_dma source(%dma_start3A_104 : memref<128x64xf32, #tpu.memory_space<vmem>>) target(%dma_start3A_110 : memref<10000x64xf32, #tpu.memory_space<vmem_shared>>) offsets(%dma_start3A_107 : memref<128xi32, #tpu.memory_space<vmem>>) semaphore(%run_scoped3A_101 : memref<!tpu.dma_semaphore, #tpu.memory_space<semaphore_mem>>) {add = true}
          %dma_wait3A_111 = arith.constant 0 : i32
          %dma_wait3A_112 = arith.constant 0 : i32
          %dma_wait3A_113 = tpu.memref_slice %arg18[%run_scoped3A, %dma_wait3A_111, %dma_wait3A_112] : memref<1x128x64xf32, #tpu.memory_space<vmem>> -> memref<1x128x64xf32, #tpu.memory_space<vmem>>
          %dma_wait3A_114 = tpu.memref_squeeze %dma_wait3A_113 : memref<1x128x64xf32, #tpu.memory_space<vmem>> -> memref<128x64xf32, #tpu.memory_space<vmem>>
          %dma_wait3A_115 = arith.constant 0 : i32
          %dma_wait3A_116 = tpu.memref_slice %arg16[%run_scoped3A_100, %dma_wait3A_115] : memref<1x128xi32, #tpu.memory_space<vmem>> -> memref<1x128xi32, #tpu.memory_space<vmem>>
          %dma_wait3A_117 = tpu.memref_squeeze %dma_wait3A_116 : memref<1x128xi32, #tpu.memory_space<vmem>> -> memref<128xi32, #tpu.memory_space<vmem>>
          %dma_wait3A_118 = arith.constant 0 : i32
          %dma_wait3A_119 = arith.constant 0 : i32
          %dma_wait3A_120 = tpu.memref_slice %arg11[%dma_wait3A_118, %dma_wait3A_119] : memref<10000x64xf32, #tpu.memory_space<vmem_shared>> -> memref<10000x64xf32, #tpu.memory_space<vmem_shared>>
          tpu.wait_indirect_dma semaphore(%run_scoped3A_101 : memref<!tpu.dma_semaphore, #tpu.memory_space<semaphore_mem>>) src(%dma_wait3A_114 : memref<128x64xf32, #tpu.memory_space<vmem>>) dst(%dma_wait3A_120 : memref<10000x64xf32, #tpu.memory_space<vmem_shared>>)
          tpu.yield
        }) : () -> ()
      } else {
      }
    }
    %scan3A_34 = arith.constant 40 : i32
    %barrier3A_35 = arith.constant 0 : index
    tpu.barrier barrier_id(%barrier3A_35)
    %mul3A_36 = arith.constant 624 : i32
    %mul3A_37 = arith.muli %arg1, %mul3A_36 : i32
    "tpu.region"() ({
      %run_scoped3A = tpu.sem_alloc : memref<!tpu.dma_semaphore, #tpu.memory_space<semaphore_mem>>
      %dma_start3A = arith.constant 0 : i32
      %dma_start3A_43 = arith.constant 0 : i32
      %dma_start3A_44 = tpu.memref_slice %arg10[%arg0, %dma_start3A, %dma_start3A_43] : memref<2x10000x64xf32, #tpu.memory_space<hbm>> -> memref<1x10000x64xf32, #tpu.memory_space<hbm>>
      %dma_start3A_45 = tpu.memref_squeeze %dma_start3A_44 : memref<1x10000x64xf32, #tpu.memory_space<hbm>> -> memref<10000x64xf32, #tpu.memory_space<hbm>>
      %dma_start3A_46 = arith.constant 0 : i32
      %dma_start3A_47 = tpu.memref_slice %dma_start3A_45[%mul3A_37, %dma_start3A_46] : memref<10000x64xf32, #tpu.memory_space<hbm>> -> memref<624x64xf32, #tpu.memory_space<hbm>>
      %dma_start3A_48 = arith.constant 0 : i32
      %dma_start3A_49 = tpu.memref_slice %arg11[%mul3A_37, %dma_start3A_48] : memref<10000x64xf32, #tpu.memory_space<vmem_shared>> -> memref<624x64xf32, #tpu.memory_space<vmem_shared>>
      tpu.enqueue_dma source(%dma_start3A_49 : memref<624x64xf32, #tpu.memory_space<vmem_shared>>) target(%dma_start3A_47 : memref<624x64xf32, #tpu.memory_space<hbm>>) target_semaphore(%run_scoped3A : memref<!tpu.dma_semaphore, #tpu.memory_space<semaphore_mem>>)
      %dma_wait3A = arith.constant 0 : i32
      %dma_wait3A_50 = arith.constant 0 : i32
      %dma_wait3A_51 = tpu.memref_slice %arg10[%arg0, %dma_wait3A, %dma_wait3A_50] : memref<2x10000x64xf32, #tpu.memory_space<hbm>> -> memref<1x10000x64xf32, #tpu.memory_space<hbm>>
      %dma_wait3A_52 = tpu.memref_squeeze %dma_wait3A_51 : memref<1x10000x64xf32, #tpu.memory_space<hbm>> -> memref<10000x64xf32, #tpu.memory_space<hbm>>
      %dma_wait3A_53 = arith.constant 0 : i32
      %dma_wait3A_54 = tpu.memref_slice %dma_wait3A_52[%mul3A_37, %dma_wait3A_53] : memref<10000x64xf32, #tpu.memory_space<hbm>> -> memref<624x64xf32, #tpu.memory_space<hbm>>
      %dma_wait3A_55 = arith.constant 0 : i32
      %dma_wait3A_56 = tpu.memref_slice %arg11[%mul3A_37, %dma_wait3A_55] : memref<10000x64xf32, #tpu.memory_space<vmem_shared>> -> memref<624x64xf32, #tpu.memory_space<vmem_shared>>
      tpu.wait_dma2 semaphore(%run_scoped3A : memref<!tpu.dma_semaphore, #tpu.memory_space<semaphore_mem>>) src(%dma_wait3A_56 : memref<624x64xf32, #tpu.memory_space<vmem_shared>>) dst(%dma_wait3A_54 : memref<624x64xf32, #tpu.memory_space<hbm>>)
      tpu.yield
    }) : () -> ()
    %eq3A_38 = arith.constant 15 : i32
    %eq3A_39 = arith.cmpi eq, %arg1, %eq3A_38 : i32
    %convert_element_type3A_40 = arith.extui %eq3A_39 : i1 to i32
    %cond3A_41 = arith.constant 0 : i32
    %cond3A_42 = arith.cmpi ne, %convert_element_type3A_40, %cond3A_41 : i32
    scf.if %cond3A_42 {
      "tpu.region"() ({
        %run_scoped3A = tpu.sem_alloc : memref<!tpu.dma_semaphore, #tpu.memory_space<semaphore_mem>>
        %dma_start3A = arith.constant 0 : i32
        %dma_start3A_43 = arith.constant 0 : i32
        %dma_start3A_44 = tpu.memref_slice %arg10[%arg0, %dma_start3A, %dma_start3A_43] : memref<2x10000x64xf32, #tpu.memory_space<hbm>> -> memref<1x10000x64xf32, #tpu.memory_space<hbm>>
        %dma_start3A_45 = tpu.memref_squeeze %dma_start3A_44 : memref<1x10000x64xf32, #tpu.memory_space<hbm>> -> memref<10000x64xf32, #tpu.memory_space<hbm>>
        %dma_start3A_46 = arith.constant 9984 : i32
        %dma_start3A_47 = arith.constant 0 : i32
        %dma_start3A_48 = tpu.memref_slice %dma_start3A_45[%dma_start3A_46, %dma_start3A_47] : memref<10000x64xf32, #tpu.memory_space<hbm>> -> memref<16x64xf32, #tpu.memory_space<hbm>>
        %dma_start3A_49 = arith.constant 9984 : i32
        %dma_start3A_50 = arith.constant 0 : i32
        %dma_start3A_51 = tpu.memref_slice %arg11[%dma_start3A_49, %dma_start3A_50] : memref<10000x64xf32, #tpu.memory_space<vmem_shared>> -> memref<16x64xf32, #tpu.memory_space<vmem_shared>>
        tpu.enqueue_dma source(%dma_start3A_51 : memref<16x64xf32, #tpu.memory_space<vmem_shared>>) target(%dma_start3A_48 : memref<16x64xf32, #tpu.memory_space<hbm>>) target_semaphore(%run_scoped3A : memref<!tpu.dma_semaphore, #tpu.memory_space<semaphore_mem>>)
        %dma_wait3A = arith.constant 0 : i32
        %dma_wait3A_52 = arith.constant 0 : i32
        %dma_wait3A_53 = tpu.memref_slice %arg10[%arg0, %dma_wait3A, %dma_wait3A_52] : memref<2x10000x64xf32, #tpu.memory_space<hbm>> -> memref<1x10000x64xf32, #tpu.memory_space<hbm>>
        %dma_wait3A_54 = tpu.memref_squeeze %dma_wait3A_53 : memref<1x10000x64xf32, #tpu.memory_space<hbm>> -> memref<10000x64xf32, #tpu.memory_space<hbm>>
        %dma_wait3A_55 = arith.constant 9984 : i32
        %dma_wait3A_56 = arith.constant 0 : i32
        %dma_wait3A_57 = tpu.memref_slice %dma_wait3A_54[%dma_wait3A_55, %dma_wait3A_56] : memref<10000x64xf32, #tpu.memory_space<hbm>> -> memref<16x64xf32, #tpu.memory_space<hbm>>
        %dma_wait3A_58 = arith.constant 9984 : i32
        %dma_wait3A_59 = arith.constant 0 : i32
        %dma_wait3A_60 = tpu.memref_slice %arg11[%dma_wait3A_58, %dma_wait3A_59] : memref<10000x64xf32, #tpu.memory_space<vmem_shared>> -> memref<16x64xf32, #tpu.memory_space<vmem_shared>>
        tpu.wait_dma2 semaphore(%run_scoped3A : memref<!tpu.dma_semaphore, #tpu.memory_space<semaphore_mem>>) src(%dma_wait3A_60 : memref<16x64xf32, #tpu.memory_space<vmem_shared>>) dst(%dma_wait3A_57 : memref<16x64xf32, #tpu.memory_space<hbm>>)
        tpu.yield
      }) : () -> ()
    } else {
    }
    return
  }
}

#map = affine_map<(d0, d1) -> (0, 0)>
#map1 = affine_map<(d0, d1) -> (0)>
#map2 = affine_map<(d0, d1) -> (0, 0, 0)>
module attributes {stable_mosaic.version = 14 : i64} {
  func.func @_rewritten_body(%arg0: i32, %arg1: i32, %arg2: memref<10000x128xf32, #tpu.memory_space<hbm>>, %arg3: memref<320000xi32, #tpu.memory_space<hbm>>, %arg4: memref<320000xi32, #tpu.memory_space<hbm>>, %arg5: memref<10000x128xf32, #tpu.memory_space<hbm>>, %arg6: memref<1xi32, #tpu.memory_space<hbm>>, %arg7: memref<1xi32, #tpu.memory_space<hbm>>, %arg8: memref<1xi32, #tpu.memory_space<hbm>>, %arg9: memref<1xi32, #tpu.memory_space<hbm>>, %arg10: memref<2x10000x128xf32, #tpu.memory_space<hbm>>, %arg11: memref<10000x128xf32, #tpu.memory_space<vmem_shared>>, %arg12: memref<8x128xf32, #tpu.memory_space<vmem_shared>>, %arg13: memref<1x128xi32, #tpu.memory_space<vmem>>, %arg14: memref<1x128xi32, #tpu.memory_space<vmem>>, %arg15: memref<1x128xi32, #tpu.memory_space<vmem>>, %arg16: memref<1x128xi32, #tpu.memory_space<vmem>>, %arg17: memref<1x128x128xf32, #tpu.memory_space<vmem>>, %arg18: memref<1x128x128xf32, #tpu.memory_space<vmem>>, %arg19: memref<!tpu.dma_semaphore, #tpu.memory_space<semaphore_mem>>, %arg20: memref<!tpu.dma_semaphore, #tpu.memory_space<semaphore_mem>>, %arg21: memref<!tpu.dma_semaphore, #tpu.memory_space<semaphore_mem>>, %arg22: memref<!tpu.dma_semaphore, #tpu.memory_space<semaphore_mem>>) attributes {dimension_semantics = [#tpu.dimension_semantics<core_parallel>, #tpu.dimension_semantics<subcore_parallel>], iteration_bounds = array<i64: 2, 16>, scalar_prefetch = 0 : i64, scratch_operands = 12 : i64, tpu.core_type = #tpu.core_type<sc_vector_subcore>, window_params = [{transform_indices = #map}, {transform_indices = #map1}, {transform_indices = #map1}, {transform_indices = #map}, {transform_indices = #map1}, {transform_indices = #map1}, {transform_indices = #map1}, {transform_indices = #map1}, {transform_indices = #map2}]} {
    %empty_ref3A = memref.alloca() : memref<16xi32, #tpu.memory_space<vmem>>
    %empty_ref3A_0 = memref.alloca() : memref<16xi32, #tpu.memory_space<vmem>>
    %empty_ref3A_1 = memref.alloca() : memref<16xi32, #tpu.memory_space<vmem>>
    %empty_ref3A_2 = memref.alloca() : memref<16xi32, #tpu.memory_space<vmem>>
    "tpu.region"() ({
      %run_scoped3A = tpu.sem_alloc : memref<!tpu.dma_semaphore, #tpu.memory_space<semaphore_mem>>
      %dma_start3A = arith.constant 0 : i32
      %dma_start3A_39 = tpu.memref_slice %empty_ref3A[%dma_start3A] : memref<16xi32, #tpu.memory_space<vmem>> -> memref<1xi32, #tpu.memory_space<vmem>>
      %dma_start3A_40 = arith.constant 0 : i32
      %dma_start3A_41 = tpu.memref_slice %empty_ref3A[%dma_start3A_40] : memref<16xi32, #tpu.memory_space<vmem>> -> memref<1xi32, #tpu.memory_space<vmem>>
      tpu.enqueue_dma source(%arg6 : memref<1xi32, #tpu.memory_space<hbm>>) target(%dma_start3A_41 : memref<1xi32, #tpu.memory_space<vmem>>) target_semaphore(%run_scoped3A : memref<!tpu.dma_semaphore, #tpu.memory_space<semaphore_mem>>)
      %dma_start3A_42 = arith.constant 0 : i32
      %dma_start3A_43 = tpu.memref_slice %empty_ref3A_0[%dma_start3A_42] : memref<16xi32, #tpu.memory_space<vmem>> -> memref<1xi32, #tpu.memory_space<vmem>>
      %dma_start3A_44 = arith.constant 0 : i32
      %dma_start3A_45 = tpu.memref_slice %empty_ref3A_0[%dma_start3A_44] : memref<16xi32, #tpu.memory_space<vmem>> -> memref<1xi32, #tpu.memory_space<vmem>>
      tpu.enqueue_dma source(%arg7 : memref<1xi32, #tpu.memory_space<hbm>>) target(%dma_start3A_45 : memref<1xi32, #tpu.memory_space<vmem>>) target_semaphore(%run_scoped3A : memref<!tpu.dma_semaphore, #tpu.memory_space<semaphore_mem>>)
      %dma_start3A_46 = arith.constant 0 : i32
      %dma_start3A_47 = tpu.memref_slice %empty_ref3A_1[%dma_start3A_46] : memref<16xi32, #tpu.memory_space<vmem>> -> memref<1xi32, #tpu.memory_space<vmem>>
      %dma_start3A_48 = arith.constant 0 : i32
      %dma_start3A_49 = tpu.memref_slice %empty_ref3A_1[%dma_start3A_48] : memref<16xi32, #tpu.memory_space<vmem>> -> memref<1xi32, #tpu.memory_space<vmem>>
      tpu.enqueue_dma source(%arg8 : memref<1xi32, #tpu.memory_space<hbm>>) target(%dma_start3A_49 : memref<1xi32, #tpu.memory_space<vmem>>) target_semaphore(%run_scoped3A : memref<!tpu.dma_semaphore, #tpu.memory_space<semaphore_mem>>)
      %dma_start3A_50 = arith.constant 0 : i32
      %dma_start3A_51 = tpu.memref_slice %empty_ref3A_2[%dma_start3A_50] : memref<16xi32, #tpu.memory_space<vmem>> -> memref<1xi32, #tpu.memory_space<vmem>>
      %dma_start3A_52 = arith.constant 0 : i32
      %dma_start3A_53 = tpu.memref_slice %empty_ref3A_2[%dma_start3A_52] : memref<16xi32, #tpu.memory_space<vmem>> -> memref<1xi32, #tpu.memory_space<vmem>>
      tpu.enqueue_dma source(%arg9 : memref<1xi32, #tpu.memory_space<hbm>>) target(%dma_start3A_53 : memref<1xi32, #tpu.memory_space<vmem>>) target_semaphore(%run_scoped3A : memref<!tpu.dma_semaphore, #tpu.memory_space<semaphore_mem>>)
      %dma_wait3A = arith.constant 0 : i32
      %dma_wait3A_54 = tpu.memref_slice %empty_ref3A[%dma_wait3A] : memref<16xi32, #tpu.memory_space<vmem>> -> memref<1xi32, #tpu.memory_space<vmem>>
      %dma_wait3A_55 = arith.constant 0 : i32
      %dma_wait3A_56 = tpu.memref_slice %empty_ref3A[%dma_wait3A_55] : memref<16xi32, #tpu.memory_space<vmem>> -> memref<1xi32, #tpu.memory_space<vmem>>
      tpu.wait_dma2 semaphore(%run_scoped3A : memref<!tpu.dma_semaphore, #tpu.memory_space<semaphore_mem>>) src(%arg6 : memref<1xi32, #tpu.memory_space<hbm>>) dst(%dma_wait3A_56 : memref<1xi32, #tpu.memory_space<vmem>>)
      %dma_wait3A_57 = arith.constant 0 : i32
      %dma_wait3A_58 = tpu.memref_slice %empty_ref3A_0[%dma_wait3A_57] : memref<16xi32, #tpu.memory_space<vmem>> -> memref<1xi32, #tpu.memory_space<vmem>>
      %dma_wait3A_59 = arith.constant 0 : i32
      %dma_wait3A_60 = tpu.memref_slice %empty_ref3A_0[%dma_wait3A_59] : memref<16xi32, #tpu.memory_space<vmem>> -> memref<1xi32, #tpu.memory_space<vmem>>
      tpu.wait_dma2 semaphore(%run_scoped3A : memref<!tpu.dma_semaphore, #tpu.memory_space<semaphore_mem>>) src(%arg7 : memref<1xi32, #tpu.memory_space<hbm>>) dst(%dma_wait3A_60 : memref<1xi32, #tpu.memory_space<vmem>>)
      %dma_wait3A_61 = arith.constant 0 : i32
      %dma_wait3A_62 = tpu.memref_slice %empty_ref3A_1[%dma_wait3A_61] : memref<16xi32, #tpu.memory_space<vmem>> -> memref<1xi32, #tpu.memory_space<vmem>>
      %dma_wait3A_63 = arith.constant 0 : i32
      %dma_wait3A_64 = tpu.memref_slice %empty_ref3A_1[%dma_wait3A_63] : memref<16xi32, #tpu.memory_space<vmem>> -> memref<1xi32, #tpu.memory_space<vmem>>
      tpu.wait_dma2 semaphore(%run_scoped3A : memref<!tpu.dma_semaphore, #tpu.memory_space<semaphore_mem>>) src(%arg8 : memref<1xi32, #tpu.memory_space<hbm>>) dst(%dma_wait3A_64 : memref<1xi32, #tpu.memory_space<vmem>>)
      %dma_wait3A_65 = arith.constant 0 : i32
      %dma_wait3A_66 = tpu.memref_slice %empty_ref3A_2[%dma_wait3A_65] : memref<16xi32, #tpu.memory_space<vmem>> -> memref<1xi32, #tpu.memory_space<vmem>>
      %dma_wait3A_67 = arith.constant 0 : i32
      %dma_wait3A_68 = tpu.memref_slice %empty_ref3A_2[%dma_wait3A_67] : memref<16xi32, #tpu.memory_space<vmem>> -> memref<1xi32, #tpu.memory_space<vmem>>
      tpu.wait_dma2 semaphore(%run_scoped3A : memref<!tpu.dma_semaphore, #tpu.memory_space<semaphore_mem>>) src(%arg9 : memref<1xi32, #tpu.memory_space<hbm>>) dst(%dma_wait3A_68 : memref<1xi32, #tpu.memory_space<vmem>>)
      tpu.yield
    }) : () -> ()
    %get3A = arith.constant 0 : index
    %get3A_3 = tpu.vector_load %empty_ref3A[%get3A] {strides = array<i32>} : memref<16xi32, #tpu.memory_space<vmem>>, vector<16xi32>,
    %get3A_4 = vector.shape_cast %get3A_3 : vector<16xi32> to vector<16xi32>
    %slice3A = vector.extract_strided_slice %get3A_4 {offsets = [0], sizes = [1], strides = [1]} : vector<16xi32> to vector<1xi32>
    %squeeze3A = vector.extract %slice3A[0] : i32 from vector<1xi32>
    %get3A_5 = arith.constant 0 : index
    %get3A_6 = tpu.vector_load %empty_ref3A_0[%get3A_5] {strides = array<i32>} : memref<16xi32, #tpu.memory_space<vmem>>, vector<16xi32>,
    %get3A_7 = vector.shape_cast %get3A_6 : vector<16xi32> to vector<16xi32>
    %slice3A_8 = vector.extract_strided_slice %get3A_7 {offsets = [0], sizes = [1], strides = [1]} : vector<16xi32> to vector<1xi32>
    %squeeze3A_9 = vector.extract %slice3A_8[0] : i32 from vector<1xi32>
    %get3A_10 = arith.constant 0 : index
    %get3A_11 = tpu.vector_load %empty_ref3A_1[%get3A_10] {strides = array<i32>} : memref<16xi32, #tpu.memory_space<vmem>>, vector<16xi32>,
    %get3A_12 = vector.shape_cast %get3A_11 : vector<16xi32> to vector<16xi32>
    %slice3A_13 = vector.extract_strided_slice %get3A_12 {offsets = [0], sizes = [1], strides = [1]} : vector<16xi32> to vector<1xi32>
    %squeeze3A_14 = vector.extract %slice3A_13[0] : i32 from vector<1xi32>
    %get3A_15 = arith.constant 0 : index
    %get3A_16 = tpu.vector_load %empty_ref3A_2[%get3A_15] {strides = array<i32>} : memref<16xi32, #tpu.memory_space<vmem>>, vector<16xi32>,
    %get3A_17 = vector.shape_cast %get3A_16 : vector<16xi32> to vector<16xi32>
    %slice3A_18 = vector.extract_strided_slice %get3A_17 {offsets = [0], sizes = [1], strides = [1]} : vector<16xi32> to vector<1xi32>
    %squeeze3A_19 = vector.extract %slice3A_18[0] : i32 from vector<1xi32>
    %mul3A = arith.constant 2 : i32
    %mul3A_20 = arith.muli %arg1, %mul3A : i32
    %add3A = arith.addi %mul3A_20, %arg0 : i32
    %mul3A_21 = arith.constant 624 : i32
    %mul3A_22 = arith.muli %arg1, %mul3A_21 : i32
    %mul3A_23 = arith.constant 624 : i32
    %mul3A_24 = arith.muli %arg1, %mul3A_23 : i32
    "tpu.region"() ({
      %run_scoped3A = tpu.sem_alloc : memref<!tpu.dma_semaphore, #tpu.memory_space<semaphore_mem>>
      %dma_start3A = arith.constant 0 : i32
      %dma_start3A_39 = tpu.memref_slice %arg11[%mul3A_24, %dma_start3A] : memref<10000x128xf32, #tpu.memory_space<vmem_shared>> -> memref<624x128xf32, #tpu.memory_space<vmem_shared>>
      %dma_start3A_40 = arith.constant 0 : i32
      %dma_start3A_41 = tpu.memref_slice %arg5[%mul3A_22, %dma_start3A_40] : memref<10000x128xf32, #tpu.memory_space<hbm>> -> memref<624x128xf32, #tpu.memory_space<hbm>>
      tpu.enqueue_dma source(%dma_start3A_41 : memref<624x128xf32, #tpu.memory_space<hbm>>) target(%dma_start3A_39 : memref<624x128xf32, #tpu.memory_space<vmem_shared>>) target_semaphore(%run_scoped3A : memref<!tpu.dma_semaphore, #tpu.memory_space<semaphore_mem>>)
      %dma_wait3A = arith.constant 0 : i32
      %dma_wait3A_42 = tpu.memref_slice %arg11[%mul3A_24, %dma_wait3A] : memref<10000x128xf32, #tpu.memory_space<vmem_shared>> -> memref<624x128xf32, #tpu.memory_space<vmem_shared>>
      %dma_wait3A_43 = arith.constant 0 : i32
      %dma_wait3A_44 = tpu.memref_slice %arg5[%mul3A_22, %dma_wait3A_43] : memref<10000x128xf32, #tpu.memory_space<hbm>> -> memref<624x128xf32, #tpu.memory_space<hbm>>
      tpu.wait_dma2 semaphore(%run_scoped3A : memref<!tpu.dma_semaphore, #tpu.memory_space<semaphore_mem>>) src(%dma_wait3A_44 : memref<624x128xf32, #tpu.memory_space<hbm>>) dst(%dma_wait3A_42 : memref<624x128xf32, #tpu.memory_space<vmem_shared>>)
      tpu.yield
    }) : () -> ()
    %eq3A = arith.constant 15 : i32
    %eq3A_25 = arith.cmpi eq, %arg1, %eq3A : i32
    %convert_element_type3A = arith.extui %eq3A_25 : i1 to i32
    %cond3A = arith.constant 0 : i32
    %cond3A_26 = arith.cmpi ne, %convert_element_type3A, %cond3A : i32
    scf.if %cond3A_26 {
      "tpu.region"() ({
        %run_scoped3A = tpu.sem_alloc : memref<!tpu.dma_semaphore, #tpu.memory_space<semaphore_mem>>
        %dma_start3A = arith.constant 9984 : i32
        %dma_start3A_39 = arith.constant 0 : i32
        %dma_start3A_40 = tpu.memref_slice %arg11[%dma_start3A, %dma_start3A_39] : memref<10000x128xf32, #tpu.memory_space<vmem_shared>> -> memref<16x128xf32, #tpu.memory_space<vmem_shared>>
        %dma_start3A_41 = arith.constant 9984 : i32
        %dma_start3A_42 = arith.constant 0 : i32
        %dma_start3A_43 = tpu.memref_slice %arg5[%dma_start3A_41, %dma_start3A_42] : memref<10000x128xf32, #tpu.memory_space<hbm>> -> memref<16x128xf32, #tpu.memory_space<hbm>>
        tpu.enqueue_dma source(%dma_start3A_43 : memref<16x128xf32, #tpu.memory_space<hbm>>) target(%dma_start3A_40 : memref<16x128xf32, #tpu.memory_space<vmem_shared>>) target_semaphore(%run_scoped3A : memref<!tpu.dma_semaphore, #tpu.memory_space<semaphore_mem>>)
        %dma_wait3A = arith.constant 9984 : i32
        %dma_wait3A_44 = arith.constant 0 : i32
        %dma_wait3A_45 = tpu.memref_slice %arg11[%dma_wait3A, %dma_wait3A_44] : memref<10000x128xf32, #tpu.memory_space<vmem_shared>> -> memref<16x128xf32, #tpu.memory_space<vmem_shared>>
        %dma_wait3A_46 = arith.constant 9984 : i32
        %dma_wait3A_47 = arith.constant 0 : i32
        %dma_wait3A_48 = tpu.memref_slice %arg5[%dma_wait3A_46, %dma_wait3A_47] : memref<10000x128xf32, #tpu.memory_space<hbm>> -> memref<16x128xf32, #tpu.memory_space<hbm>>
        tpu.wait_dma2 semaphore(%run_scoped3A : memref<!tpu.dma_semaphore, #tpu.memory_space<semaphore_mem>>) src(%dma_wait3A_48 : memref<16x128xf32, #tpu.memory_space<hbm>>) dst(%dma_wait3A_45 : memref<16x128xf32, #tpu.memory_space<vmem_shared>>)
        tpu.yield
      }) : () -> ()
    } else {
    }
    %barrier3A = arith.constant 0 : index
    tpu.barrier barrier_id(%barrier3A)
    %scan3A = arith.constant 0 : i32
    %scan3A_27 = arith.constant 40 : i32
    %scan3A_28 = arith.addi %scan3A, %scan3A_27 : i32
    %scan3A_29 = arith.constant 1 : i32
    scf.for %scan3A_39 = %scan3A to %scan3A_28 step %scan3A_29  : i32 {
      %mul3A_40 = arith.constant 2 : i32
      %mul3A_41 = arith.muli %scan3A_39, %mul3A_40 : i32
      %add3A_42 = arith.constant 0 : i32
      %add3A_43 = arith.addi %mul3A_41, %add3A_42 : i32
      %mul3A_44 = arith.constant 32 : i32
      %mul3A_45 = arith.muli %add3A_43, %mul3A_44 : i32
      %add3A_46 = arith.addi %add3A, %mul3A_45 : i32
      %lt3A = arith.constant 2500 : i32
      %lt3A_47 = arith.cmpi slt, %add3A_46, %lt3A : i32
      %convert_element_type3A_48 = arith.extui %lt3A_47 : i1 to i32
      %cond3A_49 = arith.constant 0 : i32
      %cond3A_50 = arith.cmpi ne, %convert_element_type3A_48, %cond3A_49 : i32
      scf.if %cond3A_50 {
        %mul3A_87 = arith.constant 128 : i32
        %mul3A_88 = arith.muli %add3A_46, %mul3A_87 : i32
        %run_scoped3A = arith.constant 0 : i32
        "tpu.region"() ({
          %run_scoped3A_101 = tpu.sem_alloc : memref<!tpu.dma_semaphore, #tpu.memory_space<semaphore_mem>>
          %dma_start3A_102 = arith.constant 0 : i32
          %dma_start3A_103 = tpu.memref_slice %arg13[%run_scoped3A, %dma_start3A_102] : memref<1x128xi32, #tpu.memory_space<vmem>> -> memref<1x128xi32, #tpu.memory_space<vmem>>
          %dma_start3A_104 = tpu.memref_squeeze %dma_start3A_103 : memref<1x128xi32, #tpu.memory_space<vmem>> -> memref<128xi32, #tpu.memory_space<vmem>>
          %dma_start3A_105 = tpu.memref_slice %arg3[%mul3A_88] : memref<320000xi32, #tpu.memory_space<hbm>> -> memref<128xi32, #tpu.memory_space<hbm>>
          %dma_start3A_106 = arith.constant 0 : i32
          %dma_start3A_107 = tpu.memref_slice %arg13[%run_scoped3A, %dma_start3A_106] : memref<1x128xi32, #tpu.memory_space<vmem>> -> memref<1x128xi32, #tpu.memory_space<vmem>>
          %dma_start3A_108 = tpu.memref_squeeze %dma_start3A_107 : memref<1x128xi32, #tpu.memory_space<vmem>> -> memref<128xi32, #tpu.memory_space<vmem>>
          %dma_start3A_109 = tpu.memref_slice %arg3[%mul3A_88] : memref<320000xi32, #tpu.memory_space<hbm>> -> memref<128xi32, #tpu.memory_space<hbm>>
          tpu.enqueue_dma source(%dma_start3A_109 : memref<128xi32, #tpu.memory_space<hbm>>) target(%dma_start3A_108 : memref<128xi32, #tpu.memory_space<vmem>>) target_semaphore(%run_scoped3A_101 : memref<!tpu.dma_semaphore, #tpu.memory_space<semaphore_mem>>)
          %dma_wait3A = arith.constant 0 : i32
          %dma_wait3A_110 = tpu.memref_slice %arg13[%run_scoped3A, %dma_wait3A] : memref<1x128xi32, #tpu.memory_space<vmem>> -> memref<1x128xi32, #tpu.memory_space<vmem>>
          %dma_wait3A_111 = tpu.memref_squeeze %dma_wait3A_110 : memref<1x128xi32, #tpu.memory_space<vmem>> -> memref<128xi32, #tpu.memory_space<vmem>>
          %dma_wait3A_112 = tpu.memref_slice %arg3[%mul3A_88] : memref<320000xi32, #tpu.memory_space<hbm>> -> memref<128xi32, #tpu.memory_space<hbm>>
          %dma_wait3A_113 = arith.constant 0 : i32
          %dma_wait3A_114 = tpu.memref_slice %arg13[%run_scoped3A, %dma_wait3A_113] : memref<1x128xi32, #tpu.memory_space<vmem>> -> memref<1x128xi32, #tpu.memory_space<vmem>>
          %dma_wait3A_115 = tpu.memref_squeeze %dma_wait3A_114 : memref<1x128xi32, #tpu.memory_space<vmem>> -> memref<128xi32, #tpu.memory_space<vmem>>
          %dma_wait3A_116 = tpu.memref_slice %arg3[%mul3A_88] : memref<320000xi32, #tpu.memory_space<hbm>> -> memref<128xi32, #tpu.memory_space<hbm>>
          tpu.wait_dma2 semaphore(%run_scoped3A_101 : memref<!tpu.dma_semaphore, #tpu.memory_space<semaphore_mem>>) src(%dma_wait3A_116 : memref<128xi32, #tpu.memory_space<hbm>>) dst(%dma_wait3A_115 : memref<128xi32, #tpu.memory_space<vmem>>)
          tpu.yield
        }) : () -> ()
        %run_scoped3A_89 = arith.constant 0 : i32
        "tpu.region"() ({
          %run_scoped3A_101 = tpu.sem_alloc : memref<!tpu.dma_semaphore, #tpu.memory_space<semaphore_mem>>
          %dma_start3A_102 = arith.constant 0 : i32
          %dma_start3A_103 = tpu.memref_slice %arg15[%run_scoped3A_89, %dma_start3A_102] : memref<1x128xi32, #tpu.memory_space<vmem>> -> memref<1x128xi32, #tpu.memory_space<vmem>>
          %dma_start3A_104 = tpu.memref_squeeze %dma_start3A_103 : memref<1x128xi32, #tpu.memory_space<vmem>> -> memref<128xi32, #tpu.memory_space<vmem>>
          %dma_start3A_105 = tpu.memref_slice %arg4[%mul3A_88] : memref<320000xi32, #tpu.memory_space<hbm>> -> memref<128xi32, #tpu.memory_space<hbm>>
          %dma_start3A_106 = arith.constant 0 : i32
          %dma_start3A_107 = tpu.memref_slice %arg15[%run_scoped3A_89, %dma_start3A_106] : memref<1x128xi32, #tpu.memory_space<vmem>> -> memref<1x128xi32, #tpu.memory_space<vmem>>
          %dma_start3A_108 = tpu.memref_squeeze %dma_start3A_107 : memref<1x128xi32, #tpu.memory_space<vmem>> -> memref<128xi32, #tpu.memory_space<vmem>>
          %dma_start3A_109 = tpu.memref_slice %arg4[%mul3A_88] : memref<320000xi32, #tpu.memory_space<hbm>> -> memref<128xi32, #tpu.memory_space<hbm>>
          tpu.enqueue_dma source(%dma_start3A_109 : memref<128xi32, #tpu.memory_space<hbm>>) target(%dma_start3A_108 : memref<128xi32, #tpu.memory_space<vmem>>) target_semaphore(%run_scoped3A_101 : memref<!tpu.dma_semaphore, #tpu.memory_space<semaphore_mem>>)
          %dma_wait3A = arith.constant 0 : i32
          %dma_wait3A_110 = tpu.memref_slice %arg15[%run_scoped3A_89, %dma_wait3A] : memref<1x128xi32, #tpu.memory_space<vmem>> -> memref<1x128xi32, #tpu.memory_space<vmem>>
          %dma_wait3A_111 = tpu.memref_squeeze %dma_wait3A_110 : memref<1x128xi32, #tpu.memory_space<vmem>> -> memref<128xi32, #tpu.memory_space<vmem>>
          %dma_wait3A_112 = tpu.memref_slice %arg4[%mul3A_88] : memref<320000xi32, #tpu.memory_space<hbm>> -> memref<128xi32, #tpu.memory_space<hbm>>
          %dma_wait3A_113 = arith.constant 0 : i32
          %dma_wait3A_114 = tpu.memref_slice %arg15[%run_scoped3A_89, %dma_wait3A_113] : memref<1x128xi32, #tpu.memory_space<vmem>> -> memref<1x128xi32, #tpu.memory_space<vmem>>
          %dma_wait3A_115 = tpu.memref_squeeze %dma_wait3A_114 : memref<1x128xi32, #tpu.memory_space<vmem>> -> memref<128xi32, #tpu.memory_space<vmem>>
          %dma_wait3A_116 = tpu.memref_slice %arg4[%mul3A_88] : memref<320000xi32, #tpu.memory_space<hbm>> -> memref<128xi32, #tpu.memory_space<hbm>>
          tpu.wait_dma2 semaphore(%run_scoped3A_101 : memref<!tpu.dma_semaphore, #tpu.memory_space<semaphore_mem>>) src(%dma_wait3A_116 : memref<128xi32, #tpu.memory_space<hbm>>) dst(%dma_wait3A_115 : memref<128xi32, #tpu.memory_space<vmem>>)
          tpu.yield
        }) : () -> ()
        %dma_start3A = arith.constant 0 : i32
        %dma_start3A_90 = arith.constant 0 : i32
        %dma_start3A_91 = arith.constant 0 : i32
        %dma_start3A_92 = arith.constant 0 : i32
        %dma_start3A_93 = tpu.memref_slice %arg17[%dma_start3A_90, %dma_start3A_91, %dma_start3A_92] : memref<1x128x128xf32, #tpu.memory_space<vmem>> -> memref<1x128x128xf32, #tpu.memory_space<vmem>>
        %dma_start3A_94 = tpu.memref_squeeze %dma_start3A_93 : memref<1x128x128xf32, #tpu.memory_space<vmem>> -> memref<128x128xf32, #tpu.memory_space<vmem>>
        %dma_start3A_95 = arith.constant 0 : i32
        %dma_start3A_96 = tpu.memref_slice %arg13[%dma_start3A, %dma_start3A_95] : memref<1x128xi32, #tpu.memory_space<vmem>> -> memref<1x128xi32, #tpu.memory_space<vmem>>
        %dma_start3A_97 = tpu.memref_squeeze %dma_start3A_96 : memref<1x128xi32, #tpu.memory_space<vmem>> -> memref<128xi32, #tpu.memory_space<vmem>>
        %dma_start3A_98 = arith.constant 0 : i32
        %dma_start3A_99 = arith.constant 0 : i32
        %dma_start3A_100 = tpu.memref_slice %arg2[%dma_start3A_98, %dma_start3A_99] : memref<10000x128xf32, #tpu.memory_space<hbm>> -> memref<10000x128xf32, #tpu.memory_space<hbm>>
        tpu.enqueue_indirect_dma source(%dma_start3A_100 : memref<10000x128xf32, #tpu.memory_space<hbm>>) target(%dma_start3A_94 : memref<128x128xf32, #tpu.memory_space<vmem>>) offsets(%dma_start3A_97 : memref<128xi32, #tpu.memory_space<vmem>>) semaphore(%arg19 : memref<!tpu.dma_semaphore, #tpu.memory_space<semaphore_mem>>)
      } else {
      }
      %mul3A_51 = arith.constant 2 : i32
      %mul3A_52 = arith.muli %scan3A_39, %mul3A_51 : i32
      %add3A_53 = arith.constant 1 : i32
      %add3A_54 = arith.addi %mul3A_52, %add3A_53 : i32
      %mul3A_55 = arith.constant 32 : i32
      %mul3A_56 = arith.muli %add3A_54, %mul3A_55 : i32
      %add3A_57 = arith.addi %add3A, %mul3A_56 : i32
      %lt3A_58 = arith.constant 2500 : i32
      %lt3A_59 = arith.cmpi slt, %add3A_57, %lt3A_58 : i32
      %convert_element_type3A_60 = arith.extui %lt3A_59 : i1 to i32
      %cond3A_61 = arith.constant 0 : i32
      %cond3A_62 = arith.cmpi ne, %convert_element_type3A_60, %cond3A_61 : i32
      scf.if %cond3A_62 {
        %mul3A_87 = arith.constant 128 : i32
        %mul3A_88 = arith.muli %add3A_57, %mul3A_87 : i32
        %run_scoped3A = arith.constant 0 : i32
        "tpu.region"() ({
          %run_scoped3A_101 = tpu.sem_alloc : memref<!tpu.dma_semaphore, #tpu.memory_space<semaphore_mem>>
          %dma_start3A_102 = arith.constant 0 : i32
          %dma_start3A_103 = tpu.memref_slice %arg14[%run_scoped3A, %dma_start3A_102] : memref<1x128xi32, #tpu.memory_space<vmem>> -> memref<1x128xi32, #tpu.memory_space<vmem>>
          %dma_start3A_104 = tpu.memref_squeeze %dma_start3A_103 : memref<1x128xi32, #tpu.memory_space<vmem>> -> memref<128xi32, #tpu.memory_space<vmem>>
          %dma_start3A_105 = tpu.memref_slice %arg3[%mul3A_88] : memref<320000xi32, #tpu.memory_space<hbm>> -> memref<128xi32, #tpu.memory_space<hbm>>
          %dma_start3A_106 = arith.constant 0 : i32
          %dma_start3A_107 = tpu.memref_slice %arg14[%run_scoped3A, %dma_start3A_106] : memref<1x128xi32, #tpu.memory_space<vmem>> -> memref<1x128xi32, #tpu.memory_space<vmem>>
          %dma_start3A_108 = tpu.memref_squeeze %dma_start3A_107 : memref<1x128xi32, #tpu.memory_space<vmem>> -> memref<128xi32, #tpu.memory_space<vmem>>
          %dma_start3A_109 = tpu.memref_slice %arg3[%mul3A_88] : memref<320000xi32, #tpu.memory_space<hbm>> -> memref<128xi32, #tpu.memory_space<hbm>>
          tpu.enqueue_dma source(%dma_start3A_109 : memref<128xi32, #tpu.memory_space<hbm>>) target(%dma_start3A_108 : memref<128xi32, #tpu.memory_space<vmem>>) target_semaphore(%run_scoped3A_101 : memref<!tpu.dma_semaphore, #tpu.memory_space<semaphore_mem>>)
          %dma_wait3A = arith.constant 0 : i32
          %dma_wait3A_110 = tpu.memref_slice %arg14[%run_scoped3A, %dma_wait3A] : memref<1x128xi32, #tpu.memory_space<vmem>> -> memref<1x128xi32, #tpu.memory_space<vmem>>
          %dma_wait3A_111 = tpu.memref_squeeze %dma_wait3A_110 : memref<1x128xi32, #tpu.memory_space<vmem>> -> memref<128xi32, #tpu.memory_space<vmem>>
          %dma_wait3A_112 = tpu.memref_slice %arg3[%mul3A_88] : memref<320000xi32, #tpu.memory_space<hbm>> -> memref<128xi32, #tpu.memory_space<hbm>>
          %dma_wait3A_113 = arith.constant 0 : i32
          %dma_wait3A_114 = tpu.memref_slice %arg14[%run_scoped3A, %dma_wait3A_113] : memref<1x128xi32, #tpu.memory_space<vmem>> -> memref<1x128xi32, #tpu.memory_space<vmem>>
          %dma_wait3A_115 = tpu.memref_squeeze %dma_wait3A_114 : memref<1x128xi32, #tpu.memory_space<vmem>> -> memref<128xi32, #tpu.memory_space<vmem>>
          %dma_wait3A_116 = tpu.memref_slice %arg3[%mul3A_88] : memref<320000xi32, #tpu.memory_space<hbm>> -> memref<128xi32, #tpu.memory_space<hbm>>
          tpu.wait_dma2 semaphore(%run_scoped3A_101 : memref<!tpu.dma_semaphore, #tpu.memory_space<semaphore_mem>>) src(%dma_wait3A_116 : memref<128xi32, #tpu.memory_space<hbm>>) dst(%dma_wait3A_115 : memref<128xi32, #tpu.memory_space<vmem>>)
          tpu.yield
        }) : () -> ()
        %run_scoped3A_89 = arith.constant 0 : i32
        "tpu.region"() ({
          %run_scoped3A_101 = tpu.sem_alloc : memref<!tpu.dma_semaphore, #tpu.memory_space<semaphore_mem>>
          %dma_start3A_102 = arith.constant 0 : i32
          %dma_start3A_103 = tpu.memref_slice %arg16[%run_scoped3A_89, %dma_start3A_102] : memref<1x128xi32, #tpu.memory_space<vmem>> -> memref<1x128xi32, #tpu.memory_space<vmem>>
          %dma_start3A_104 = tpu.memref_squeeze %dma_start3A_103 : memref<1x128xi32, #tpu.memory_space<vmem>> -> memref<128xi32, #tpu.memory_space<vmem>>
          %dma_start3A_105 = tpu.memref_slice %arg4[%mul3A_88] : memref<320000xi32, #tpu.memory_space<hbm>> -> memref<128xi32, #tpu.memory_space<hbm>>
          %dma_start3A_106 = arith.constant 0 : i32
          %dma_start3A_107 = tpu.memref_slice %arg16[%run_scoped3A_89, %dma_start3A_106] : memref<1x128xi32, #tpu.memory_space<vmem>> -> memref<1x128xi32, #tpu.memory_space<vmem>>
          %dma_start3A_108 = tpu.memref_squeeze %dma_start3A_107 : memref<1x128xi32, #tpu.memory_space<vmem>> -> memref<128xi32, #tpu.memory_space<vmem>>
          %dma_start3A_109 = tpu.memref_slice %arg4[%mul3A_88] : memref<320000xi32, #tpu.memory_space<hbm>> -> memref<128xi32, #tpu.memory_space<hbm>>
          tpu.enqueue_dma source(%dma_start3A_109 : memref<128xi32, #tpu.memory_space<hbm>>) target(%dma_start3A_108 : memref<128xi32, #tpu.memory_space<vmem>>) target_semaphore(%run_scoped3A_101 : memref<!tpu.dma_semaphore, #tpu.memory_space<semaphore_mem>>)
          %dma_wait3A = arith.constant 0 : i32
          %dma_wait3A_110 = tpu.memref_slice %arg16[%run_scoped3A_89, %dma_wait3A] : memref<1x128xi32, #tpu.memory_space<vmem>> -> memref<1x128xi32, #tpu.memory_space<vmem>>
          %dma_wait3A_111 = tpu.memref_squeeze %dma_wait3A_110 : memref<1x128xi32, #tpu.memory_space<vmem>> -> memref<128xi32, #tpu.memory_space<vmem>>
          %dma_wait3A_112 = tpu.memref_slice %arg4[%mul3A_88] : memref<320000xi32, #tpu.memory_space<hbm>> -> memref<128xi32, #tpu.memory_space<hbm>>
          %dma_wait3A_113 = arith.constant 0 : i32
          %dma_wait3A_114 = tpu.memref_slice %arg16[%run_scoped3A_89, %dma_wait3A_113] : memref<1x128xi32, #tpu.memory_space<vmem>> -> memref<1x128xi32, #tpu.memory_space<vmem>>
          %dma_wait3A_115 = tpu.memref_squeeze %dma_wait3A_114 : memref<1x128xi32, #tpu.memory_space<vmem>> -> memref<128xi32, #tpu.memory_space<vmem>>
          %dma_wait3A_116 = tpu.memref_slice %arg4[%mul3A_88] : memref<320000xi32, #tpu.memory_space<hbm>> -> memref<128xi32, #tpu.memory_space<hbm>>
          tpu.wait_dma2 semaphore(%run_scoped3A_101 : memref<!tpu.dma_semaphore, #tpu.memory_space<semaphore_mem>>) src(%dma_wait3A_116 : memref<128xi32, #tpu.memory_space<hbm>>) dst(%dma_wait3A_115 : memref<128xi32, #tpu.memory_space<vmem>>)
          tpu.yield
        }) : () -> ()
        %dma_start3A = arith.constant 0 : i32
        %dma_start3A_90 = arith.constant 0 : i32
        %dma_start3A_91 = arith.constant 0 : i32
        %dma_start3A_92 = arith.constant 0 : i32
        %dma_start3A_93 = tpu.memref_slice %arg18[%dma_start3A_90, %dma_start3A_91, %dma_start3A_92] : memref<1x128x128xf32, #tpu.memory_space<vmem>> -> memref<1x128x128xf32, #tpu.memory_space<vmem>>
        %dma_start3A_94 = tpu.memref_squeeze %dma_start3A_93 : memref<1x128x128xf32, #tpu.memory_space<vmem>> -> memref<128x128xf32, #tpu.memory_space<vmem>>
        %dma_start3A_95 = arith.constant 0 : i32
        %dma_start3A_96 = tpu.memref_slice %arg14[%dma_start3A, %dma_start3A_95] : memref<1x128xi32, #tpu.memory_space<vmem>> -> memref<1x128xi32, #tpu.memory_space<vmem>>
        %dma_start3A_97 = tpu.memref_squeeze %dma_start3A_96 : memref<1x128xi32, #tpu.memory_space<vmem>> -> memref<128xi32, #tpu.memory_space<vmem>>
        %dma_start3A_98 = arith.constant 0 : i32
        %dma_start3A_99 = arith.constant 0 : i32
        %dma_start3A_100 = tpu.memref_slice %arg2[%dma_start3A_98, %dma_start3A_99] : memref<10000x128xf32, #tpu.memory_space<hbm>> -> memref<10000x128xf32, #tpu.memory_space<hbm>>
        tpu.enqueue_indirect_dma source(%dma_start3A_100 : memref<10000x128xf32, #tpu.memory_space<hbm>>) target(%dma_start3A_94 : memref<128x128xf32, #tpu.memory_space<vmem>>) offsets(%dma_start3A_97 : memref<128xi32, #tpu.memory_space<vmem>>) semaphore(%arg20 : memref<!tpu.dma_semaphore, #tpu.memory_space<semaphore_mem>>)
      } else {
      }
      %mul3A_63 = arith.constant 2 : i32
      %mul3A_64 = arith.muli %scan3A_39, %mul3A_63 : i32
      %add3A_65 = arith.constant 0 : i32
      %add3A_66 = arith.addi %mul3A_64, %add3A_65 : i32
      %mul3A_67 = arith.constant 32 : i32
      %mul3A_68 = arith.muli %add3A_66, %mul3A_67 : i32
      %add3A_69 = arith.addi %add3A, %mul3A_68 : i32
      %lt3A_70 = arith.constant 2500 : i32
      %lt3A_71 = arith.cmpi slt, %add3A_69, %lt3A_70 : i32
      %convert_element_type3A_72 = arith.extui %lt3A_71 : i1 to i32
      %cond3A_73 = arith.constant 0 : i32
      %cond3A_74 = arith.cmpi ne, %convert_element_type3A_72, %cond3A_73 : i32
      scf.if %cond3A_74 {
        %dma_wait3A = arith.constant 0 : i32
        %dma_wait3A_87 = arith.constant 0 : i32
        %dma_wait3A_88 = tpu.memref_slice %arg17[%squeeze3A_9, %dma_wait3A, %dma_wait3A_87] : memref<1x128x128xf32, #tpu.memory_space<vmem>> -> memref<1x128x128xf32, #tpu.memory_space<vmem>>
        %dma_wait3A_89 = tpu.memref_squeeze %dma_wait3A_88 : memref<1x128x128xf32, #tpu.memory_space<vmem>> -> memref<128x128xf32, #tpu.memory_space<vmem>>
        %dma_wait3A_90 = arith.constant 0 : i32
        %dma_wait3A_91 = tpu.memref_slice %arg13[%squeeze3A, %dma_wait3A_90] : memref<1x128xi32, #tpu.memory_space<vmem>> -> memref<1x128xi32, #tpu.memory_space<vmem>>
        %dma_wait3A_92 = tpu.memref_squeeze %dma_wait3A_91 : memref<1x128xi32, #tpu.memory_space<vmem>> -> memref<128xi32, #tpu.memory_space<vmem>>
        %dma_wait3A_93 = arith.constant 0 : i32
        %dma_wait3A_94 = arith.constant 0 : i32
        %dma_wait3A_95 = tpu.memref_slice %arg2[%dma_wait3A_93, %dma_wait3A_94] : memref<10000x128xf32, #tpu.memory_space<hbm>> -> memref<10000x128xf32, #tpu.memory_space<hbm>>
        tpu.wait_indirect_dma semaphore(%arg19 : memref<!tpu.dma_semaphore, #tpu.memory_space<semaphore_mem>>) src(%dma_wait3A_95 : memref<10000x128xf32, #tpu.memory_space<hbm>>) dst(%dma_wait3A_89 : memref<128x128xf32, #tpu.memory_space<vmem>>)
        %run_scoped3A = arith.constant 0 : i32
        %run_scoped3A_96 = arith.constant 0 : i32
        "tpu.region"() ({
          %run_scoped3A_97 = tpu.sem_alloc : memref<!tpu.dma_semaphore, #tpu.memory_space<semaphore_mem>>
          %dma_start3A = arith.constant 0 : i32
          %dma_start3A_98 = arith.constant 0 : i32
          %dma_start3A_99 = tpu.memref_slice %arg17[%run_scoped3A, %dma_start3A, %dma_start3A_98] : memref<1x128x128xf32, #tpu.memory_space<vmem>> -> memref<1x128x128xf32, #tpu.memory_space<vmem>>
          %dma_start3A_100 = tpu.memref_squeeze %dma_start3A_99 : memref<1x128x128xf32, #tpu.memory_space<vmem>> -> memref<128x128xf32, #tpu.memory_space<vmem>>
          %dma_start3A_101 = arith.constant 0 : i32
          %dma_start3A_102 = tpu.memref_slice %arg15[%run_scoped3A_96, %dma_start3A_101] : memref<1x128xi32, #tpu.memory_space<vmem>> -> memref<1x128xi32, #tpu.memory_space<vmem>>
          %dma_start3A_103 = tpu.memref_squeeze %dma_start3A_102 : memref<1x128xi32, #tpu.memory_space<vmem>> -> memref<128xi32, #tpu.memory_space<vmem>>
          %dma_start3A_104 = arith.constant 0 : i32
          %dma_start3A_105 = arith.constant 0 : i32
          %dma_start3A_106 = tpu.memref_slice %arg11[%dma_start3A_104, %dma_start3A_105] : memref<10000x128xf32, #tpu.memory_space<vmem_shared>> -> memref<10000x128xf32, #tpu.memory_space<vmem_shared>>
          tpu.enqueue_indirect_dma source(%dma_start3A_100 : memref<128x128xf32, #tpu.memory_space<vmem>>) target(%dma_start3A_106 : memref<10000x128xf32, #tpu.memory_space<vmem_shared>>) offsets(%dma_start3A_103 : memref<128xi32, #tpu.memory_space<vmem>>) semaphore(%run_scoped3A_97 : memref<!tpu.dma_semaphore, #tpu.memory_space<semaphore_mem>>) {add = true}
          %dma_wait3A_107 = arith.constant 0 : i32
          %dma_wait3A_108 = arith.constant 0 : i32
          %dma_wait3A_109 = tpu.memref_slice %arg17[%run_scoped3A, %dma_wait3A_107, %dma_wait3A_108] : memref<1x128x128xf32, #tpu.memory_space<vmem>> -> memref<1x128x128xf32, #tpu.memory_space<vmem>>
          %dma_wait3A_110 = tpu.memref_squeeze %dma_wait3A_109 : memref<1x128x128xf32, #tpu.memory_space<vmem>> -> memref<128x128xf32, #tpu.memory_space<vmem>>
          %dma_wait3A_111 = arith.constant 0 : i32
          %dma_wait3A_112 = tpu.memref_slice %arg15[%run_scoped3A_96, %dma_wait3A_111] : memref<1x128xi32, #tpu.memory_space<vmem>> -> memref<1x128xi32, #tpu.memory_space<vmem>>
          %dma_wait3A_113 = tpu.memref_squeeze %dma_wait3A_112 : memref<1x128xi32, #tpu.memory_space<vmem>> -> memref<128xi32, #tpu.memory_space<vmem>>
          %dma_wait3A_114 = arith.constant 0 : i32
          %dma_wait3A_115 = arith.constant 0 : i32
          %dma_wait3A_116 = tpu.memref_slice %arg11[%dma_wait3A_114, %dma_wait3A_115] : memref<10000x128xf32, #tpu.memory_space<vmem_shared>> -> memref<10000x128xf32, #tpu.memory_space<vmem_shared>>
          tpu.wait_indirect_dma semaphore(%run_scoped3A_97 : memref<!tpu.dma_semaphore, #tpu.memory_space<semaphore_mem>>) src(%dma_wait3A_110 : memref<128x128xf32, #tpu.memory_space<vmem>>) dst(%dma_wait3A_116 : memref<10000x128xf32, #tpu.memory_space<vmem_shared>>)
          tpu.yield
        }) : () -> ()
      } else {
      }
      %mul3A_75 = arith.constant 2 : i32
      %mul3A_76 = arith.muli %scan3A_39, %mul3A_75 : i32
      %add3A_77 = arith.constant 1 : i32
      %add3A_78 = arith.addi %mul3A_76, %add3A_77 : i32
      %mul3A_79 = arith.constant 32 : i32
      %mul3A_80 = arith.muli %add3A_78, %mul3A_79 : i32
      %add3A_81 = arith.addi %add3A, %mul3A_80 : i32
      %lt3A_82 = arith.constant 2500 : i32
      %lt3A_83 = arith.cmpi slt, %add3A_81, %lt3A_82 : i32
      %convert_element_type3A_84 = arith.extui %lt3A_83 : i1 to i32
      %cond3A_85 = arith.constant 0 : i32
      %cond3A_86 = arith.cmpi ne, %convert_element_type3A_84, %cond3A_85 : i32
      scf.if %cond3A_86 {
        %dma_wait3A = arith.constant 0 : i32
        %dma_wait3A_87 = arith.constant 0 : i32
        %dma_wait3A_88 = tpu.memref_slice %arg18[%squeeze3A_19, %dma_wait3A, %dma_wait3A_87] : memref<1x128x128xf32, #tpu.memory_space<vmem>> -> memref<1x128x128xf32, #tpu.memory_space<vmem>>
        %dma_wait3A_89 = tpu.memref_squeeze %dma_wait3A_88 : memref<1x128x128xf32, #tpu.memory_space<vmem>> -> memref<128x128xf32, #tpu.memory_space<vmem>>
        %dma_wait3A_90 = arith.constant 0 : i32
        %dma_wait3A_91 = tpu.memref_slice %arg14[%squeeze3A_14, %dma_wait3A_90] : memref<1x128xi32, #tpu.memory_space<vmem>> -> memref<1x128xi32, #tpu.memory_space<vmem>>
        %dma_wait3A_92 = tpu.memref_squeeze %dma_wait3A_91 : memref<1x128xi32, #tpu.memory_space<vmem>> -> memref<128xi32, #tpu.memory_space<vmem>>
        %dma_wait3A_93 = arith.constant 0 : i32
        %dma_wait3A_94 = arith.constant 0 : i32
        %dma_wait3A_95 = tpu.memref_slice %arg2[%dma_wait3A_93, %dma_wait3A_94] : memref<10000x128xf32, #tpu.memory_space<hbm>> -> memref<10000x128xf32, #tpu.memory_space<hbm>>
        tpu.wait_indirect_dma semaphore(%arg20 : memref<!tpu.dma_semaphore, #tpu.memory_space<semaphore_mem>>) src(%dma_wait3A_95 : memref<10000x128xf32, #tpu.memory_space<hbm>>) dst(%dma_wait3A_89 : memref<128x128xf32, #tpu.memory_space<vmem>>)
        %run_scoped3A = arith.constant 0 : i32
        %run_scoped3A_96 = arith.constant 0 : i32
        "tpu.region"() ({
          %run_scoped3A_97 = tpu.sem_alloc : memref<!tpu.dma_semaphore, #tpu.memory_space<semaphore_mem>>
          %dma_start3A = arith.constant 0 : i32
          %dma_start3A_98 = arith.constant 0 : i32
          %dma_start3A_99 = tpu.memref_slice %arg18[%run_scoped3A, %dma_start3A, %dma_start3A_98] : memref<1x128x128xf32, #tpu.memory_space<vmem>> -> memref<1x128x128xf32, #tpu.memory_space<vmem>>
          %dma_start3A_100 = tpu.memref_squeeze %dma_start3A_99 : memref<1x128x128xf32, #tpu.memory_space<vmem>> -> memref<128x128xf32, #tpu.memory_space<vmem>>
          %dma_start3A_101 = arith.constant 0 : i32
          %dma_start3A_102 = tpu.memref_slice %arg16[%run_scoped3A_96, %dma_start3A_101] : memref<1x128xi32, #tpu.memory_space<vmem>> -> memref<1x128xi32, #tpu.memory_space<vmem>>
          %dma_start3A_103 = tpu.memref_squeeze %dma_start3A_102 : memref<1x128xi32, #tpu.memory_space<vmem>> -> memref<128xi32, #tpu.memory_space<vmem>>
          %dma_start3A_104 = arith.constant 0 : i32
          %dma_start3A_105 = arith.constant 0 : i32
          %dma_start3A_106 = tpu.memref_slice %arg11[%dma_start3A_104, %dma_start3A_105] : memref<10000x128xf32, #tpu.memory_space<vmem_shared>> -> memref<10000x128xf32, #tpu.memory_space<vmem_shared>>
          tpu.enqueue_indirect_dma source(%dma_start3A_100 : memref<128x128xf32, #tpu.memory_space<vmem>>) target(%dma_start3A_106 : memref<10000x128xf32, #tpu.memory_space<vmem_shared>>) offsets(%dma_start3A_103 : memref<128xi32, #tpu.memory_space<vmem>>) semaphore(%run_scoped3A_97 : memref<!tpu.dma_semaphore, #tpu.memory_space<semaphore_mem>>) {add = true}
          %dma_wait3A_107 = arith.constant 0 : i32
          %dma_wait3A_108 = arith.constant 0 : i32
          %dma_wait3A_109 = tpu.memref_slice %arg18[%run_scoped3A, %dma_wait3A_107, %dma_wait3A_108] : memref<1x128x128xf32, #tpu.memory_space<vmem>> -> memref<1x128x128xf32, #tpu.memory_space<vmem>>
          %dma_wait3A_110 = tpu.memref_squeeze %dma_wait3A_109 : memref<1x128x128xf32, #tpu.memory_space<vmem>> -> memref<128x128xf32, #tpu.memory_space<vmem>>
          %dma_wait3A_111 = arith.constant 0 : i32
          %dma_wait3A_112 = tpu.memref_slice %arg16[%run_scoped3A_96, %dma_wait3A_111] : memref<1x128xi32, #tpu.memory_space<vmem>> -> memref<1x128xi32, #tpu.memory_space<vmem>>
          %dma_wait3A_113 = tpu.memref_squeeze %dma_wait3A_112 : memref<1x128xi32, #tpu.memory_space<vmem>> -> memref<128xi32, #tpu.memory_space<vmem>>
          %dma_wait3A_114 = arith.constant 0 : i32
          %dma_wait3A_115 = arith.constant 0 : i32
          %dma_wait3A_116 = tpu.memref_slice %arg11[%dma_wait3A_114, %dma_wait3A_115] : memref<10000x128xf32, #tpu.memory_space<vmem_shared>> -> memref<10000x128xf32, #tpu.memory_space<vmem_shared>>
          tpu.wait_indirect_dma semaphore(%run_scoped3A_97 : memref<!tpu.dma_semaphore, #tpu.memory_space<semaphore_mem>>) src(%dma_wait3A_110 : memref<128x128xf32, #tpu.memory_space<vmem>>) dst(%dma_wait3A_116 : memref<10000x128xf32, #tpu.memory_space<vmem_shared>>)
          tpu.yield
        }) : () -> ()
      } else {
      }
    }
    %scan3A_30 = arith.constant 40 : i32
    %barrier3A_31 = arith.constant 0 : index
    tpu.barrier barrier_id(%barrier3A_31)
    %mul3A_32 = arith.constant 624 : i32
    %mul3A_33 = arith.muli %arg1, %mul3A_32 : i32
    "tpu.region"() ({
      %run_scoped3A = tpu.sem_alloc : memref<!tpu.dma_semaphore, #tpu.memory_space<semaphore_mem>>
      %dma_start3A = arith.constant 0 : i32
      %dma_start3A_39 = arith.constant 0 : i32
      %dma_start3A_40 = tpu.memref_slice %arg10[%arg0, %dma_start3A, %dma_start3A_39] : memref<2x10000x128xf32, #tpu.memory_space<hbm>> -> memref<1x10000x128xf32, #tpu.memory_space<hbm>>
      %dma_start3A_41 = tpu.memref_squeeze %dma_start3A_40 : memref<1x10000x128xf32, #tpu.memory_space<hbm>> -> memref<10000x128xf32, #tpu.memory_space<hbm>>
      %dma_start3A_42 = arith.constant 0 : i32
      %dma_start3A_43 = tpu.memref_slice %dma_start3A_41[%mul3A_33, %dma_start3A_42] : memref<10000x128xf32, #tpu.memory_space<hbm>> -> memref<624x128xf32, #tpu.memory_space<hbm>>
      %dma_start3A_44 = arith.constant 0 : i32
      %dma_start3A_45 = tpu.memref_slice %arg11[%mul3A_33, %dma_start3A_44] : memref<10000x128xf32, #tpu.memory_space<vmem_shared>> -> memref<624x128xf32, #tpu.memory_space<vmem_shared>>
      tpu.enqueue_dma source(%dma_start3A_45 : memref<624x128xf32, #tpu.memory_space<vmem_shared>>) target(%dma_start3A_43 : memref<624x128xf32, #tpu.memory_space<hbm>>) target_semaphore(%run_scoped3A : memref<!tpu.dma_semaphore, #tpu.memory_space<semaphore_mem>>)
      %dma_wait3A = arith.constant 0 : i32
      %dma_wait3A_46 = arith.constant 0 : i32
      %dma_wait3A_47 = tpu.memref_slice %arg10[%arg0, %dma_wait3A, %dma_wait3A_46] : memref<2x10000x128xf32, #tpu.memory_space<hbm>> -> memref<1x10000x128xf32, #tpu.memory_space<hbm>>
      %dma_wait3A_48 = tpu.memref_squeeze %dma_wait3A_47 : memref<1x10000x128xf32, #tpu.memory_space<hbm>> -> memref<10000x128xf32, #tpu.memory_space<hbm>>
      %dma_wait3A_49 = arith.constant 0 : i32
      %dma_wait3A_50 = tpu.memref_slice %dma_wait3A_48[%mul3A_33, %dma_wait3A_49] : memref<10000x128xf32, #tpu.memory_space<hbm>> -> memref<624x128xf32, #tpu.memory_space<hbm>>
      %dma_wait3A_51 = arith.constant 0 : i32
      %dma_wait3A_52 = tpu.memref_slice %arg11[%mul3A_33, %dma_wait3A_51] : memref<10000x128xf32, #tpu.memory_space<vmem_shared>> -> memref<624x128xf32, #tpu.memory_space<vmem_shared>>
      tpu.wait_dma2 semaphore(%run_scoped3A : memref<!tpu.dma_semaphore, #tpu.memory_space<semaphore_mem>>) src(%dma_wait3A_52 : memref<624x128xf32, #tpu.memory_space<vmem_shared>>) dst(%dma_wait3A_50 : memref<624x128xf32, #tpu.memory_space<hbm>>)
      tpu.yield
    }) : () -> ()
    %eq3A_34 = arith.constant 15 : i32
    %eq3A_35 = arith.cmpi eq, %arg1, %eq3A_34 : i32
    %convert_element_type3A_36 = arith.extui %eq3A_35 : i1 to i32
    %cond3A_37 = arith.constant 0 : i32
    %cond3A_38 = arith.cmpi ne, %convert_element_type3A_36, %cond3A_37 : i32
    scf.if %cond3A_38 {
      "tpu.region"() ({
        %run_scoped3A = tpu.sem_alloc : memref<!tpu.dma_semaphore, #tpu.memory_space<semaphore_mem>>
        %dma_start3A = arith.constant 0 : i32
        %dma_start3A_39 = arith.constant 0 : i32
        %dma_start3A_40 = tpu.memref_slice %arg10[%arg0, %dma_start3A, %dma_start3A_39] : memref<2x10000x128xf32, #tpu.memory_space<hbm>> -> memref<1x10000x128xf32, #tpu.memory_space<hbm>>
        %dma_start3A_41 = tpu.memref_squeeze %dma_start3A_40 : memref<1x10000x128xf32, #tpu.memory_space<hbm>> -> memref<10000x128xf32, #tpu.memory_space<hbm>>
        %dma_start3A_42 = arith.constant 9984 : i32
        %dma_start3A_43 = arith.constant 0 : i32
        %dma_start3A_44 = tpu.memref_slice %dma_start3A_41[%dma_start3A_42, %dma_start3A_43] : memref<10000x128xf32, #tpu.memory_space<hbm>> -> memref<16x128xf32, #tpu.memory_space<hbm>>
        %dma_start3A_45 = arith.constant 9984 : i32
        %dma_start3A_46 = arith.constant 0 : i32
        %dma_start3A_47 = tpu.memref_slice %arg11[%dma_start3A_45, %dma_start3A_46] : memref<10000x128xf32, #tpu.memory_space<vmem_shared>> -> memref<16x128xf32, #tpu.memory_space<vmem_shared>>
        tpu.enqueue_dma source(%dma_start3A_47 : memref<16x128xf32, #tpu.memory_space<vmem_shared>>) target(%dma_start3A_44 : memref<16x128xf32, #tpu.memory_space<hbm>>) target_semaphore(%run_scoped3A : memref<!tpu.dma_semaphore, #tpu.memory_space<semaphore_mem>>)
        %dma_wait3A = arith.constant 0 : i32
        %dma_wait3A_48 = arith.constant 0 : i32
        %dma_wait3A_49 = tpu.memref_slice %arg10[%arg0, %dma_wait3A, %dma_wait3A_48] : memref<2x10000x128xf32, #tpu.memory_space<hbm>> -> memref<1x10000x128xf32, #tpu.memory_space<hbm>>
        %dma_wait3A_50 = tpu.memref_squeeze %dma_wait3A_49 : memref<1x10000x128xf32, #tpu.memory_space<hbm>> -> memref<10000x128xf32, #tpu.memory_space<hbm>>
        %dma_wait3A_51 = arith.constant 9984 : i32
        %dma_wait3A_52 = arith.constant 0 : i32
        %dma_wait3A_53 = tpu.memref_slice %dma_wait3A_50[%dma_wait3A_51, %dma_wait3A_52] : memref<10000x128xf32, #tpu.memory_space<hbm>> -> memref<16x128xf32, #tpu.memory_space<hbm>>
        %dma_wait3A_54 = arith.constant 9984 : i32
        %dma_wait3A_55 = arith.constant 0 : i32
        %dma_wait3A_56 = tpu.memref_slice %arg11[%dma_wait3A_54, %dma_wait3A_55] : memref<10000x128xf32, #tpu.memory_space<vmem_shared>> -> memref<16x128xf32, #tpu.memory_space<vmem_shared>>
        tpu.wait_dma2 semaphore(%run_scoped3A : memref<!tpu.dma_semaphore, #tpu.memory_space<semaphore_mem>>) src(%dma_wait3A_56 : memref<16x128xf32, #tpu.memory_space<vmem_shared>>) dst(%dma_wait3A_53 : memref<16x128xf32, #tpu.memory_space<hbm>>)
        tpu.yield
      }) : () -> ()
    } else {
    }
    return
  }
}

#map = affine_map<(d0, d1) -> (0, 0)>
#map1 = affine_map<(d0, d1) -> (0)>
#map2 = affine_map<(d0, d1) -> (0, 0, 0)>
module attributes {stable_mosaic.version = 14 : i64} {
  func.func @_rewritten_body(%arg0: i32, %arg1: i32, %arg2: memref<10000x64xf32, #tpu.memory_space<hbm>>, %arg3: memref<320000xi32, #tpu.memory_space<hbm>>, %arg4: memref<320000xi32, #tpu.memory_space<hbm>>, %arg5: memref<10000x64xf32, #tpu.memory_space<hbm>>, %arg6: memref<1xi32, #tpu.memory_space<hbm>>, %arg7: memref<1xi32, #tpu.memory_space<hbm>>, %arg8: memref<1xi32, #tpu.memory_space<hbm>>, %arg9: memref<1xi32, #tpu.memory_space<hbm>>, %arg10: memref<2x10000x64xf32, #tpu.memory_space<hbm>>, %arg11: memref<10000x64xf32, #tpu.memory_space<vmem_shared>>, %arg12: memref<10000x64xf32, #tpu.memory_space<vmem_shared>>, %arg13: memref<1x128xi32, #tpu.memory_space<vmem>>, %arg14: memref<1x128xi32, #tpu.memory_space<vmem>>, %arg15: memref<1x128xi32, #tpu.memory_space<vmem>>, %arg16: memref<1x128xi32, #tpu.memory_space<vmem>>, %arg17: memref<1x128x64xf32, #tpu.memory_space<vmem>>, %arg18: memref<1x128x64xf32, #tpu.memory_space<vmem>>, %arg19: memref<!tpu.dma_semaphore, #tpu.memory_space<semaphore_mem>>, %arg20: memref<!tpu.dma_semaphore, #tpu.memory_space<semaphore_mem>>, %arg21: memref<!tpu.dma_semaphore, #tpu.memory_space<semaphore_mem>>, %arg22: memref<!tpu.dma_semaphore, #tpu.memory_space<semaphore_mem>>) attributes {dimension_semantics = [#tpu.dimension_semantics<core_parallel>, #tpu.dimension_semantics<subcore_parallel>], iteration_bounds = array<i64: 2, 16>, scalar_prefetch = 0 : i64, scratch_operands = 12 : i64, tpu.core_type = #tpu.core_type<sc_vector_subcore>, window_params = [{transform_indices = #map}, {transform_indices = #map1}, {transform_indices = #map1}, {transform_indices = #map}, {transform_indices = #map1}, {transform_indices = #map1}, {transform_indices = #map1}, {transform_indices = #map1}, {transform_indices = #map2}]} {
    %empty_ref3A = memref.alloca() : memref<16xi32, #tpu.memory_space<vmem>>
    %empty_ref3A_0 = memref.alloca() : memref<16xi32, #tpu.memory_space<vmem>>
    %empty_ref3A_1 = memref.alloca() : memref<16xi32, #tpu.memory_space<vmem>>
    %empty_ref3A_2 = memref.alloca() : memref<16xi32, #tpu.memory_space<vmem>>
    "tpu.region"() ({
      %run_scoped3A = tpu.sem_alloc : memref<!tpu.dma_semaphore, #tpu.memory_space<semaphore_mem>>
      %dma_start3A = arith.constant 0 : i32
      %dma_start3A_43 = tpu.memref_slice %empty_ref3A[%dma_start3A] : memref<16xi32, #tpu.memory_space<vmem>> -> memref<1xi32, #tpu.memory_space<vmem>>
      %dma_start3A_44 = arith.constant 0 : i32
      %dma_start3A_45 = tpu.memref_slice %empty_ref3A[%dma_start3A_44] : memref<16xi32, #tpu.memory_space<vmem>> -> memref<1xi32, #tpu.memory_space<vmem>>
      tpu.enqueue_dma source(%arg6 : memref<1xi32, #tpu.memory_space<hbm>>) target(%dma_start3A_45 : memref<1xi32, #tpu.memory_space<vmem>>) target_semaphore(%run_scoped3A : memref<!tpu.dma_semaphore, #tpu.memory_space<semaphore_mem>>)
      %dma_start3A_46 = arith.constant 0 : i32
      %dma_start3A_47 = tpu.memref_slice %empty_ref3A_0[%dma_start3A_46] : memref<16xi32, #tpu.memory_space<vmem>> -> memref<1xi32, #tpu.memory_space<vmem>>
      %dma_start3A_48 = arith.constant 0 : i32
      %dma_start3A_49 = tpu.memref_slice %empty_ref3A_0[%dma_start3A_48] : memref<16xi32, #tpu.memory_space<vmem>> -> memref<1xi32, #tpu.memory_space<vmem>>
      tpu.enqueue_dma source(%arg7 : memref<1xi32, #tpu.memory_space<hbm>>) target(%dma_start3A_49 : memref<1xi32, #tpu.memory_space<vmem>>) target_semaphore(%run_scoped3A : memref<!tpu.dma_semaphore, #tpu.memory_space<semaphore_mem>>)
      %dma_start3A_50 = arith.constant 0 : i32
      %dma_start3A_51 = tpu.memref_slice %empty_ref3A_1[%dma_start3A_50] : memref<16xi32, #tpu.memory_space<vmem>> -> memref<1xi32, #tpu.memory_space<vmem>>
      %dma_start3A_52 = arith.constant 0 : i32
      %dma_start3A_53 = tpu.memref_slice %empty_ref3A_1[%dma_start3A_52] : memref<16xi32, #tpu.memory_space<vmem>> -> memref<1xi32, #tpu.memory_space<vmem>>
      tpu.enqueue_dma source(%arg8 : memref<1xi32, #tpu.memory_space<hbm>>) target(%dma_start3A_53 : memref<1xi32, #tpu.memory_space<vmem>>) target_semaphore(%run_scoped3A : memref<!tpu.dma_semaphore, #tpu.memory_space<semaphore_mem>>)
      %dma_start3A_54 = arith.constant 0 : i32
      %dma_start3A_55 = tpu.memref_slice %empty_ref3A_2[%dma_start3A_54] : memref<16xi32, #tpu.memory_space<vmem>> -> memref<1xi32, #tpu.memory_space<vmem>>
      %dma_start3A_56 = arith.constant 0 : i32
      %dma_start3A_57 = tpu.memref_slice %empty_ref3A_2[%dma_start3A_56] : memref<16xi32, #tpu.memory_space<vmem>> -> memref<1xi32, #tpu.memory_space<vmem>>
      tpu.enqueue_dma source(%arg9 : memref<1xi32, #tpu.memory_space<hbm>>) target(%dma_start3A_57 : memref<1xi32, #tpu.memory_space<vmem>>) target_semaphore(%run_scoped3A : memref<!tpu.dma_semaphore, #tpu.memory_space<semaphore_mem>>)
      %dma_wait3A = arith.constant 0 : i32
      %dma_wait3A_58 = tpu.memref_slice %empty_ref3A[%dma_wait3A] : memref<16xi32, #tpu.memory_space<vmem>> -> memref<1xi32, #tpu.memory_space<vmem>>
      %dma_wait3A_59 = arith.constant 0 : i32
      %dma_wait3A_60 = tpu.memref_slice %empty_ref3A[%dma_wait3A_59] : memref<16xi32, #tpu.memory_space<vmem>> -> memref<1xi32, #tpu.memory_space<vmem>>
      tpu.wait_dma2 semaphore(%run_scoped3A : memref<!tpu.dma_semaphore, #tpu.memory_space<semaphore_mem>>) src(%arg6 : memref<1xi32, #tpu.memory_space<hbm>>) dst(%dma_wait3A_60 : memref<1xi32, #tpu.memory_space<vmem>>)
      %dma_wait3A_61 = arith.constant 0 : i32
      %dma_wait3A_62 = tpu.memref_slice %empty_ref3A_0[%dma_wait3A_61] : memref<16xi32, #tpu.memory_space<vmem>> -> memref<1xi32, #tpu.memory_space<vmem>>
      %dma_wait3A_63 = arith.constant 0 : i32
      %dma_wait3A_64 = tpu.memref_slice %empty_ref3A_0[%dma_wait3A_63] : memref<16xi32, #tpu.memory_space<vmem>> -> memref<1xi32, #tpu.memory_space<vmem>>
      tpu.wait_dma2 semaphore(%run_scoped3A : memref<!tpu.dma_semaphore, #tpu.memory_space<semaphore_mem>>) src(%arg7 : memref<1xi32, #tpu.memory_space<hbm>>) dst(%dma_wait3A_64 : memref<1xi32, #tpu.memory_space<vmem>>)
      %dma_wait3A_65 = arith.constant 0 : i32
      %dma_wait3A_66 = tpu.memref_slice %empty_ref3A_1[%dma_wait3A_65] : memref<16xi32, #tpu.memory_space<vmem>> -> memref<1xi32, #tpu.memory_space<vmem>>
      %dma_wait3A_67 = arith.constant 0 : i32
      %dma_wait3A_68 = tpu.memref_slice %empty_ref3A_1[%dma_wait3A_67] : memref<16xi32, #tpu.memory_space<vmem>> -> memref<1xi32, #tpu.memory_space<vmem>>
      tpu.wait_dma2 semaphore(%run_scoped3A : memref<!tpu.dma_semaphore, #tpu.memory_space<semaphore_mem>>) src(%arg8 : memref<1xi32, #tpu.memory_space<hbm>>) dst(%dma_wait3A_68 : memref<1xi32, #tpu.memory_space<vmem>>)
      %dma_wait3A_69 = arith.constant 0 : i32
      %dma_wait3A_70 = tpu.memref_slice %empty_ref3A_2[%dma_wait3A_69] : memref<16xi32, #tpu.memory_space<vmem>> -> memref<1xi32, #tpu.memory_space<vmem>>
      %dma_wait3A_71 = arith.constant 0 : i32
      %dma_wait3A_72 = tpu.memref_slice %empty_ref3A_2[%dma_wait3A_71] : memref<16xi32, #tpu.memory_space<vmem>> -> memref<1xi32, #tpu.memory_space<vmem>>
      tpu.wait_dma2 semaphore(%run_scoped3A : memref<!tpu.dma_semaphore, #tpu.memory_space<semaphore_mem>>) src(%arg9 : memref<1xi32, #tpu.memory_space<hbm>>) dst(%dma_wait3A_72 : memref<1xi32, #tpu.memory_space<vmem>>)
      tpu.yield
    }) : () -> ()
    %get3A = arith.constant 0 : index
    %get3A_3 = tpu.vector_load %empty_ref3A[%get3A] {strides = array<i32>} : memref<16xi32, #tpu.memory_space<vmem>>, vector<16xi32>,
    %get3A_4 = vector.shape_cast %get3A_3 : vector<16xi32> to vector<16xi32>
    %slice3A = vector.extract_strided_slice %get3A_4 {offsets = [0], sizes = [1], strides = [1]} : vector<16xi32> to vector<1xi32>
    %squeeze3A = vector.extract %slice3A[0] : i32 from vector<1xi32>
    %get3A_5 = arith.constant 0 : index
    %get3A_6 = tpu.vector_load %empty_ref3A_0[%get3A_5] {strides = array<i32>} : memref<16xi32, #tpu.memory_space<vmem>>, vector<16xi32>,
    %get3A_7 = vector.shape_cast %get3A_6 : vector<16xi32> to vector<16xi32>
    %slice3A_8 = vector.extract_strided_slice %get3A_7 {offsets = [0], sizes = [1], strides = [1]} : vector<16xi32> to vector<1xi32>
    %squeeze3A_9 = vector.extract %slice3A_8[0] : i32 from vector<1xi32>
    %get3A_10 = arith.constant 0 : index
    %get3A_11 = tpu.vector_load %empty_ref3A_1[%get3A_10] {strides = array<i32>} : memref<16xi32, #tpu.memory_space<vmem>>, vector<16xi32>,
    %get3A_12 = vector.shape_cast %get3A_11 : vector<16xi32> to vector<16xi32>
    %slice3A_13 = vector.extract_strided_slice %get3A_12 {offsets = [0], sizes = [1], strides = [1]} : vector<16xi32> to vector<1xi32>
    %squeeze3A_14 = vector.extract %slice3A_13[0] : i32 from vector<1xi32>
    %get3A_15 = arith.constant 0 : index
    %get3A_16 = tpu.vector_load %empty_ref3A_2[%get3A_15] {strides = array<i32>} : memref<16xi32, #tpu.memory_space<vmem>>, vector<16xi32>,
    %get3A_17 = vector.shape_cast %get3A_16 : vector<16xi32> to vector<16xi32>
    %slice3A_18 = vector.extract_strided_slice %get3A_17 {offsets = [0], sizes = [1], strides = [1]} : vector<16xi32> to vector<1xi32>
    %squeeze3A_19 = vector.extract %slice3A_18[0] : i32 from vector<1xi32>
    %mul3A = arith.constant 2 : i32
    %mul3A_20 = arith.muli %arg1, %mul3A : i32
    %add3A = arith.addi %mul3A_20, %arg0 : i32
    %mul3A_21 = arith.constant 624 : i32
    %mul3A_22 = arith.muli %arg1, %mul3A_21 : i32
    %mul3A_23 = arith.constant 624 : i32
    %mul3A_24 = arith.muli %arg1, %mul3A_23 : i32
    "tpu.region"() ({
      %run_scoped3A = tpu.sem_alloc : memref<!tpu.dma_semaphore, #tpu.memory_space<semaphore_mem>>
      %dma_start3A = arith.constant 0 : i32
      %dma_start3A_43 = tpu.memref_slice %arg11[%mul3A_24, %dma_start3A] : memref<10000x64xf32, #tpu.memory_space<vmem_shared>> -> memref<624x64xf32, #tpu.memory_space<vmem_shared>>
      %dma_start3A_44 = arith.constant 0 : i32
      %dma_start3A_45 = tpu.memref_slice %arg5[%mul3A_22, %dma_start3A_44] : memref<10000x64xf32, #tpu.memory_space<hbm>> -> memref<624x64xf32, #tpu.memory_space<hbm>>
      tpu.enqueue_dma source(%dma_start3A_45 : memref<624x64xf32, #tpu.memory_space<hbm>>) target(%dma_start3A_43 : memref<624x64xf32, #tpu.memory_space<vmem_shared>>) target_semaphore(%run_scoped3A : memref<!tpu.dma_semaphore, #tpu.memory_space<semaphore_mem>>)
      %dma_wait3A = arith.constant 0 : i32
      %dma_wait3A_46 = tpu.memref_slice %arg11[%mul3A_24, %dma_wait3A] : memref<10000x64xf32, #tpu.memory_space<vmem_shared>> -> memref<624x64xf32, #tpu.memory_space<vmem_shared>>
      %dma_wait3A_47 = arith.constant 0 : i32
      %dma_wait3A_48 = tpu.memref_slice %arg5[%mul3A_22, %dma_wait3A_47] : memref<10000x64xf32, #tpu.memory_space<hbm>> -> memref<624x64xf32, #tpu.memory_space<hbm>>
      tpu.wait_dma2 semaphore(%run_scoped3A : memref<!tpu.dma_semaphore, #tpu.memory_space<semaphore_mem>>) src(%dma_wait3A_48 : memref<624x64xf32, #tpu.memory_space<hbm>>) dst(%dma_wait3A_46 : memref<624x64xf32, #tpu.memory_space<vmem_shared>>)
      tpu.yield
    }) : () -> ()
    %mul3A_25 = arith.constant 624 : i32
    %mul3A_26 = arith.muli %arg1, %mul3A_25 : i32
    %mul3A_27 = arith.constant 624 : i32
    %mul3A_28 = arith.muli %arg1, %mul3A_27 : i32
    "tpu.region"() ({
      %run_scoped3A = tpu.sem_alloc : memref<!tpu.dma_semaphore, #tpu.memory_space<semaphore_mem>>
      %dma_start3A = arith.constant 0 : i32
      %dma_start3A_43 = tpu.memref_slice %arg12[%mul3A_28, %dma_start3A] : memref<10000x64xf32, #tpu.memory_space<vmem_shared>> -> memref<624x64xf32, #tpu.memory_space<vmem_shared>>
      %dma_start3A_44 = arith.constant 0 : i32
      %dma_start3A_45 = tpu.memref_slice %arg2[%mul3A_26, %dma_start3A_44] : memref<10000x64xf32, #tpu.memory_space<hbm>> -> memref<624x64xf32, #tpu.memory_space<hbm>>
      tpu.enqueue_dma source(%dma_start3A_45 : memref<624x64xf32, #tpu.memory_space<hbm>>) target(%dma_start3A_43 : memref<624x64xf32, #tpu.memory_space<vmem_shared>>) target_semaphore(%run_scoped3A : memref<!tpu.dma_semaphore, #tpu.memory_space<semaphore_mem>>)
      %dma_wait3A = arith.constant 0 : i32
      %dma_wait3A_46 = tpu.memref_slice %arg12[%mul3A_28, %dma_wait3A] : memref<10000x64xf32, #tpu.memory_space<vmem_shared>> -> memref<624x64xf32, #tpu.memory_space<vmem_shared>>
      %dma_wait3A_47 = arith.constant 0 : i32
      %dma_wait3A_48 = tpu.memref_slice %arg2[%mul3A_26, %dma_wait3A_47] : memref<10000x64xf32, #tpu.memory_space<hbm>> -> memref<624x64xf32, #tpu.memory_space<hbm>>
      tpu.wait_dma2 semaphore(%run_scoped3A : memref<!tpu.dma_semaphore, #tpu.memory_space<semaphore_mem>>) src(%dma_wait3A_48 : memref<624x64xf32, #tpu.memory_space<hbm>>) dst(%dma_wait3A_46 : memref<624x64xf32, #tpu.memory_space<vmem_shared>>)
      tpu.yield
    }) : () -> ()
    %eq3A = arith.constant 15 : i32
    %eq3A_29 = arith.cmpi eq, %arg1, %eq3A : i32
    %convert_element_type3A = arith.extui %eq3A_29 : i1 to i32
    %cond3A = arith.constant 0 : i32
    %cond3A_30 = arith.cmpi ne, %convert_element_type3A, %cond3A : i32
    scf.if %cond3A_30 {
      "tpu.region"() ({
        %run_scoped3A = tpu.sem_alloc : memref<!tpu.dma_semaphore, #tpu.memory_space<semaphore_mem>>
        %dma_start3A = arith.constant 9984 : i32
        %dma_start3A_43 = arith.constant 0 : i32
        %dma_start3A_44 = tpu.memref_slice %arg11[%dma_start3A, %dma_start3A_43] : memref<10000x64xf32, #tpu.memory_space<vmem_shared>> -> memref<16x64xf32, #tpu.memory_space<vmem_shared>>
        %dma_start3A_45 = arith.constant 9984 : i32
        %dma_start3A_46 = arith.constant 0 : i32
        %dma_start3A_47 = tpu.memref_slice %arg5[%dma_start3A_45, %dma_start3A_46] : memref<10000x64xf32, #tpu.memory_space<hbm>> -> memref<16x64xf32, #tpu.memory_space<hbm>>
        tpu.enqueue_dma source(%dma_start3A_47 : memref<16x64xf32, #tpu.memory_space<hbm>>) target(%dma_start3A_44 : memref<16x64xf32, #tpu.memory_space<vmem_shared>>) target_semaphore(%run_scoped3A : memref<!tpu.dma_semaphore, #tpu.memory_space<semaphore_mem>>)
        %dma_wait3A = arith.constant 9984 : i32
        %dma_wait3A_48 = arith.constant 0 : i32
        %dma_wait3A_49 = tpu.memref_slice %arg11[%dma_wait3A, %dma_wait3A_48] : memref<10000x64xf32, #tpu.memory_space<vmem_shared>> -> memref<16x64xf32, #tpu.memory_space<vmem_shared>>
        %dma_wait3A_50 = arith.constant 9984 : i32
        %dma_wait3A_51 = arith.constant 0 : i32
        %dma_wait3A_52 = tpu.memref_slice %arg5[%dma_wait3A_50, %dma_wait3A_51] : memref<10000x64xf32, #tpu.memory_space<hbm>> -> memref<16x64xf32, #tpu.memory_space<hbm>>
        tpu.wait_dma2 semaphore(%run_scoped3A : memref<!tpu.dma_semaphore, #tpu.memory_space<semaphore_mem>>) src(%dma_wait3A_52 : memref<16x64xf32, #tpu.memory_space<hbm>>) dst(%dma_wait3A_49 : memref<16x64xf32, #tpu.memory_space<vmem_shared>>)
        tpu.yield
      }) : () -> ()
      "tpu.region"() ({
        %run_scoped3A = tpu.sem_alloc : memref<!tpu.dma_semaphore, #tpu.memory_space<semaphore_mem>>
        %dma_start3A = arith.constant 9984 : i32
        %dma_start3A_43 = arith.constant 0 : i32
        %dma_start3A_44 = tpu.memref_slice %arg12[%dma_start3A, %dma_start3A_43] : memref<10000x64xf32, #tpu.memory_space<vmem_shared>> -> memref<16x64xf32, #tpu.memory_space<vmem_shared>>
        %dma_start3A_45 = arith.constant 9984 : i32
        %dma_start3A_46 = arith.constant 0 : i32
        %dma_start3A_47 = tpu.memref_slice %arg2[%dma_start3A_45, %dma_start3A_46] : memref<10000x64xf32, #tpu.memory_space<hbm>> -> memref<16x64xf32, #tpu.memory_space<hbm>>
        tpu.enqueue_dma source(%dma_start3A_47 : memref<16x64xf32, #tpu.memory_space<hbm>>) target(%dma_start3A_44 : memref<16x64xf32, #tpu.memory_space<vmem_shared>>) target_semaphore(%run_scoped3A : memref<!tpu.dma_semaphore, #tpu.memory_space<semaphore_mem>>)
        %dma_wait3A = arith.constant 9984 : i32
        %dma_wait3A_48 = arith.constant 0 : i32
        %dma_wait3A_49 = tpu.memref_slice %arg12[%dma_wait3A, %dma_wait3A_48] : memref<10000x64xf32, #tpu.memory_space<vmem_shared>> -> memref<16x64xf32, #tpu.memory_space<vmem_shared>>
        %dma_wait3A_50 = arith.constant 9984 : i32
        %dma_wait3A_51 = arith.constant 0 : i32
        %dma_wait3A_52 = tpu.memref_slice %arg2[%dma_wait3A_50, %dma_wait3A_51] : memref<10000x64xf32, #tpu.memory_space<hbm>> -> memref<16x64xf32, #tpu.memory_space<hbm>>
        tpu.wait_dma2 semaphore(%run_scoped3A : memref<!tpu.dma_semaphore, #tpu.memory_space<semaphore_mem>>) src(%dma_wait3A_52 : memref<16x64xf32, #tpu.memory_space<hbm>>) dst(%dma_wait3A_49 : memref<16x64xf32, #tpu.memory_space<vmem_shared>>)
        tpu.yield
      }) : () -> ()
    } else {
    }
    %barrier3A = arith.constant 0 : index
    tpu.barrier barrier_id(%barrier3A)
    %scan3A = arith.constant 0 : i32
    %scan3A_31 = arith.constant 40 : i32
    %scan3A_32 = arith.addi %scan3A, %scan3A_31 : i32
    %scan3A_33 = arith.constant 1 : i32
    scf.for %scan3A_43 = %scan3A to %scan3A_32 step %scan3A_33  : i32 {
      %mul3A_44 = arith.constant 2 : i32
      %mul3A_45 = arith.muli %scan3A_43, %mul3A_44 : i32
      %add3A_46 = arith.constant 0 : i32
      %add3A_47 = arith.addi %mul3A_45, %add3A_46 : i32
      %mul3A_48 = arith.constant 32 : i32
      %mul3A_49 = arith.muli %add3A_47, %mul3A_48 : i32
      %add3A_50 = arith.addi %add3A, %mul3A_49 : i32
      %lt3A = arith.constant 2500 : i32
      %lt3A_51 = arith.cmpi slt, %add3A_50, %lt3A : i32
      %convert_element_type3A_52 = arith.extui %lt3A_51 : i1 to i32
      %cond3A_53 = arith.constant 0 : i32
      %cond3A_54 = arith.cmpi ne, %convert_element_type3A_52, %cond3A_53 : i32
      scf.if %cond3A_54 {
        %mul3A_91 = arith.constant 128 : i32
        %mul3A_92 = arith.muli %add3A_50, %mul3A_91 : i32
        %run_scoped3A = arith.constant 0 : i32
        "tpu.region"() ({
          %run_scoped3A_105 = tpu.sem_alloc : memref<!tpu.dma_semaphore, #tpu.memory_space<semaphore_mem>>
          %dma_start3A_106 = arith.constant 0 : i32
          %dma_start3A_107 = tpu.memref_slice %arg13[%run_scoped3A, %dma_start3A_106] : memref<1x128xi32, #tpu.memory_space<vmem>> -> memref<1x128xi32, #tpu.memory_space<vmem>>
          %dma_start3A_108 = tpu.memref_squeeze %dma_start3A_107 : memref<1x128xi32, #tpu.memory_space<vmem>> -> memref<128xi32, #tpu.memory_space<vmem>>
          %dma_start3A_109 = tpu.memref_slice %arg3[%mul3A_92] : memref<320000xi32, #tpu.memory_space<hbm>> -> memref<128xi32, #tpu.memory_space<hbm>>
          %dma_start3A_110 = arith.constant 0 : i32
          %dma_start3A_111 = tpu.memref_slice %arg13[%run_scoped3A, %dma_start3A_110] : memref<1x128xi32, #tpu.memory_space<vmem>> -> memref<1x128xi32, #tpu.memory_space<vmem>>
          %dma_start3A_112 = tpu.memref_squeeze %dma_start3A_111 : memref<1x128xi32, #tpu.memory_space<vmem>> -> memref<128xi32, #tpu.memory_space<vmem>>
          %dma_start3A_113 = tpu.memref_slice %arg3[%mul3A_92] : memref<320000xi32, #tpu.memory_space<hbm>> -> memref<128xi32, #tpu.memory_space<hbm>>
          tpu.enqueue_dma source(%dma_start3A_113 : memref<128xi32, #tpu.memory_space<hbm>>) target(%dma_start3A_112 : memref<128xi32, #tpu.memory_space<vmem>>) target_semaphore(%run_scoped3A_105 : memref<!tpu.dma_semaphore, #tpu.memory_space<semaphore_mem>>)
          %dma_wait3A = arith.constant 0 : i32
          %dma_wait3A_114 = tpu.memref_slice %arg13[%run_scoped3A, %dma_wait3A] : memref<1x128xi32, #tpu.memory_space<vmem>> -> memref<1x128xi32, #tpu.memory_space<vmem>>
          %dma_wait3A_115 = tpu.memref_squeeze %dma_wait3A_114 : memref<1x128xi32, #tpu.memory_space<vmem>> -> memref<128xi32, #tpu.memory_space<vmem>>
          %dma_wait3A_116 = tpu.memref_slice %arg3[%mul3A_92] : memref<320000xi32, #tpu.memory_space<hbm>> -> memref<128xi32, #tpu.memory_space<hbm>>
          %dma_wait3A_117 = arith.constant 0 : i32
          %dma_wait3A_118 = tpu.memref_slice %arg13[%run_scoped3A, %dma_wait3A_117] : memref<1x128xi32, #tpu.memory_space<vmem>> -> memref<1x128xi32, #tpu.memory_space<vmem>>
          %dma_wait3A_119 = tpu.memref_squeeze %dma_wait3A_118 : memref<1x128xi32, #tpu.memory_space<vmem>> -> memref<128xi32, #tpu.memory_space<vmem>>
          %dma_wait3A_120 = tpu.memref_slice %arg3[%mul3A_92] : memref<320000xi32, #tpu.memory_space<hbm>> -> memref<128xi32, #tpu.memory_space<hbm>>
          tpu.wait_dma2 semaphore(%run_scoped3A_105 : memref<!tpu.dma_semaphore, #tpu.memory_space<semaphore_mem>>) src(%dma_wait3A_120 : memref<128xi32, #tpu.memory_space<hbm>>) dst(%dma_wait3A_119 : memref<128xi32, #tpu.memory_space<vmem>>)
          tpu.yield
        }) : () -> ()
        %run_scoped3A_93 = arith.constant 0 : i32
        "tpu.region"() ({
          %run_scoped3A_105 = tpu.sem_alloc : memref<!tpu.dma_semaphore, #tpu.memory_space<semaphore_mem>>
          %dma_start3A_106 = arith.constant 0 : i32
          %dma_start3A_107 = tpu.memref_slice %arg15[%run_scoped3A_93, %dma_start3A_106] : memref<1x128xi32, #tpu.memory_space<vmem>> -> memref<1x128xi32, #tpu.memory_space<vmem>>
          %dma_start3A_108 = tpu.memref_squeeze %dma_start3A_107 : memref<1x128xi32, #tpu.memory_space<vmem>> -> memref<128xi32, #tpu.memory_space<vmem>>
          %dma_start3A_109 = tpu.memref_slice %arg4[%mul3A_92] : memref<320000xi32, #tpu.memory_space<hbm>> -> memref<128xi32, #tpu.memory_space<hbm>>
          %dma_start3A_110 = arith.constant 0 : i32
          %dma_start3A_111 = tpu.memref_slice %arg15[%run_scoped3A_93, %dma_start3A_110] : memref<1x128xi32, #tpu.memory_space<vmem>> -> memref<1x128xi32, #tpu.memory_space<vmem>>
          %dma_start3A_112 = tpu.memref_squeeze %dma_start3A_111 : memref<1x128xi32, #tpu.memory_space<vmem>> -> memref<128xi32, #tpu.memory_space<vmem>>
          %dma_start3A_113 = tpu.memref_slice %arg4[%mul3A_92] : memref<320000xi32, #tpu.memory_space<hbm>> -> memref<128xi32, #tpu.memory_space<hbm>>
          tpu.enqueue_dma source(%dma_start3A_113 : memref<128xi32, #tpu.memory_space<hbm>>) target(%dma_start3A_112 : memref<128xi32, #tpu.memory_space<vmem>>) target_semaphore(%run_scoped3A_105 : memref<!tpu.dma_semaphore, #tpu.memory_space<semaphore_mem>>)
          %dma_wait3A = arith.constant 0 : i32
          %dma_wait3A_114 = tpu.memref_slice %arg15[%run_scoped3A_93, %dma_wait3A] : memref<1x128xi32, #tpu.memory_space<vmem>> -> memref<1x128xi32, #tpu.memory_space<vmem>>
          %dma_wait3A_115 = tpu.memref_squeeze %dma_wait3A_114 : memref<1x128xi32, #tpu.memory_space<vmem>> -> memref<128xi32, #tpu.memory_space<vmem>>
          %dma_wait3A_116 = tpu.memref_slice %arg4[%mul3A_92] : memref<320000xi32, #tpu.memory_space<hbm>> -> memref<128xi32, #tpu.memory_space<hbm>>
          %dma_wait3A_117 = arith.constant 0 : i32
          %dma_wait3A_118 = tpu.memref_slice %arg15[%run_scoped3A_93, %dma_wait3A_117] : memref<1x128xi32, #tpu.memory_space<vmem>> -> memref<1x128xi32, #tpu.memory_space<vmem>>
          %dma_wait3A_119 = tpu.memref_squeeze %dma_wait3A_118 : memref<1x128xi32, #tpu.memory_space<vmem>> -> memref<128xi32, #tpu.memory_space<vmem>>
          %dma_wait3A_120 = tpu.memref_slice %arg4[%mul3A_92] : memref<320000xi32, #tpu.memory_space<hbm>> -> memref<128xi32, #tpu.memory_space<hbm>>
          tpu.wait_dma2 semaphore(%run_scoped3A_105 : memref<!tpu.dma_semaphore, #tpu.memory_space<semaphore_mem>>) src(%dma_wait3A_120 : memref<128xi32, #tpu.memory_space<hbm>>) dst(%dma_wait3A_119 : memref<128xi32, #tpu.memory_space<vmem>>)
          tpu.yield
        }) : () -> ()
        %dma_start3A = arith.constant 0 : i32
        %dma_start3A_94 = arith.constant 0 : i32
        %dma_start3A_95 = arith.constant 0 : i32
        %dma_start3A_96 = arith.constant 0 : i32
        %dma_start3A_97 = tpu.memref_slice %arg17[%dma_start3A_94, %dma_start3A_95, %dma_start3A_96] : memref<1x128x64xf32, #tpu.memory_space<vmem>> -> memref<1x128x64xf32, #tpu.memory_space<vmem>>
        %dma_start3A_98 = tpu.memref_squeeze %dma_start3A_97 : memref<1x128x64xf32, #tpu.memory_space<vmem>> -> memref<128x64xf32, #tpu.memory_space<vmem>>
        %dma_start3A_99 = arith.constant 0 : i32
        %dma_start3A_100 = tpu.memref_slice %arg13[%dma_start3A, %dma_start3A_99] : memref<1x128xi32, #tpu.memory_space<vmem>> -> memref<1x128xi32, #tpu.memory_space<vmem>>
        %dma_start3A_101 = tpu.memref_squeeze %dma_start3A_100 : memref<1x128xi32, #tpu.memory_space<vmem>> -> memref<128xi32, #tpu.memory_space<vmem>>
        %dma_start3A_102 = arith.constant 0 : i32
        %dma_start3A_103 = arith.constant 0 : i32
        %dma_start3A_104 = tpu.memref_slice %arg12[%dma_start3A_102, %dma_start3A_103] : memref<10000x64xf32, #tpu.memory_space<vmem_shared>> -> memref<10000x64xf32, #tpu.memory_space<vmem_shared>>
        tpu.enqueue_indirect_dma source(%dma_start3A_104 : memref<10000x64xf32, #tpu.memory_space<vmem_shared>>) target(%dma_start3A_98 : memref<128x64xf32, #tpu.memory_space<vmem>>) offsets(%dma_start3A_101 : memref<128xi32, #tpu.memory_space<vmem>>) semaphore(%arg19 : memref<!tpu.dma_semaphore, #tpu.memory_space<semaphore_mem>>)
      } else {
      }
      %mul3A_55 = arith.constant 2 : i32
      %mul3A_56 = arith.muli %scan3A_43, %mul3A_55 : i32
      %add3A_57 = arith.constant 1 : i32
      %add3A_58 = arith.addi %mul3A_56, %add3A_57 : i32
      %mul3A_59 = arith.constant 32 : i32
      %mul3A_60 = arith.muli %add3A_58, %mul3A_59 : i32
      %add3A_61 = arith.addi %add3A, %mul3A_60 : i32
      %lt3A_62 = arith.constant 2500 : i32
      %lt3A_63 = arith.cmpi slt, %add3A_61, %lt3A_62 : i32
      %convert_element_type3A_64 = arith.extui %lt3A_63 : i1 to i32
      %cond3A_65 = arith.constant 0 : i32
      %cond3A_66 = arith.cmpi ne, %convert_element_type3A_64, %cond3A_65 : i32
      scf.if %cond3A_66 {
        %mul3A_91 = arith.constant 128 : i32
        %mul3A_92 = arith.muli %add3A_61, %mul3A_91 : i32
        %run_scoped3A = arith.constant 0 : i32
        "tpu.region"() ({
          %run_scoped3A_105 = tpu.sem_alloc : memref<!tpu.dma_semaphore, #tpu.memory_space<semaphore_mem>>
          %dma_start3A_106 = arith.constant 0 : i32
          %dma_start3A_107 = tpu.memref_slice %arg14[%run_scoped3A, %dma_start3A_106] : memref<1x128xi32, #tpu.memory_space<vmem>> -> memref<1x128xi32, #tpu.memory_space<vmem>>
          %dma_start3A_108 = tpu.memref_squeeze %dma_start3A_107 : memref<1x128xi32, #tpu.memory_space<vmem>> -> memref<128xi32, #tpu.memory_space<vmem>>
          %dma_start3A_109 = tpu.memref_slice %arg3[%mul3A_92] : memref<320000xi32, #tpu.memory_space<hbm>> -> memref<128xi32, #tpu.memory_space<hbm>>
          %dma_start3A_110 = arith.constant 0 : i32
          %dma_start3A_111 = tpu.memref_slice %arg14[%run_scoped3A, %dma_start3A_110] : memref<1x128xi32, #tpu.memory_space<vmem>> -> memref<1x128xi32, #tpu.memory_space<vmem>>
          %dma_start3A_112 = tpu.memref_squeeze %dma_start3A_111 : memref<1x128xi32, #tpu.memory_space<vmem>> -> memref<128xi32, #tpu.memory_space<vmem>>
          %dma_start3A_113 = tpu.memref_slice %arg3[%mul3A_92] : memref<320000xi32, #tpu.memory_space<hbm>> -> memref<128xi32, #tpu.memory_space<hbm>>
          tpu.enqueue_dma source(%dma_start3A_113 : memref<128xi32, #tpu.memory_space<hbm>>) target(%dma_start3A_112 : memref<128xi32, #tpu.memory_space<vmem>>) target_semaphore(%run_scoped3A_105 : memref<!tpu.dma_semaphore, #tpu.memory_space<semaphore_mem>>)
          %dma_wait3A = arith.constant 0 : i32
          %dma_wait3A_114 = tpu.memref_slice %arg14[%run_scoped3A, %dma_wait3A] : memref<1x128xi32, #tpu.memory_space<vmem>> -> memref<1x128xi32, #tpu.memory_space<vmem>>
          %dma_wait3A_115 = tpu.memref_squeeze %dma_wait3A_114 : memref<1x128xi32, #tpu.memory_space<vmem>> -> memref<128xi32, #tpu.memory_space<vmem>>
          %dma_wait3A_116 = tpu.memref_slice %arg3[%mul3A_92] : memref<320000xi32, #tpu.memory_space<hbm>> -> memref<128xi32, #tpu.memory_space<hbm>>
          %dma_wait3A_117 = arith.constant 0 : i32
          %dma_wait3A_118 = tpu.memref_slice %arg14[%run_scoped3A, %dma_wait3A_117] : memref<1x128xi32, #tpu.memory_space<vmem>> -> memref<1x128xi32, #tpu.memory_space<vmem>>
          %dma_wait3A_119 = tpu.memref_squeeze %dma_wait3A_118 : memref<1x128xi32, #tpu.memory_space<vmem>> -> memref<128xi32, #tpu.memory_space<vmem>>
          %dma_wait3A_120 = tpu.memref_slice %arg3[%mul3A_92] : memref<320000xi32, #tpu.memory_space<hbm>> -> memref<128xi32, #tpu.memory_space<hbm>>
          tpu.wait_dma2 semaphore(%run_scoped3A_105 : memref<!tpu.dma_semaphore, #tpu.memory_space<semaphore_mem>>) src(%dma_wait3A_120 : memref<128xi32, #tpu.memory_space<hbm>>) dst(%dma_wait3A_119 : memref<128xi32, #tpu.memory_space<vmem>>)
          tpu.yield
        }) : () -> ()
        %run_scoped3A_93 = arith.constant 0 : i32
        "tpu.region"() ({
          %run_scoped3A_105 = tpu.sem_alloc : memref<!tpu.dma_semaphore, #tpu.memory_space<semaphore_mem>>
          %dma_start3A_106 = arith.constant 0 : i32
          %dma_start3A_107 = tpu.memref_slice %arg16[%run_scoped3A_93, %dma_start3A_106] : memref<1x128xi32, #tpu.memory_space<vmem>> -> memref<1x128xi32, #tpu.memory_space<vmem>>
          %dma_start3A_108 = tpu.memref_squeeze %dma_start3A_107 : memref<1x128xi32, #tpu.memory_space<vmem>> -> memref<128xi32, #tpu.memory_space<vmem>>
          %dma_start3A_109 = tpu.memref_slice %arg4[%mul3A_92] : memref<320000xi32, #tpu.memory_space<hbm>> -> memref<128xi32, #tpu.memory_space<hbm>>
          %dma_start3A_110 = arith.constant 0 : i32
          %dma_start3A_111 = tpu.memref_slice %arg16[%run_scoped3A_93, %dma_start3A_110] : memref<1x128xi32, #tpu.memory_space<vmem>> -> memref<1x128xi32, #tpu.memory_space<vmem>>
          %dma_start3A_112 = tpu.memref_squeeze %dma_start3A_111 : memref<1x128xi32, #tpu.memory_space<vmem>> -> memref<128xi32, #tpu.memory_space<vmem>>
          %dma_start3A_113 = tpu.memref_slice %arg4[%mul3A_92] : memref<320000xi32, #tpu.memory_space<hbm>> -> memref<128xi32, #tpu.memory_space<hbm>>
          tpu.enqueue_dma source(%dma_start3A_113 : memref<128xi32, #tpu.memory_space<hbm>>) target(%dma_start3A_112 : memref<128xi32, #tpu.memory_space<vmem>>) target_semaphore(%run_scoped3A_105 : memref<!tpu.dma_semaphore, #tpu.memory_space<semaphore_mem>>)
          %dma_wait3A = arith.constant 0 : i32
          %dma_wait3A_114 = tpu.memref_slice %arg16[%run_scoped3A_93, %dma_wait3A] : memref<1x128xi32, #tpu.memory_space<vmem>> -> memref<1x128xi32, #tpu.memory_space<vmem>>
          %dma_wait3A_115 = tpu.memref_squeeze %dma_wait3A_114 : memref<1x128xi32, #tpu.memory_space<vmem>> -> memref<128xi32, #tpu.memory_space<vmem>>
          %dma_wait3A_116 = tpu.memref_slice %arg4[%mul3A_92] : memref<320000xi32, #tpu.memory_space<hbm>> -> memref<128xi32, #tpu.memory_space<hbm>>
          %dma_wait3A_117 = arith.constant 0 : i32
          %dma_wait3A_118 = tpu.memref_slice %arg16[%run_scoped3A_93, %dma_wait3A_117] : memref<1x128xi32, #tpu.memory_space<vmem>> -> memref<1x128xi32, #tpu.memory_space<vmem>>
          %dma_wait3A_119 = tpu.memref_squeeze %dma_wait3A_118 : memref<1x128xi32, #tpu.memory_space<vmem>> -> memref<128xi32, #tpu.memory_space<vmem>>
          %dma_wait3A_120 = tpu.memref_slice %arg4[%mul3A_92] : memref<320000xi32, #tpu.memory_space<hbm>> -> memref<128xi32, #tpu.memory_space<hbm>>
          tpu.wait_dma2 semaphore(%run_scoped3A_105 : memref<!tpu.dma_semaphore, #tpu.memory_space<semaphore_mem>>) src(%dma_wait3A_120 : memref<128xi32, #tpu.memory_space<hbm>>) dst(%dma_wait3A_119 : memref<128xi32, #tpu.memory_space<vmem>>)
          tpu.yield
        }) : () -> ()
        %dma_start3A = arith.constant 0 : i32
        %dma_start3A_94 = arith.constant 0 : i32
        %dma_start3A_95 = arith.constant 0 : i32
        %dma_start3A_96 = arith.constant 0 : i32
        %dma_start3A_97 = tpu.memref_slice %arg18[%dma_start3A_94, %dma_start3A_95, %dma_start3A_96] : memref<1x128x64xf32, #tpu.memory_space<vmem>> -> memref<1x128x64xf32, #tpu.memory_space<vmem>>
        %dma_start3A_98 = tpu.memref_squeeze %dma_start3A_97 : memref<1x128x64xf32, #tpu.memory_space<vmem>> -> memref<128x64xf32, #tpu.memory_space<vmem>>
        %dma_start3A_99 = arith.constant 0 : i32
        %dma_start3A_100 = tpu.memref_slice %arg14[%dma_start3A, %dma_start3A_99] : memref<1x128xi32, #tpu.memory_space<vmem>> -> memref<1x128xi32, #tpu.memory_space<vmem>>
        %dma_start3A_101 = tpu.memref_squeeze %dma_start3A_100 : memref<1x128xi32, #tpu.memory_space<vmem>> -> memref<128xi32, #tpu.memory_space<vmem>>
        %dma_start3A_102 = arith.constant 0 : i32
        %dma_start3A_103 = arith.constant 0 : i32
        %dma_start3A_104 = tpu.memref_slice %arg12[%dma_start3A_102, %dma_start3A_103] : memref<10000x64xf32, #tpu.memory_space<vmem_shared>> -> memref<10000x64xf32, #tpu.memory_space<vmem_shared>>
        tpu.enqueue_indirect_dma source(%dma_start3A_104 : memref<10000x64xf32, #tpu.memory_space<vmem_shared>>) target(%dma_start3A_98 : memref<128x64xf32, #tpu.memory_space<vmem>>) offsets(%dma_start3A_101 : memref<128xi32, #tpu.memory_space<vmem>>) semaphore(%arg20 : memref<!tpu.dma_semaphore, #tpu.memory_space<semaphore_mem>>)
      } else {
      }
      %mul3A_67 = arith.constant 2 : i32
      %mul3A_68 = arith.muli %scan3A_43, %mul3A_67 : i32
      %add3A_69 = arith.constant 0 : i32
      %add3A_70 = arith.addi %mul3A_68, %add3A_69 : i32
      %mul3A_71 = arith.constant 32 : i32
      %mul3A_72 = arith.muli %add3A_70, %mul3A_71 : i32
      %add3A_73 = arith.addi %add3A, %mul3A_72 : i32
      %lt3A_74 = arith.constant 2500 : i32
      %lt3A_75 = arith.cmpi slt, %add3A_73, %lt3A_74 : i32
      %convert_element_type3A_76 = arith.extui %lt3A_75 : i1 to i32
      %cond3A_77 = arith.constant 0 : i32
      %cond3A_78 = arith.cmpi ne, %convert_element_type3A_76, %cond3A_77 : i32
      scf.if %cond3A_78 {
        %dma_wait3A = arith.constant 0 : i32
        %dma_wait3A_91 = arith.constant 0 : i32
        %dma_wait3A_92 = tpu.memref_slice %arg17[%squeeze3A_9, %dma_wait3A, %dma_wait3A_91] : memref<1x128x64xf32, #tpu.memory_space<vmem>> -> memref<1x128x64xf32, #tpu.memory_space<vmem>>
        %dma_wait3A_93 = tpu.memref_squeeze %dma_wait3A_92 : memref<1x128x64xf32, #tpu.memory_space<vmem>> -> memref<128x64xf32, #tpu.memory_space<vmem>>
        %dma_wait3A_94 = arith.constant 0 : i32
        %dma_wait3A_95 = tpu.memref_slice %arg13[%squeeze3A, %dma_wait3A_94] : memref<1x128xi32, #tpu.memory_space<vmem>> -> memref<1x128xi32, #tpu.memory_space<vmem>>
        %dma_wait3A_96 = tpu.memref_squeeze %dma_wait3A_95 : memref<1x128xi32, #tpu.memory_space<vmem>> -> memref<128xi32, #tpu.memory_space<vmem>>
        %dma_wait3A_97 = arith.constant 0 : i32
        %dma_wait3A_98 = arith.constant 0 : i32
        %dma_wait3A_99 = tpu.memref_slice %arg12[%dma_wait3A_97, %dma_wait3A_98] : memref<10000x64xf32, #tpu.memory_space<vmem_shared>> -> memref<10000x64xf32, #tpu.memory_space<vmem_shared>>
        tpu.wait_indirect_dma semaphore(%arg19 : memref<!tpu.dma_semaphore, #tpu.memory_space<semaphore_mem>>) src(%dma_wait3A_99 : memref<10000x64xf32, #tpu.memory_space<vmem_shared>>) dst(%dma_wait3A_93 : memref<128x64xf32, #tpu.memory_space<vmem>>)
        %run_scoped3A = arith.constant 0 : i32
        %run_scoped3A_100 = arith.constant 0 : i32
        "tpu.region"() ({
          %run_scoped3A_101 = tpu.sem_alloc : memref<!tpu.dma_semaphore, #tpu.memory_space<semaphore_mem>>
          %dma_start3A = arith.constant 0 : i32
          %dma_start3A_102 = arith.constant 0 : i32
          %dma_start3A_103 = tpu.memref_slice %arg17[%run_scoped3A, %dma_start3A, %dma_start3A_102] : memref<1x128x64xf32, #tpu.memory_space<vmem>> -> memref<1x128x64xf32, #tpu.memory_space<vmem>>
          %dma_start3A_104 = tpu.memref_squeeze %dma_start3A_103 : memref<1x128x64xf32, #tpu.memory_space<vmem>> -> memref<128x64xf32, #tpu.memory_space<vmem>>
          %dma_start3A_105 = arith.constant 0 : i32
          %dma_start3A_106 = tpu.memref_slice %arg15[%run_scoped3A_100, %dma_start3A_105] : memref<1x128xi32, #tpu.memory_space<vmem>> -> memref<1x128xi32, #tpu.memory_space<vmem>>
          %dma_start3A_107 = tpu.memref_squeeze %dma_start3A_106 : memref<1x128xi32, #tpu.memory_space<vmem>> -> memref<128xi32, #tpu.memory_space<vmem>>
          %dma_start3A_108 = arith.constant 0 : i32
          %dma_start3A_109 = arith.constant 0 : i32
          %dma_start3A_110 = tpu.memref_slice %arg11[%dma_start3A_108, %dma_start3A_109] : memref<10000x64xf32, #tpu.memory_space<vmem_shared>> -> memref<10000x64xf32, #tpu.memory_space<vmem_shared>>
          tpu.enqueue_indirect_dma source(%dma_start3A_104 : memref<128x64xf32, #tpu.memory_space<vmem>>) target(%dma_start3A_110 : memref<10000x64xf32, #tpu.memory_space<vmem_shared>>) offsets(%dma_start3A_107 : memref<128xi32, #tpu.memory_space<vmem>>) semaphore(%run_scoped3A_101 : memref<!tpu.dma_semaphore, #tpu.memory_space<semaphore_mem>>) {add = true}
          %dma_wait3A_111 = arith.constant 0 : i32
          %dma_wait3A_112 = arith.constant 0 : i32
          %dma_wait3A_113 = tpu.memref_slice %arg17[%run_scoped3A, %dma_wait3A_111, %dma_wait3A_112] : memref<1x128x64xf32, #tpu.memory_space<vmem>> -> memref<1x128x64xf32, #tpu.memory_space<vmem>>
          %dma_wait3A_114 = tpu.memref_squeeze %dma_wait3A_113 : memref<1x128x64xf32, #tpu.memory_space<vmem>> -> memref<128x64xf32, #tpu.memory_space<vmem>>
          %dma_wait3A_115 = arith.constant 0 : i32
          %dma_wait3A_116 = tpu.memref_slice %arg15[%run_scoped3A_100, %dma_wait3A_115] : memref<1x128xi32, #tpu.memory_space<vmem>> -> memref<1x128xi32, #tpu.memory_space<vmem>>
          %dma_wait3A_117 = tpu.memref_squeeze %dma_wait3A_116 : memref<1x128xi32, #tpu.memory_space<vmem>> -> memref<128xi32, #tpu.memory_space<vmem>>
          %dma_wait3A_118 = arith.constant 0 : i32
          %dma_wait3A_119 = arith.constant 0 : i32
          %dma_wait3A_120 = tpu.memref_slice %arg11[%dma_wait3A_118, %dma_wait3A_119] : memref<10000x64xf32, #tpu.memory_space<vmem_shared>> -> memref<10000x64xf32, #tpu.memory_space<vmem_shared>>
          tpu.wait_indirect_dma semaphore(%run_scoped3A_101 : memref<!tpu.dma_semaphore, #tpu.memory_space<semaphore_mem>>) src(%dma_wait3A_114 : memref<128x64xf32, #tpu.memory_space<vmem>>) dst(%dma_wait3A_120 : memref<10000x64xf32, #tpu.memory_space<vmem_shared>>)
          tpu.yield
        }) : () -> ()
      } else {
      }
      %mul3A_79 = arith.constant 2 : i32
      %mul3A_80 = arith.muli %scan3A_43, %mul3A_79 : i32
      %add3A_81 = arith.constant 1 : i32
      %add3A_82 = arith.addi %mul3A_80, %add3A_81 : i32
      %mul3A_83 = arith.constant 32 : i32
      %mul3A_84 = arith.muli %add3A_82, %mul3A_83 : i32
      %add3A_85 = arith.addi %add3A, %mul3A_84 : i32
      %lt3A_86 = arith.constant 2500 : i32
      %lt3A_87 = arith.cmpi slt, %add3A_85, %lt3A_86 : i32
      %convert_element_type3A_88 = arith.extui %lt3A_87 : i1 to i32
      %cond3A_89 = arith.constant 0 : i32
      %cond3A_90 = arith.cmpi ne, %convert_element_type3A_88, %cond3A_89 : i32
      scf.if %cond3A_90 {
        %dma_wait3A = arith.constant 0 : i32
        %dma_wait3A_91 = arith.constant 0 : i32
        %dma_wait3A_92 = tpu.memref_slice %arg18[%squeeze3A_19, %dma_wait3A, %dma_wait3A_91] : memref<1x128x64xf32, #tpu.memory_space<vmem>> -> memref<1x128x64xf32, #tpu.memory_space<vmem>>
        %dma_wait3A_93 = tpu.memref_squeeze %dma_wait3A_92 : memref<1x128x64xf32, #tpu.memory_space<vmem>> -> memref<128x64xf32, #tpu.memory_space<vmem>>
        %dma_wait3A_94 = arith.constant 0 : i32
        %dma_wait3A_95 = tpu.memref_slice %arg14[%squeeze3A_14, %dma_wait3A_94] : memref<1x128xi32, #tpu.memory_space<vmem>> -> memref<1x128xi32, #tpu.memory_space<vmem>>
        %dma_wait3A_96 = tpu.memref_squeeze %dma_wait3A_95 : memref<1x128xi32, #tpu.memory_space<vmem>> -> memref<128xi32, #tpu.memory_space<vmem>>
        %dma_wait3A_97 = arith.constant 0 : i32
        %dma_wait3A_98 = arith.constant 0 : i32
        %dma_wait3A_99 = tpu.memref_slice %arg12[%dma_wait3A_97, %dma_wait3A_98] : memref<10000x64xf32, #tpu.memory_space<vmem_shared>> -> memref<10000x64xf32, #tpu.memory_space<vmem_shared>>
        tpu.wait_indirect_dma semaphore(%arg20 : memref<!tpu.dma_semaphore, #tpu.memory_space<semaphore_mem>>) src(%dma_wait3A_99 : memref<10000x64xf32, #tpu.memory_space<vmem_shared>>) dst(%dma_wait3A_93 : memref<128x64xf32, #tpu.memory_space<vmem>>)
        %run_scoped3A = arith.constant 0 : i32
        %run_scoped3A_100 = arith.constant 0 : i32
        "tpu.region"() ({
          %run_scoped3A_101 = tpu.sem_alloc : memref<!tpu.dma_semaphore, #tpu.memory_space<semaphore_mem>>
          %dma_start3A = arith.constant 0 : i32
          %dma_start3A_102 = arith.constant 0 : i32
          %dma_start3A_103 = tpu.memref_slice %arg18[%run_scoped3A, %dma_start3A, %dma_start3A_102] : memref<1x128x64xf32, #tpu.memory_space<vmem>> -> memref<1x128x64xf32, #tpu.memory_space<vmem>>
          %dma_start3A_104 = tpu.memref_squeeze %dma_start3A_103 : memref<1x128x64xf32, #tpu.memory_space<vmem>> -> memref<128x64xf32, #tpu.memory_space<vmem>>
          %dma_start3A_105 = arith.constant 0 : i32
          %dma_start3A_106 = tpu.memref_slice %arg16[%run_scoped3A_100, %dma_start3A_105] : memref<1x128xi32, #tpu.memory_space<vmem>> -> memref<1x128xi32, #tpu.memory_space<vmem>>
          %dma_start3A_107 = tpu.memref_squeeze %dma_start3A_106 : memref<1x128xi32, #tpu.memory_space<vmem>> -> memref<128xi32, #tpu.memory_space<vmem>>
          %dma_start3A_108 = arith.constant 0 : i32
          %dma_start3A_109 = arith.constant 0 : i32
          %dma_start3A_110 = tpu.memref_slice %arg11[%dma_start3A_108, %dma_start3A_109] : memref<10000x64xf32, #tpu.memory_space<vmem_shared>> -> memref<10000x64xf32, #tpu.memory_space<vmem_shared>>
          tpu.enqueue_indirect_dma source(%dma_start3A_104 : memref<128x64xf32, #tpu.memory_space<vmem>>) target(%dma_start3A_110 : memref<10000x64xf32, #tpu.memory_space<vmem_shared>>) offsets(%dma_start3A_107 : memref<128xi32, #tpu.memory_space<vmem>>) semaphore(%run_scoped3A_101 : memref<!tpu.dma_semaphore, #tpu.memory_space<semaphore_mem>>) {add = true}
          %dma_wait3A_111 = arith.constant 0 : i32
          %dma_wait3A_112 = arith.constant 0 : i32
          %dma_wait3A_113 = tpu.memref_slice %arg18[%run_scoped3A, %dma_wait3A_111, %dma_wait3A_112] : memref<1x128x64xf32, #tpu.memory_space<vmem>> -> memref<1x128x64xf32, #tpu.memory_space<vmem>>
          %dma_wait3A_114 = tpu.memref_squeeze %dma_wait3A_113 : memref<1x128x64xf32, #tpu.memory_space<vmem>> -> memref<128x64xf32, #tpu.memory_space<vmem>>
          %dma_wait3A_115 = arith.constant 0 : i32
          %dma_wait3A_116 = tpu.memref_slice %arg16[%run_scoped3A_100, %dma_wait3A_115] : memref<1x128xi32, #tpu.memory_space<vmem>> -> memref<1x128xi32, #tpu.memory_space<vmem>>
          %dma_wait3A_117 = tpu.memref_squeeze %dma_wait3A_116 : memref<1x128xi32, #tpu.memory_space<vmem>> -> memref<128xi32, #tpu.memory_space<vmem>>
          %dma_wait3A_118 = arith.constant 0 : i32
          %dma_wait3A_119 = arith.constant 0 : i32
          %dma_wait3A_120 = tpu.memref_slice %arg11[%dma_wait3A_118, %dma_wait3A_119] : memref<10000x64xf32, #tpu.memory_space<vmem_shared>> -> memref<10000x64xf32, #tpu.memory_space<vmem_shared>>
          tpu.wait_indirect_dma semaphore(%run_scoped3A_101 : memref<!tpu.dma_semaphore, #tpu.memory_space<semaphore_mem>>) src(%dma_wait3A_114 : memref<128x64xf32, #tpu.memory_space<vmem>>) dst(%dma_wait3A_120 : memref<10000x64xf32, #tpu.memory_space<vmem_shared>>)
          tpu.yield
        }) : () -> ()
      } else {
      }
    }
    %scan3A_34 = arith.constant 40 : i32
    %barrier3A_35 = arith.constant 0 : index
    tpu.barrier barrier_id(%barrier3A_35)
    %mul3A_36 = arith.constant 624 : i32
    %mul3A_37 = arith.muli %arg1, %mul3A_36 : i32
    "tpu.region"() ({
      %run_scoped3A = tpu.sem_alloc : memref<!tpu.dma_semaphore, #tpu.memory_space<semaphore_mem>>
      %dma_start3A = arith.constant 0 : i32
      %dma_start3A_43 = arith.constant 0 : i32
      %dma_start3A_44 = tpu.memref_slice %arg10[%arg0, %dma_start3A, %dma_start3A_43] : memref<2x10000x64xf32, #tpu.memory_space<hbm>> -> memref<1x10000x64xf32, #tpu.memory_space<hbm>>
      %dma_start3A_45 = tpu.memref_squeeze %dma_start3A_44 : memref<1x10000x64xf32, #tpu.memory_space<hbm>> -> memref<10000x64xf32, #tpu.memory_space<hbm>>
      %dma_start3A_46 = arith.constant 0 : i32
      %dma_start3A_47 = tpu.memref_slice %dma_start3A_45[%mul3A_37, %dma_start3A_46] : memref<10000x64xf32, #tpu.memory_space<hbm>> -> memref<624x64xf32, #tpu.memory_space<hbm>>
      %dma_start3A_48 = arith.constant 0 : i32
      %dma_start3A_49 = tpu.memref_slice %arg11[%mul3A_37, %dma_start3A_48] : memref<10000x64xf32, #tpu.memory_space<vmem_shared>> -> memref<624x64xf32, #tpu.memory_space<vmem_shared>>
      tpu.enqueue_dma source(%dma_start3A_49 : memref<624x64xf32, #tpu.memory_space<vmem_shared>>) target(%dma_start3A_47 : memref<624x64xf32, #tpu.memory_space<hbm>>) target_semaphore(%run_scoped3A : memref<!tpu.dma_semaphore, #tpu.memory_space<semaphore_mem>>)
      %dma_wait3A = arith.constant 0 : i32
      %dma_wait3A_50 = arith.constant 0 : i32
      %dma_wait3A_51 = tpu.memref_slice %arg10[%arg0, %dma_wait3A, %dma_wait3A_50] : memref<2x10000x64xf32, #tpu.memory_space<hbm>> -> memref<1x10000x64xf32, #tpu.memory_space<hbm>>
      %dma_wait3A_52 = tpu.memref_squeeze %dma_wait3A_51 : memref<1x10000x64xf32, #tpu.memory_space<hbm>> -> memref<10000x64xf32, #tpu.memory_space<hbm>>
      %dma_wait3A_53 = arith.constant 0 : i32
      %dma_wait3A_54 = tpu.memref_slice %dma_wait3A_52[%mul3A_37, %dma_wait3A_53] : memref<10000x64xf32, #tpu.memory_space<hbm>> -> memref<624x64xf32, #tpu.memory_space<hbm>>
      %dma_wait3A_55 = arith.constant 0 : i32
      %dma_wait3A_56 = tpu.memref_slice %arg11[%mul3A_37, %dma_wait3A_55] : memref<10000x64xf32, #tpu.memory_space<vmem_shared>> -> memref<624x64xf32, #tpu.memory_space<vmem_shared>>
      tpu.wait_dma2 semaphore(%run_scoped3A : memref<!tpu.dma_semaphore, #tpu.memory_space<semaphore_mem>>) src(%dma_wait3A_56 : memref<624x64xf32, #tpu.memory_space<vmem_shared>>) dst(%dma_wait3A_54 : memref<624x64xf32, #tpu.memory_space<hbm>>)
      tpu.yield
    }) : () -> ()
    %eq3A_38 = arith.constant 15 : i32
    %eq3A_39 = arith.cmpi eq, %arg1, %eq3A_38 : i32
    %convert_element_type3A_40 = arith.extui %eq3A_39 : i1 to i32
    %cond3A_41 = arith.constant 0 : i32
    %cond3A_42 = arith.cmpi ne, %convert_element_type3A_40, %cond3A_41 : i32
    scf.if %cond3A_42 {
      "tpu.region"() ({
        %run_scoped3A = tpu.sem_alloc : memref<!tpu.dma_semaphore, #tpu.memory_space<semaphore_mem>>
        %dma_start3A = arith.constant 0 : i32
        %dma_start3A_43 = arith.constant 0 : i32
        %dma_start3A_44 = tpu.memref_slice %arg10[%arg0, %dma_start3A, %dma_start3A_43] : memref<2x10000x64xf32, #tpu.memory_space<hbm>> -> memref<1x10000x64xf32, #tpu.memory_space<hbm>>
        %dma_start3A_45 = tpu.memref_squeeze %dma_start3A_44 : memref<1x10000x64xf32, #tpu.memory_space<hbm>> -> memref<10000x64xf32, #tpu.memory_space<hbm>>
        %dma_start3A_46 = arith.constant 9984 : i32
        %dma_start3A_47 = arith.constant 0 : i32
        %dma_start3A_48 = tpu.memref_slice %dma_start3A_45[%dma_start3A_46, %dma_start3A_47] : memref<10000x64xf32, #tpu.memory_space<hbm>> -> memref<16x64xf32, #tpu.memory_space<hbm>>
        %dma_start3A_49 = arith.constant 9984 : i32
        %dma_start3A_50 = arith.constant 0 : i32
        %dma_start3A_51 = tpu.memref_slice %arg11[%dma_start3A_49, %dma_start3A_50] : memref<10000x64xf32, #tpu.memory_space<vmem_shared>> -> memref<16x64xf32, #tpu.memory_space<vmem_shared>>
        tpu.enqueue_dma source(%dma_start3A_51 : memref<16x64xf32, #tpu.memory_space<vmem_shared>>) target(%dma_start3A_48 : memref<16x64xf32, #tpu.memory_space<hbm>>) target_semaphore(%run_scoped3A : memref<!tpu.dma_semaphore, #tpu.memory_space<semaphore_mem>>)
        %dma_wait3A = arith.constant 0 : i32
        %dma_wait3A_52 = arith.constant 0 : i32
        %dma_wait3A_53 = tpu.memref_slice %arg10[%arg0, %dma_wait3A, %dma_wait3A_52] : memref<2x10000x64xf32, #tpu.memory_space<hbm>> -> memref<1x10000x64xf32, #tpu.memory_space<hbm>>
        %dma_wait3A_54 = tpu.memref_squeeze %dma_wait3A_53 : memref<1x10000x64xf32, #tpu.memory_space<hbm>> -> memref<10000x64xf32, #tpu.memory_space<hbm>>
        %dma_wait3A_55 = arith.constant 9984 : i32
        %dma_wait3A_56 = arith.constant 0 : i32
        %dma_wait3A_57 = tpu.memref_slice %dma_wait3A_54[%dma_wait3A_55, %dma_wait3A_56] : memref<10000x64xf32, #tpu.memory_space<hbm>> -> memref<16x64xf32, #tpu.memory_space<hbm>>
        %dma_wait3A_58 = arith.constant 9984 : i32
        %dma_wait3A_59 = arith.constant 0 : i32
        %dma_wait3A_60 = tpu.memref_slice %arg11[%dma_wait3A_58, %dma_wait3A_59] : memref<10000x64xf32, #tpu.memory_space<vmem_shared>> -> memref<16x64xf32, #tpu.memory_space<vmem_shared>>
        tpu.wait_dma2 semaphore(%run_scoped3A : memref<!tpu.dma_semaphore, #tpu.memory_space<semaphore_mem>>) src(%dma_wait3A_60 : memref<16x64xf32, #tpu.memory_space<vmem_shared>>) dst(%dma_wait3A_57 : memref<16x64xf32, #tpu.memory_space<hbm>>)
        tpu.yield
      }) : () -> ()
    } else {
    }
    return
  }
}

module attributes {stable_mosaic.version = 14 : i64} {
  func.func @_tc_dense_body(%arg0: memref<10000x128xf32, #tpu.memory_space<vmem>>, %arg1: memref<2x10000x128xf32, #tpu.memory_space<vmem>>, %arg2: memref<128x64xf32, #tpu.memory_space<vmem>>, %arg3: memref<1x64xf32, #tpu.memory_space<vmem>>, %arg4: memref<64x64xf32, #tpu.memory_space<vmem>>, %arg5: memref<1x64xf32, #tpu.memory_space<vmem>>, %arg6: memref<1x64xf32, #tpu.memory_space<vmem>>, %arg7: memref<1x64xf32, #tpu.memory_space<vmem>>, %arg8: memref<10000x64xf32, #tpu.memory_space<vmem>>) attributes {dimension_semantics = [], scalar_prefetch = 0 : i64, scratch_operands = 0 : i64, tpu.core_type = #tpu.core_type<tc>} {
    %get3A = arith.constant 0 : index
    %get3A_0 = arith.constant 0 : index
    %get3A_1 = vector.load %arg0[%get3A, %get3A_0] : memref<10000x128xf32, #tpu.memory_space<vmem>>, vector<10000x128xf32>
    %get3A_2 = arith.constant 0 : index
    %get3A_3 = arith.constant 0 : index
    %get3A_4 = arith.constant 0 : index
    %get3A_5 = vector.load %arg1[%get3A_2, %get3A_3, %get3A_4] : memref<2x10000x128xf32, #tpu.memory_space<vmem>>, vector<1x10000x128xf32>
    %get3A_6 = vector.shape_cast %get3A_5 : vector<1x10000x128xf32> to vector<10000x128xf32>
    %add3A = arith.addf %get3A_1, %get3A_6 : vector<10000x128xf32>
    %get3A_7 = arith.constant 1 : index
    %get3A_8 = arith.constant 0 : index
    %get3A_9 = arith.constant 0 : index
    %get3A_10 = vector.load %arg1[%get3A_7, %get3A_8, %get3A_9] : memref<2x10000x128xf32, #tpu.memory_space<vmem>>, vector<1x10000x128xf32>
    %get3A_11 = vector.shape_cast %get3A_10 : vector<1x10000x128xf32> to vector<10000x128xf32>
    %add3A_12 = arith.addf %add3A, %get3A_11 : vector<10000x128xf32>
    %get3A_13 = arith.constant 0 : index
    %get3A_14 = arith.constant 0 : index
    %get3A_15 = vector.load %arg2[%get3A_13, %get3A_14] : memref<128x64xf32, #tpu.memory_space<vmem>>, vector<128x64xf32>
    %dot_general3A = arith.constant dense<0.000000e+00> : vector<10000x64xf32>
    %dot_general3A_16 = tpu.matmul %add3A_12, %get3A_15, %dot_general3A {dimension_numbers = #tpu.dot_dimension_numbers<[1], [0], [0], [1], [0, 0, 1, 1], [], []>, transpose_lhs_hint = false} : vector<10000x128xf32>, vector<128x64xf32>, vector<10000x64xf32> -> vector<10000x64xf32>
    %get3A_17 = arith.constant 0 : index
    %get3A_18 = arith.constant 0 : index
    %get3A_19 = vector.load %arg3[%get3A_17, %get3A_18] : memref<1x64xf32, #tpu.memory_space<vmem>>, vector<1x64xf32>
    %add3A_20 = vector.broadcast %get3A_19 : vector<1x64xf32> to vector<10000x64xf32>
    %add3A_21 = arith.addf %dot_general3A_16, %add3A_20 : vector<10000x64xf32>
    %max3A = arith.constant 0.000000e+00 : f32
    %max3A_22 = vector.broadcast %max3A : f32 to vector<10000x64xf32>
    %max3A_23 = arith.maximumf %add3A_21, %max3A_22 : vector<10000x64xf32>
    %get3A_24 = arith.constant 0 : index
    %get3A_25 = arith.constant 0 : index
    %get3A_26 = vector.load %arg4[%get3A_24, %get3A_25] : memref<64x64xf32, #tpu.memory_space<vmem>>, vector<64x64xf32>
    %dot_general3A_27 = arith.constant dense<0.000000e+00> : vector<10000x64xf32>
    %dot_general3A_28 = tpu.matmul %max3A_23, %get3A_26, %dot_general3A_27 {dimension_numbers = #tpu.dot_dimension_numbers<[1], [0], [0], [1], [0, 0, 1, 1], [], []>, transpose_lhs_hint = false} : vector<10000x64xf32>, vector<64x64xf32>, vector<10000x64xf32> -> vector<10000x64xf32>
    %get3A_29 = arith.constant 0 : index
    %get3A_30 = arith.constant 0 : index
    %get3A_31 = vector.load %arg5[%get3A_29, %get3A_30] : memref<1x64xf32, #tpu.memory_space<vmem>>, vector<1x64xf32>
    %add3A_32 = vector.broadcast %get3A_31 : vector<1x64xf32> to vector<10000x64xf32>
    %add3A_33 = arith.addf %dot_general3A_28, %add3A_32 : vector<10000x64xf32>
    %reduce_sum3A = arith.constant dense<0.000000e+00> : vector<64xf32>
    %reduce_sum3A_34 = vector.multi_reduction <add>, %add3A_33, %reduce_sum3A [0] : vector<10000x64xf32> to vector<64xf32>
    %broadcast_in_dim3A = vector.shape_cast %reduce_sum3A_34 : vector<64xf32> to vector<1x64xf32>
    %div3A = arith.constant 1.000000e+04 : f32
    %div3A_35 = vector.broadcast %div3A : f32 to vector<1x64xf32>
    %div3A_36 = arith.divf %broadcast_in_dim3A, %div3A_35 : vector<1x64xf32>
    %sub3A = vector.broadcast %div3A_36 : vector<1x64xf32> to vector<10000x64xf32>
    %sub3A_37 = arith.subf %add3A_33, %sub3A : vector<10000x64xf32>
    %integer_pow3A = arith.mulf %sub3A_37, %sub3A_37 : vector<10000x64xf32>
    %reduce_sum3A_38 = arith.constant dense<0.000000e+00> : vector<64xf32>
    %reduce_sum3A_39 = vector.multi_reduction <add>, %integer_pow3A, %reduce_sum3A_38 [0] : vector<10000x64xf32> to vector<64xf32>
    %broadcast_in_dim3A_40 = vector.shape_cast %reduce_sum3A_39 : vector<64xf32> to vector<1x64xf32>
    %div3A_41 = arith.constant 1.000000e+04 : f32
    %div3A_42 = vector.broadcast %div3A_41 : f32 to vector<1x64xf32>
    %div3A_43 = arith.divf %broadcast_in_dim3A_40, %div3A_42 : vector<1x64xf32>
    %get3A_44 = arith.constant 0 : index
    %get3A_45 = arith.constant 0 : index
    %get3A_46 = vector.load %arg6[%get3A_44, %get3A_45] : memref<1x64xf32, #tpu.memory_space<vmem>>, vector<1x64xf32>
    %sub3A_47 = vector.broadcast %div3A_36 : vector<1x64xf32> to vector<10000x64xf32>
    %sub3A_48 = arith.subf %add3A_33, %sub3A_47 : vector<10000x64xf32>
    %mul3A = vector.broadcast %get3A_46 : vector<1x64xf32> to vector<10000x64xf32>
    %mul3A_49 = arith.mulf %mul3A, %sub3A_48 : vector<10000x64xf32>
    %add3A_50 = arith.constant 9.99999974E-6 : f32
    %add3A_51 = vector.broadcast %add3A_50 : f32 to vector<1x64xf32>
    %add3A_52 = arith.addf %div3A_43, %add3A_51 : vector<1x64xf32>
    %rsqrt3A = math.rsqrt %add3A_52 : vector<1x64xf32>
    %mul3A_53 = vector.broadcast %rsqrt3A : vector<1x64xf32> to vector<10000x64xf32>
    %mul3A_54 = arith.mulf %mul3A_49, %mul3A_53 : vector<10000x64xf32>
    %get3A_55 = arith.constant 0 : index
    %get3A_56 = arith.constant 0 : index
    %get3A_57 = vector.load %arg7[%get3A_55, %get3A_56] : memref<1x64xf32, #tpu.memory_space<vmem>>, vector<1x64xf32>
    %add3A_58 = vector.broadcast %get3A_57 : vector<1x64xf32> to vector<10000x64xf32>
    %add3A_59 = arith.addf %mul3A_54, %add3A_58 : vector<10000x64xf32>
    %max3A_60 = arith.constant 0.000000e+00 : f32
    %max3A_61 = vector.broadcast %max3A_60 : f32 to vector<10000x64xf32>
    %max3A_62 = arith.maximumf %add3A_59, %max3A_61 : vector<10000x64xf32>
    %swap3A = arith.constant 0 : index
    %swap3A_63 = arith.constant 0 : index
    %swap3A_64 = vector.load %arg8[%swap3A, %swap3A_63] : memref<10000x64xf32, #tpu.memory_space<vmem>>, vector<10000x64xf32>
    tpu.vector_store %arg8[%swap3A, %swap3A_63], %max3A_62 {strides = array<i32>} : memref<10000x64xf32, #tpu.memory_space<vmem>>, vector<10000x64xf32>,
    return
  }
}

module attributes {stable_mosaic.version = 14 : i64} {
  func.func @_tc_dense_body(%arg0: memref<10000x64xf32, #tpu.memory_space<vmem>>, %arg1: memref<2x10000x64xf32, #tpu.memory_space<vmem>>, %arg2: memref<64x64xf32, #tpu.memory_space<vmem>>, %arg3: memref<1x64xf32, #tpu.memory_space<vmem>>, %arg4: memref<64x64xf32, #tpu.memory_space<vmem>>, %arg5: memref<1x64xf32, #tpu.memory_space<vmem>>, %arg6: memref<1x64xf32, #tpu.memory_space<vmem>>, %arg7: memref<1x64xf32, #tpu.memory_space<vmem>>, %arg8: memref<10000x64xf32, #tpu.memory_space<vmem>>) attributes {dimension_semantics = [], scalar_prefetch = 0 : i64, scratch_operands = 0 : i64, tpu.core_type = #tpu.core_type<tc>} {
    %get3A = arith.constant 0 : index
    %get3A_0 = arith.constant 0 : index
    %get3A_1 = vector.load %arg0[%get3A, %get3A_0] : memref<10000x64xf32, #tpu.memory_space<vmem>>, vector<10000x64xf32>
    %get3A_2 = arith.constant 0 : index
    %get3A_3 = arith.constant 0 : index
    %get3A_4 = arith.constant 0 : index
    %get3A_5 = vector.load %arg1[%get3A_2, %get3A_3, %get3A_4] : memref<2x10000x64xf32, #tpu.memory_space<vmem>>, vector<1x10000x64xf32>
    %get3A_6 = vector.shape_cast %get3A_5 : vector<1x10000x64xf32> to vector<10000x64xf32>
    %add3A = arith.addf %get3A_1, %get3A_6 : vector<10000x64xf32>
    %get3A_7 = arith.constant 1 : index
    %get3A_8 = arith.constant 0 : index
    %get3A_9 = arith.constant 0 : index
    %get3A_10 = vector.load %arg1[%get3A_7, %get3A_8, %get3A_9] : memref<2x10000x64xf32, #tpu.memory_space<vmem>>, vector<1x10000x64xf32>
    %get3A_11 = vector.shape_cast %get3A_10 : vector<1x10000x64xf32> to vector<10000x64xf32>
    %add3A_12 = arith.addf %add3A, %get3A_11 : vector<10000x64xf32>
    %get3A_13 = arith.constant 0 : index
    %get3A_14 = arith.constant 0 : index
    %get3A_15 = vector.load %arg2[%get3A_13, %get3A_14] : memref<64x64xf32, #tpu.memory_space<vmem>>, vector<64x64xf32>
    %dot_general3A = arith.constant dense<0.000000e+00> : vector<10000x64xf32>
    %dot_general3A_16 = tpu.matmul %add3A_12, %get3A_15, %dot_general3A {dimension_numbers = #tpu.dot_dimension_numbers<[1], [0], [0], [1], [0, 0, 1, 1], [], []>, transpose_lhs_hint = false} : vector<10000x64xf32>, vector<64x64xf32>, vector<10000x64xf32> -> vector<10000x64xf32>
    %get3A_17 = arith.constant 0 : index
    %get3A_18 = arith.constant 0 : index
    %get3A_19 = vector.load %arg3[%get3A_17, %get3A_18] : memref<1x64xf32, #tpu.memory_space<vmem>>, vector<1x64xf32>
    %add3A_20 = vector.broadcast %get3A_19 : vector<1x64xf32> to vector<10000x64xf32>
    %add3A_21 = arith.addf %dot_general3A_16, %add3A_20 : vector<10000x64xf32>
    %max3A = arith.constant 0.000000e+00 : f32
    %max3A_22 = vector.broadcast %max3A : f32 to vector<10000x64xf32>
    %max3A_23 = arith.maximumf %add3A_21, %max3A_22 : vector<10000x64xf32>
    %get3A_24 = arith.constant 0 : index
    %get3A_25 = arith.constant 0 : index
    %get3A_26 = vector.load %arg4[%get3A_24, %get3A_25] : memref<64x64xf32, #tpu.memory_space<vmem>>, vector<64x64xf32>
    %dot_general3A_27 = arith.constant dense<0.000000e+00> : vector<10000x64xf32>
    %dot_general3A_28 = tpu.matmul %max3A_23, %get3A_26, %dot_general3A_27 {dimension_numbers = #tpu.dot_dimension_numbers<[1], [0], [0], [1], [0, 0, 1, 1], [], []>, transpose_lhs_hint = false} : vector<10000x64xf32>, vector<64x64xf32>, vector<10000x64xf32> -> vector<10000x64xf32>
    %get3A_29 = arith.constant 0 : index
    %get3A_30 = arith.constant 0 : index
    %get3A_31 = vector.load %arg5[%get3A_29, %get3A_30] : memref<1x64xf32, #tpu.memory_space<vmem>>, vector<1x64xf32>
    %add3A_32 = vector.broadcast %get3A_31 : vector<1x64xf32> to vector<10000x64xf32>
    %add3A_33 = arith.addf %dot_general3A_28, %add3A_32 : vector<10000x64xf32>
    %reduce_sum3A = arith.constant dense<0.000000e+00> : vector<64xf32>
    %reduce_sum3A_34 = vector.multi_reduction <add>, %add3A_33, %reduce_sum3A [0] : vector<10000x64xf32> to vector<64xf32>
    %broadcast_in_dim3A = vector.shape_cast %reduce_sum3A_34 : vector<64xf32> to vector<1x64xf32>
    %div3A = arith.constant 1.000000e+04 : f32
    %div3A_35 = vector.broadcast %div3A : f32 to vector<1x64xf32>
    %div3A_36 = arith.divf %broadcast_in_dim3A, %div3A_35 : vector<1x64xf32>
    %sub3A = vector.broadcast %div3A_36 : vector<1x64xf32> to vector<10000x64xf32>
    %sub3A_37 = arith.subf %add3A_33, %sub3A : vector<10000x64xf32>
    %integer_pow3A = arith.mulf %sub3A_37, %sub3A_37 : vector<10000x64xf32>
    %reduce_sum3A_38 = arith.constant dense<0.000000e+00> : vector<64xf32>
    %reduce_sum3A_39 = vector.multi_reduction <add>, %integer_pow3A, %reduce_sum3A_38 [0] : vector<10000x64xf32> to vector<64xf32>
    %broadcast_in_dim3A_40 = vector.shape_cast %reduce_sum3A_39 : vector<64xf32> to vector<1x64xf32>
    %div3A_41 = arith.constant 1.000000e+04 : f32
    %div3A_42 = vector.broadcast %div3A_41 : f32 to vector<1x64xf32>
    %div3A_43 = arith.divf %broadcast_in_dim3A_40, %div3A_42 : vector<1x64xf32>
    %get3A_44 = arith.constant 0 : index
    %get3A_45 = arith.constant 0 : index
    %get3A_46 = vector.load %arg6[%get3A_44, %get3A_45] : memref<1x64xf32, #tpu.memory_space<vmem>>, vector<1x64xf32>
    %sub3A_47 = vector.broadcast %div3A_36 : vector<1x64xf32> to vector<10000x64xf32>
    %sub3A_48 = arith.subf %add3A_33, %sub3A_47 : vector<10000x64xf32>
    %mul3A = vector.broadcast %get3A_46 : vector<1x64xf32> to vector<10000x64xf32>
    %mul3A_49 = arith.mulf %mul3A, %sub3A_48 : vector<10000x64xf32>
    %add3A_50 = arith.constant 9.99999974E-6 : f32
    %add3A_51 = vector.broadcast %add3A_50 : f32 to vector<1x64xf32>
    %add3A_52 = arith.addf %div3A_43, %add3A_51 : vector<1x64xf32>
    %rsqrt3A = math.rsqrt %add3A_52 : vector<1x64xf32>
    %mul3A_53 = vector.broadcast %rsqrt3A : vector<1x64xf32> to vector<10000x64xf32>
    %mul3A_54 = arith.mulf %mul3A_49, %mul3A_53 : vector<10000x64xf32>
    %get3A_55 = arith.constant 0 : index
    %get3A_56 = arith.constant 0 : index
    %get3A_57 = vector.load %arg7[%get3A_55, %get3A_56] : memref<1x64xf32, #tpu.memory_space<vmem>>, vector<1x64xf32>
    %add3A_58 = vector.broadcast %get3A_57 : vector<1x64xf32> to vector<10000x64xf32>
    %add3A_59 = arith.addf %mul3A_54, %add3A_58 : vector<10000x64xf32>
    %max3A_60 = arith.constant 0.000000e+00 : f32
    %max3A_61 = vector.broadcast %max3A_60 : f32 to vector<10000x64xf32>
    %max3A_62 = arith.maximumf %add3A_59, %max3A_61 : vector<10000x64xf32>
    %swap3A = arith.constant 0 : index
    %swap3A_63 = arith.constant 0 : index
    %swap3A_64 = vector.load %arg8[%swap3A, %swap3A_63] : memref<10000x64xf32, #tpu.memory_space<vmem>>, vector<10000x64xf32>
    tpu.vector_store %arg8[%swap3A, %swap3A_63], %max3A_62 {strides = array<i32>} : memref<10000x64xf32, #tpu.memory_space<vmem>>, vector<10000x64xf32>,
    return
  }
}

module attributes {stable_mosaic.version = 14 : i64} {
  func.func @_tc_dense_pool_body(%arg0: memref<10000x64xf32, #tpu.memory_space<vmem>>, %arg1: memref<2x10000x64xf32, #tpu.memory_space<vmem>>, %arg2: memref<64x64xf32, #tpu.memory_space<vmem>>, %arg3: memref<1x64xf32, #tpu.memory_space<vmem>>, %arg4: memref<64x32xf32, #tpu.memory_space<vmem>>, %arg5: memref<1x32xf32, #tpu.memory_space<vmem>>, %arg6: memref<1x32xf32, #tpu.memory_space<vmem>>, %arg7: memref<1x32xf32, #tpu.memory_space<vmem>>, %arg8: memref<10000x1xi32, #tpu.memory_space<vmem>>, %arg9: memref<64x32xf32, #tpu.memory_space<vmem>>) attributes {dimension_semantics = [], scalar_prefetch = 0 : i64, scratch_operands = 0 : i64, tpu.core_type = #tpu.core_type<tc>} {
    %get3A = arith.constant 0 : index
    %get3A_0 = arith.constant 0 : index
    %get3A_1 = vector.load %arg0[%get3A, %get3A_0] : memref<10000x64xf32, #tpu.memory_space<vmem>>, vector<10000x64xf32>
    %get3A_2 = arith.constant 0 : index
    %get3A_3 = arith.constant 0 : index
    %get3A_4 = arith.constant 0 : index
    %get3A_5 = vector.load %arg1[%get3A_2, %get3A_3, %get3A_4] : memref<2x10000x64xf32, #tpu.memory_space<vmem>>, vector<1x10000x64xf32>
    %get3A_6 = vector.shape_cast %get3A_5 : vector<1x10000x64xf32> to vector<10000x64xf32>
    %add3A = arith.addf %get3A_1, %get3A_6 : vector<10000x64xf32>
    %get3A_7 = arith.constant 1 : index
    %get3A_8 = arith.constant 0 : index
    %get3A_9 = arith.constant 0 : index
    %get3A_10 = vector.load %arg1[%get3A_7, %get3A_8, %get3A_9] : memref<2x10000x64xf32, #tpu.memory_space<vmem>>, vector<1x10000x64xf32>
    %get3A_11 = vector.shape_cast %get3A_10 : vector<1x10000x64xf32> to vector<10000x64xf32>
    %add3A_12 = arith.addf %add3A, %get3A_11 : vector<10000x64xf32>
    %get3A_13 = arith.constant 0 : index
    %get3A_14 = arith.constant 0 : index
    %get3A_15 = vector.load %arg2[%get3A_13, %get3A_14] : memref<64x64xf32, #tpu.memory_space<vmem>>, vector<64x64xf32>
    %dot_general3A = arith.constant dense<0.000000e+00> : vector<10000x64xf32>
    %dot_general3A_16 = tpu.matmul %add3A_12, %get3A_15, %dot_general3A {dimension_numbers = #tpu.dot_dimension_numbers<[1], [0], [0], [1], [0, 0, 1, 1], [], []>, transpose_lhs_hint = false} : vector<10000x64xf32>, vector<64x64xf32>, vector<10000x64xf32> -> vector<10000x64xf32>
    %get3A_17 = arith.constant 0 : index
    %get3A_18 = arith.constant 0 : index
    %get3A_19 = vector.load %arg3[%get3A_17, %get3A_18] : memref<1x64xf32, #tpu.memory_space<vmem>>, vector<1x64xf32>
    %add3A_20 = vector.broadcast %get3A_19 : vector<1x64xf32> to vector<10000x64xf32>
    %add3A_21 = arith.addf %dot_general3A_16, %add3A_20 : vector<10000x64xf32>
    %max3A = arith.constant 0.000000e+00 : f32
    %max3A_22 = vector.broadcast %max3A : f32 to vector<10000x64xf32>
    %max3A_23 = arith.maximumf %add3A_21, %max3A_22 : vector<10000x64xf32>
    %get3A_24 = arith.constant 0 : index
    %get3A_25 = arith.constant 0 : index
    %get3A_26 = vector.load %arg4[%get3A_24, %get3A_25] : memref<64x32xf32, #tpu.memory_space<vmem>>, vector<64x32xf32>
    %dot_general3A_27 = arith.constant dense<0.000000e+00> : vector<10000x32xf32>
    %dot_general3A_28 = tpu.matmul %max3A_23, %get3A_26, %dot_general3A_27 {dimension_numbers = #tpu.dot_dimension_numbers<[1], [0], [0], [1], [0, 0, 1, 1], [], []>, transpose_lhs_hint = false} : vector<10000x64xf32>, vector<64x32xf32>, vector<10000x32xf32> -> vector<10000x32xf32>
    %get3A_29 = arith.constant 0 : index
    %get3A_30 = arith.constant 0 : index
    %get3A_31 = vector.load %arg5[%get3A_29, %get3A_30] : memref<1x32xf32, #tpu.memory_space<vmem>>, vector<1x32xf32>
    %add3A_32 = vector.broadcast %get3A_31 : vector<1x32xf32> to vector<10000x32xf32>
    %add3A_33 = arith.addf %dot_general3A_28, %add3A_32 : vector<10000x32xf32>
    %reduce_sum3A = arith.constant dense<0.000000e+00> : vector<32xf32>
    %reduce_sum3A_34 = vector.multi_reduction <add>, %add3A_33, %reduce_sum3A [0] : vector<10000x32xf32> to vector<32xf32>
    %broadcast_in_dim3A = vector.shape_cast %reduce_sum3A_34 : vector<32xf32> to vector<1x32xf32>
    %div3A = arith.constant 1.000000e+04 : f32
    %div3A_35 = vector.broadcast %div3A : f32 to vector<1x32xf32>
    %div3A_36 = arith.divf %broadcast_in_dim3A, %div3A_35 : vector<1x32xf32>
    %sub3A = vector.broadcast %div3A_36 : vector<1x32xf32> to vector<10000x32xf32>
    %sub3A_37 = arith.subf %add3A_33, %sub3A : vector<10000x32xf32>
    %integer_pow3A = arith.mulf %sub3A_37, %sub3A_37 : vector<10000x32xf32>
    %reduce_sum3A_38 = arith.constant dense<0.000000e+00> : vector<32xf32>
    %reduce_sum3A_39 = vector.multi_reduction <add>, %integer_pow3A, %reduce_sum3A_38 [0] : vector<10000x32xf32> to vector<32xf32>
    %broadcast_in_dim3A_40 = vector.shape_cast %reduce_sum3A_39 : vector<32xf32> to vector<1x32xf32>
    %div3A_41 = arith.constant 1.000000e+04 : f32
    %div3A_42 = vector.broadcast %div3A_41 : f32 to vector<1x32xf32>
    %div3A_43 = arith.divf %broadcast_in_dim3A_40, %div3A_42 : vector<1x32xf32>
    %get3A_44 = arith.constant 0 : index
    %get3A_45 = arith.constant 0 : index
    %get3A_46 = vector.load %arg6[%get3A_44, %get3A_45] : memref<1x32xf32, #tpu.memory_space<vmem>>, vector<1x32xf32>
    %sub3A_47 = vector.broadcast %div3A_36 : vector<1x32xf32> to vector<10000x32xf32>
    %sub3A_48 = arith.subf %add3A_33, %sub3A_47 : vector<10000x32xf32>
    %mul3A = vector.broadcast %get3A_46 : vector<1x32xf32> to vector<10000x32xf32>
    %mul3A_49 = arith.mulf %mul3A, %sub3A_48 : vector<10000x32xf32>
    %add3A_50 = arith.constant 9.99999974E-6 : f32
    %add3A_51 = vector.broadcast %add3A_50 : f32 to vector<1x32xf32>
    %add3A_52 = arith.addf %div3A_43, %add3A_51 : vector<1x32xf32>
    %rsqrt3A = math.rsqrt %add3A_52 : vector<1x32xf32>
    %mul3A_53 = vector.broadcast %rsqrt3A : vector<1x32xf32> to vector<10000x32xf32>
    %mul3A_54 = arith.mulf %mul3A_49, %mul3A_53 : vector<10000x32xf32>
    %get3A_55 = arith.constant 0 : index
    %get3A_56 = arith.constant 0 : index
    %get3A_57 = vector.load %arg7[%get3A_55, %get3A_56] : memref<1x32xf32, #tpu.memory_space<vmem>>, vector<1x32xf32>
    %add3A_58 = vector.broadcast %get3A_57 : vector<1x32xf32> to vector<10000x32xf32>
    %add3A_59 = arith.addf %mul3A_54, %add3A_58 : vector<10000x32xf32>
    %max3A_60 = arith.constant 0.000000e+00 : f32
    %max3A_61 = vector.broadcast %max3A_60 : f32 to vector<10000x32xf32>
    %max3A_62 = arith.maximumf %add3A_59, %max3A_61 : vector<10000x32xf32>
    %iota3A = tpu.iota {dimensions = array<i32: 1>} : vector<10000x64xi32>
    %get3A_63 = arith.constant 0 : index
    %get3A_64 = arith.constant 0 : index
    %get3A_65 = vector.load %arg8[%get3A_63, %get3A_64] : memref<10000x1xi32, #tpu.memory_space<vmem>>, vector<10000x1xi32>
    %eq3A = vector.broadcast %get3A_65 : vector<10000x1xi32> to vector<10000x64xi32>
    %eq3A_66 = arith.cmpi eq, %eq3A, %iota3A : vector<10000x64xi32>
    %convert_element_type3A = arith.extui %eq3A_66 : vector<10000x64xi1> to vector<10000x64xi32>
    %convert_element_type3A_67 = arith.sitofp %convert_element_type3A : vector<10000x64xi32> to vector<10000x64xf32>
    %dot_general3A_68 = arith.constant dense<0.000000e+00> : vector<64x32xf32>
    %dot_general3A_69 = tpu.matmul %convert_element_type3A_67, %max3A_62, %dot_general3A_68 {dimension_numbers = #tpu.dot_dimension_numbers<[0], [0], [1], [1], [0, 1, 1, 1], [], []>, transpose_lhs_hint = false} : vector<10000x64xf32>, vector<10000x32xf32>, vector<64x32xf32> -> vector<64x32xf32>
    %broadcast_in_dim3A_70 = arith.constant 1.000000e+00 : f32
    %broadcast_in_dim3A_71 = vector.broadcast %broadcast_in_dim3A_70 : f32 to vector<10000x1xf32>
    %dot_general3A_72 = arith.constant dense<0.000000e+00> : vector<64x1xf32>
    %dot_general3A_73 = tpu.matmul %convert_element_type3A_67, %broadcast_in_dim3A_71, %dot_general3A_72 {dimension_numbers = #tpu.dot_dimension_numbers<[0], [0], [1], [1], [0, 1, 1, 1], [], []>, transpose_lhs_hint = false} : vector<10000x64xf32>, vector<10000x1xf32>, vector<64x1xf32> -> vector<64x1xf32>
    %max3A_74 = arith.constant 1.000000e+00 : f32
    %max3A_75 = vector.broadcast %max3A_74 : f32 to vector<64x1xf32>
    %max3A_76 = arith.maximumf %dot_general3A_73, %max3A_75 : vector<64x1xf32>
    %div3A_77 = vector.broadcast %max3A_76 : vector<64x1xf32> to vector<64x32xf32>
    %div3A_78 = arith.divf %dot_general3A_69, %div3A_77 : vector<64x32xf32>
    %swap3A = arith.constant 0 : index
    %swap3A_79 = arith.constant 0 : index
    %swap3A_80 = vector.load %arg9[%swap3A, %swap3A_79] : memref<64x32xf32, #tpu.memory_space<vmem>>, vector<64x32xf32>
    tpu.vector_store %arg9[%swap3A, %swap3A_79], %div3A_78 {strides = array<i32>} : memref<64x32xf32, #tpu.memory_space<vmem>>, vector<64x32xf32>,
    return
  }
}

</mosaic_0001>

<sc_bundles>
// kernel: kernel.11.cloned.1.call-start
scs
__scs_entry_jumppad:
0x0: {  	(pc) =	sbr.rel $0x88, $3  }
0x1: {  	(tag) =	ssettag $0x0;
	lr =	simm.s32 $0x1  }
0x2: {  	[smem:$0x3F80] =	sst lr;
	_ =	strace $0xD0000000  }
0x3: {  	_ = 	snop  }
0x4: {  	_ = 	snop  }
0x5: {  	_ = 	snop  }
0x6: {  	_ = 	snop  }
0x7: {  	_ = 	snop  }
__scs_overlays_trampoline_lowered:
0x8: {  	[smem:$0x3F8F] =	sst s0  }
0x9: {  	[smem:$0x3F90] =	sst s1  }
0xa: {  	[smem:$0x3F91] =	sst s2  }
0xb: {  	[smem:$0x3F92] =	sst s3  }
0xc: {  	[smem:$0x3F93] =	sst s4  }
0xd: {  	[smem:$0x3F94] =	sst s5  }
0xe: {  	[smem:$0x3F95] =	sst s6  }
0xf: {  	[smem:$0x3F96] =	sst s7  }
0x10: {  	[smem:$0x3F97] =	sst s8  }
0x11: {  	[smem:$0x3F98] =	sst s9;
	s0 =	simm.s32 @!p0 $0x0  }
0x12: {  	s1 =	sld [smem:$0x3F7E];
	s0 =	simm.s32 @p0 $0x1  }
0x13: {  	[smem:$0x3F99] =	sst s0;
	s0 =	simm.s32 @!p1 $0x0  }
0x14: {  	s2 =	sld [smem:$0x3F7D];
	s0 =	simm.s32 @p1 $0x1  }
0x15: {  	[smem:$0x3F9A] =	sst s0;
	s0 =	simm.s32 @!p2 $0x0  }
0x16: {  	s3 =	sld [smem:$0x3FDB];
	s0 =	simm.s32 @p2 $0x1  }
0x17: {  	s4 =	simm.s32 $0x1BF5;
	[smem:$0x3F9C] =	sst s0  }
0x18: {  	s0 =	sld [smem:$0x3F7F];
	_ =	swait.ge [sflag:s4], $0x0  }
0x19: {  	s7 =	sld [smem:$0x3F80]  }
0x1a: {  	s8 =	sadd.s32 $0xFFFFE003, lr  }
0x1b: {  	s9 =	sadd.s32 $0xFFFFFEF7, lr;
	s5 =	simm.s32 $0xFFFFFFFF;
	p2 =	slt.u32 s8, $0xFFFFF086  }
0x1c: {  	p1 =	slt.u32 s9, $0xF7A;
	s5 =	simm.s32 @!p2 $0x0  }
0x1d: {  	s5 =	simm.s32 @p1 $0x1;
	p0 =	seq.s32 s7, s2  }
0x1e: {  	s7 =	smul.u32 @!p0 $0xF7A, s2;
	p2 =	seq.s32 @!p0 s5, $0x0  }
0x1f: {  	s9 =	smul.u32 $0xF7A, s1;
	s8 =	simm.s32 @!p0 $0x1BF5;
	p2 =	por !p2, p0  }
0x20: {  	[sflag:s8] =	ssyncset.s32 @!p0 $0xFFFFF086;
	s6 =	sadd.s32 @!p0 s3, s7;
	s7 =	simm.s32 @!p0 $0x108  }
0x21: {  	s3 =	sadd.s32 s3, s9;
	s6 =	sadd.s32 @!p0 $0x88, s6;
	s7 =	simm.s32 @p2 $0x1082  }
0x22: {  	[simem:s7], [sflag:s8] =	dma.local @!p0 [hbm:s6], $0xF7A  }
0x23: {  	s9 =	sor.u32 $0xD0000000, s2;
	s6 =	simm.s32 $0x108;
	_ =	swait.ge @!p0 [sflag:s8], $0x0  }
0x24: {  	s3 =	sadd.s32 $0x88, s3;
	s6 =	simm.s32 @!p1 $0x1082;
	[sflag:s4] =	ssyncset.s32 $0xFFFFF086  }
0x25: {  	[simem:s6], [sflag:s4] =	dma.local [hbm:s3], $0xF7A  }
0x26: {  	[smem:$0x3F80] =	sst s1;
	(tag) =	ssettag s2;
	_ =	strace s9  }
0x27: {  	s1 =	sld [smem:$0x3F90]  }
0x28: {  	s2 =	sld [smem:$0x3F91]  }
0x29: {  	s4 =	sld [smem:$0x3F93]  }
0x2a: {  	p0 =	seq.s32 s5, $0x0;
	s5 =	sld [smem:$0x3F94]  }
0x2b: {  	s6 =	sld [smem:$0x3F95]  }
0x2c: {  	s7 =	sld [smem:$0x3F96]  }
0x2d: {  	s3 =	simm.s32 $0x108;
	s8 =	sld [smem:$0x3F97]  }
0x2e: {  	s3 =	simm.s32 @!p0 $0x1082;
	s9 =	sld [smem:$0x3F98]  }
0x2f: {  	lr =	sadd.s32 s0, s3;
	s0 =	sld [smem:$0x3F8F]  }
0x30: {  	s3 =	sld [smem:$0x3F92]  }
0x31: {  	[smem:$0x3F9B] =	sst s10  }
0x32: {  	s10 =	sld [smem:$0x3F99];
	_ =	sdelay $0x3  }
0x33: {  	p0 =	seq.s32 s10, $0x1;
	s10 =	sld [smem:$0x3F9B];
	_ =	sdelay $0x3  }
0x34: {  	[smem:$0x3F9B] =	sst s10  }
0x35: {  	s10 =	sld [smem:$0x3F9A];
	_ =	sdelay $0x3  }
0x36: {  	p1 =	seq.s32 s10, $0x1;
	s10 =	sld [smem:$0x3F9B];
	_ =	sdelay $0x3  }
0x37: {  	[smem:$0x3F9B] =	sst s10  }
0x38: {  	s10 =	sld [smem:$0x3F9C]  }
0x39: {  	_ = 	snop;
	(pc) =	sbr.ind lr, $3  }
0x3a: {  	_ = 	snop  }
0x3b: {  	_ = 	snop  }
0x3c: {  	p2 =	seq.s32 s10, $0x1;
	s10 =	sld [smem:$0x3F9B]  }
0x3d: {  	_ =	shalt  }
0x3e: {  	_ =	shalt  }
0x3f: {  	_ =	shalt  }
0x40: {  	_ =	shalt  }
0x41: {  	_ =	shalt  }
0x42: {  	_ =	shalt  }
0x43: {  	_ =	shalt  }
0x44: {  	_ =	shalt  }
0x45: {  	_ =	shalt  }
0x46: {  	_ =	shalt  }
0x47: {  	_ =	shalt  }
0x48: {  	_ =	shalt  }
0x49: {  	_ =	shalt  }
0x4a: {  	_ =	shalt  }
0x4b: {  	_ =	shalt  }
0x4c: {  	_ =	shalt  }
0x4d: {  	_ =	shalt  }
0x4e: {  	_ =	shalt  }
0x4f: {  	_ =	shalt  }
0x50: {  	_ =	shalt  }
0x51: {  	_ =	shalt  }
0x52: {  	_ =	shalt  }
0x53: {  	_ =	shalt  }
0x54: {  	_ =	shalt  }
0x55: {  	_ =	shalt  }
0x56: {  	_ =	shalt  }
0x57: {  	_ =	shalt  }
0x58: {  	_ =	shalt  }
0x59: {  	_ =	shalt  }
0x5a: {  	_ =	shalt  }
0x5b: {  	_ =	shalt  }
0x5c: {  	_ =	shalt  }
0x5d: {  	_ =	shalt  }
0x5e: {  	_ =	shalt  }
0x5f: {  	_ =	shalt  }
0x60: {  	_ =	shalt  }
0x61: {  	_ =	shalt  }
0x62: {  	_ =	shalt  }
0x63: {  	_ =	shalt  }
0x64: {  	_ =	shalt  }
0x65: {  	_ =	shalt  }
0x66: {  	_ =	shalt  }
0x67: {  	_ =	shalt  }
0x68: {  	_ =	shalt  }
0x69: {  	_ =	shalt  }
0x6a: {  	_ =	shalt  }
0x6b: {  	_ =	shalt  }
0x6c: {  	_ =	shalt  }
0x6d: {  	_ =	shalt  }
0x6e: {  	_ =	shalt  }
0x6f: {  	_ =	shalt  }
0x70: {  	_ =	shalt  }
0x71: {  	_ =	shalt  }
0x72: {  	_ =	shalt  }
0x73: {  	_ =	shalt  }
0x74: {  	_ =	shalt  }
0x75: {  	_ =	shalt  }
0x76: {  	_ =	shalt  }
0x77: {  	_ =	shalt  }
0x78: {  	_ =	shalt  }
0x79: {  	_ =	shalt  }
0x7a: {  	_ =	shalt  }
0x7b: {  	_ =	shalt  }
0x7c: {  	_ =	shalt  }
0x7d: {  	_ =	shalt  }
0x7e: {  	_ =	shalt  }
0x7f: {  	_ =	shalt  }
0x80: {  	_ =	shalt  }
0x81: {  	_ =	shalt  }
0x82: {  	_ =	shalt  }
0x83: {  	_ =	shalt  }
0x84: {  	_ =	shalt  }
0x85: {  	_ =	shalt  }
0x86: {  	_ =	shalt  }
0x87: {  	_ =	shalt  }
.Lfunc_end0:
.L_simem_size_0:
called_computation.1_lowered:
.L_overlay_start_0:
0x88: {  	s2 =	sld [smem:$0x3FD9]  }
0x89: {  	s3 =	sld [smem:$0x3FFE];
	_ =	sdelay $0x1  }
0x8a: {  	s1 =	srdreg.scid  }
0x8b: {  	s0 =	sand.u32 $0x1, s1  }
0x8c: {  	s17 =	sshll.u32 s0, $0xA;
	s2 =	sadd.s32 s3, s2  }
0x8d: {  	s2 =	sadd.s32 s2, s17  }
0x8e: {  	[smem:$0x3FA7] =	sst s2  }
0x8f: {  	_ = 	snop  }
0x90: {  	s2 =	sld [smem:$0x3FC5]  }
0x91: {  	s18 =	sld [smem:$0x3FC4]  }
0x92: {  	s4 =	sld [smem:$0x3FC3]  }
0x93: {  	s5 =	sld [smem:$0x3FC2];
	(tm) =	ssettm $0x1  }
0x94: {  	s6 =	sld [smem:$0x3FFB];
	_ =	sdelay $0x3  }
0x95: {  	_ =	strace s6  }
0x96: {  	s6 =	sld [smem:$0x3FFC];
	_ =	sdelay $0x3  }
0x97: {  	_ =	strace s6  }
0x98: {  	s6 =	sld [smem:$0x3FFD];
	_ =	sdelay $0x3  }
0x99: {  	_ =	strace s6  }
0x9a: {  	_ =	strace $0x8FFFFFFF  }
0x9b: {  	s19 =	sld [smem:$0x3FDB];
	_ =	sdelay $0x1  }
0x9c: {  	s7 =	simm.s32 $_scs_section_size  }
0x9d: {  	s8 =	simm.s32 $_size__tile_overlayer_lowered;
	s9 =	simm.s32 $_tile_overlayer_lowered  }
0x9e: {  	s22 =	simm.s32 $0x1BFF;
	s21 =	sshll.u32 s9, $0x1;
	s6 =	sadd.s32 s7, s19  }
0x9f: {  	s10 =	simm.s32 $0x0;
	s20 =	sshll.u32 s8, $0x1;
	s8 =	sadd.s32 s21, s6  }
0xa0: {  	[timem:s10], [sflag:s22] =	dma.local [hbm:s8], s20  }
0xa1: {  	_ =	swait.ge [sflag:s22], s20  }
0xa2: {  	s7 =	ssub.s32 $0x0, s20;
	[sflag:s22] =	ssyncset.done $0x0  }
0xa3: {  	[sflag:s22] =	ssyncadd.s32 s7;
	_ =	sdelay $0x1  }
0xa4: {  	s23 =	simm.s32 $0x1B8B  }
0xa5: {  	_ =	swait.ge [sflag:s23], $0x1  }
0xa6: {  	[sflag:s23] =	ssyncset.done $0x0  }
0xa7: {  	s25 =	simm.s32 $0x1B8E;
	s24 =	sld [smem:$0x3FFE];
	[sflag:s23] =	ssyncadd.s32 $0xFFFFFFFF  }
0xa8: {  	s26 =	simm.s32 $execute0_lowered;
	[smem:$0x3FD2] =	sst s25  }
0xa9: {  	s8 =	sshll.u32 s26, $0x1;
	_ =	strace $0x80000049;
	[dreg:$0x1] =	wrdreg $0xFFFFFFFF  }
0xaa: {  	s28 =	simm.s32 $_size_execute0_lowered;
	s6 =	sadd.s32 s6, s8;
	[dreg:$0x0] =	wrdreg $0x0  }
0xab: {  	s8 =	sshll.u32 s28, $0x1;
	[dreg:$0x2] =	wrdreg s6  }
0xac: {  	[dreg:$0x3] =	wrdreg s8  }
0xad: {  	[dreg:$0x4] =	wrdreg $0xC0  }
0xae: {  	_ =	task [dreg:s10], $0x5FFFF  }
0xaf: {  	[dreg:$0x1] =	wrdreg $0xFFFFFFFF  }
0xb0: {  	[dreg:$0x0] =	wrdreg $0x60  }
0xb1: {  	[dreg:$0x2] =	wrdreg s24  }
0xb2: {  	[dreg:$0x3] =	wrdreg s2  }
0xb3: {  	[dreg:$0x4] =	wrdreg s18  }
0xb4: {  	[dreg:$0x5] =	wrdreg s4  }
0xb5: {  	[dreg:$0x6] =	wrdreg s5  }
0xb6: {  	[dreg:$0x7] =	wrdreg $0x0  }
0xb7: {  	[dreg:$0x8] =	wrdreg $0x9C400  }
0xb8: {  	[dreg:$0x9] =	wrdreg $0x9  }
0xb9: {  	_ =	task.clear_ibuf [dreg:s10], $0xAFFFF;
	_ =	strace $0x90000049  }
0xba: {  	s29 =	simm.s32 $0x9;
	_ =	strace $0x8000004B  }
0xbb: {  	_ =	swait.ge [sflag:s29], $0x1  }
0xbc: {  	[sflag:s29] =	ssyncadd.s32 $0xFFFFFFFF  }
0xbd: {  	_ =	strace $0x9000004B  }
0xbe: {  	_ =	sfence  }
0xbf: {  	s30 =	sld [smem:$0x0];
	_ =	sdelay $0x2  }
0xc0: {  	s31 =	sshll.u32 s1, $0xD;
	s1 =	sshrl.u32 s1, $0x2  }
0xc1: {  	s3 =	sand.u32 $0x4000, s31;
	s1 =	sadd.s32 s1, s30  }
0xc2: {  	s0 =	sor.u32 s3, s0;
	s1 =	sshll.u32 s1, $0x11  }
0xc3: {  	s0 =	sor.u32 s1, s0  }
0xc4: {  	s0 =	sadd.s32 $0x8F2B, s0  }
0xc5: {  	[sflag:s0] =	ssyncadd.remote.s32 $0x1  }
0xc6: {  	_ =	sfence.sel $0xFFFF  }
0xc7: {  	[dreg:$0x0] =	wrdreg $0xFFFFFFFF;
	(pc) =	sbr.abs _section_cstart, $3  }
0xc8: {  	[dreg:$0x1] =	wrdreg $0xFFFFFFFF  }
0xc9: {  	_ =	task.clear_ibuf [dreg:s10], $0x2FFFF;
	_ =	strace $0x9FFFFFFF  }
0xca: {  	(tm) =	ssettm $0x7FFFFFFF  }
0xcb: {  	_ =	shalt  }
tec
execute0_lowered:
.L_overlay_start_1:
0x0: {  	(tag) =	ssettag $0x1  }
0x1: {  	s0 =	rddreg [dreg:$0x0]  }
0x2: {  	s5 =	rddreg [dreg:$0x5]  }
0x3: {  	s7 =	rddreg [dreg:$0x6];
	s8 =	simm.s32 $0x0  }
0x4: {  	s13 =	stileid.u32;
	s1 =	srdreg.scid;
	s29 =	simm.s32 $0x3  }
0x5: {  	s30 =	simm.s32 $0x13880;
	s31 =	simm.s32 $0x4;
	s28 =	simm.s32 $0x0  }
0x6: {  	[smem:$0x7FF] =	sst s8;
	s2 =	smul.u32 $0x2700, s13;
	s1 =	sand.u32 $0x1, s1  }
0x7: {  	s3 =	sadd.s32 $0xDE00, s0;
	s6 =	sadd.s32 $0x4000, s0;
	s10 =	smul.u32 $0x13800, s13  }
0x8: {  	s12 =	sshll.u32 s13, $0x1;
	s19 =	sadd.s32 $0x138000, s5;
	s21 =	sadd.s32 $0x65E00, s0  }
0x9: {  	s23 =	sshll.u32 s13, $0x5;
	p0 =	sne.s32 s13, $0xF;
	_ =	strace $0x8000004A  }
0xa: {  	s4 =	smul.u32 $0x27100, s1;
	s9 =	ssub.s32 $0x2, s1;
	[dreg:$0xc] =	wrdreg s19  }
0xb: {  	s16 =	sor.u32 s1, s12;
	[dreg:$0xd] =	wrdreg s21;
	s24 =	sadd.s32 s23, s3  }
0xc: {  	s25 =	sadd.s32 s23, s6;
	s26 =	sshll.u32 s1, $0x4;
	s1 =	simm.s32 $0x80  }
0xd: {  	s23 =	simm.s32 $0x1;
	[dreg:$0x8] =	wrdreg s2;
	s2 =	sadd.s32 s2, s0  }
0xe: {  	s11 =	sshrl.u32 s9, $0x1;
	s17 =	sadd.s32 s10, s5;
	s10 =	sadd.s32 s10, s7  }
0xf: {  	s21 =	sadd.s32 s26, s25;
	s4 =	sadd.s32 s4, s0;
	s9 =	ssub.s32 s9, s11  }
0x10: {  	[dreg:$0x9] =	wrdreg s17;
	s18 =	sadd.s32 $0x3EE00, s2;
	s11 =	sor.u32 $0x9C0, s16  }
0x11: {  	s2 =	sadd.s32 $0x17C00, s2;
	s17 =	sadd.s32 $0x3EC00, s0;
	[dreg:$0xa] =	wrdreg s18  }
0x12: {  	s0 =	simm.s32 $0x13980;
	[dreg:$0xb] =	wrdreg s2;
	s20 =	sshll.u32 s11, $0x4  }
0x13: {  	s18 =	sadd.s32 $0x66000, s4;
	s19 =	smax.u32 s9, $0x1;
	p1 =	sgt.u32 s11, $0x9C3  }
0x14: {  	s2 =	simm.s32 $0x13A80;
	s4 =	simm.s32 $0x13A00;
	s22 =	sadd.s32 s3, s20  }
0x15: {  	s16 =	sadd.s32 s6, s20;
	s6 =	sadd.s32 $0x138000, s7;
	s20 =	sadd.s32 s26, s24  }
0x16: {  	s24 =	sshrl.u32 s10, $0x3;
	s3 =	simm.s32 $0x13900;
	s26 =	simm.s32 $0x2  }
0x17: {  	[dreg:$0xe] =	wrdreg s22;
	s25 =	sshrl.u32 @!p0 s6, $0x3;
	s22 =	simm.s32 $0x17A80  }
.LBB2_1:
0x18: {  	s6 =	rddreg [dreg:$0x1];
	s9 =	simm.s32 $0x1BA80  }
0x19: {  	[tilespmem:s9], [sflag:$0x3] =	stream.linear.gather [hbm4b:s6+s8], $0x1, $0x38;
	[tilespmem:$0x1BC80] =	vst v63  }
0x1a: {  	s12 =	rddreg [dreg:$0x2];
	s13 =	simm.s32 $0x1BB00  }
0x1b: {  	[tilespmem:s13], [sflag:$0x3] =	stream.linear.gather [hbm4b:s12+s8], $0x1, $0x38;
	[tilespmem:$0x1BC80] =	vst v63  }
0x1c: {  	s14 =	rddreg [dreg:$0x3];
	s15 =	simm.s32 $0x1BB80  }
0x1d: {  	[tilespmem:s15], [sflag:$0x3] =	stream.linear.gather [hbm4b:s14+s8], $0x1, $0x38;
	[tilespmem:$0x1BC80] =	vst v63  }
0x1e: {  	s10 =	simm.s32 $0x1BC00;
	s9 =	rddreg [dreg:$0x4]  }
0x1f: {  	[tilespmem:s10], [sflag:$0x3] =	stream.linear.gather [hbm4b:s9+s8], $0x1, $0x38;
	[tilespmem:$0x1BC80] =	vst v63  }
0x20: {  	_ =	swait.ge [sflag:s29], $0x1  }
0x21: {  	[sflag:s29] =	ssyncset.done $0x0  }
0x22: {  	[sflag:s29] =	ssyncadd.s32 $0xFFFFFFFF  }
0x23: {  	_ =	swait.ge [sflag:s29], $0x1  }
0x24: {  	[sflag:s29] =	ssyncset.done $0x0  }
0x25: {  	[sflag:s29] =	ssyncadd.s32 $0xFFFFFFFF  }
0x26: {  	_ =	swait.ge [sflag:s29], $0x1  }
0x27: {  	[sflag:s29] =	ssyncset.done $0x0  }
0x28: {  	s11 =	stileid.u32;
	[sflag:s29] =	ssyncadd.s32 $0xFFFFFFFF  }
0x29: {  	s6 =	sshll.u32 s11, $0x6;
	_ =	swait.ge [sflag:s29], $0x1  }
0x2a: {  	s6 =	sor.u32 $0x1C03, s6;
	[sflag:s29] =	ssyncset.done $0x0;
	s12 =	rddreg [dreg:$0x9]  }
0x2b: {  	s10 =	rddreg [dreg:$0xa];
	[sflag:s29] =	ssyncadd.s32 $0xFFFFFFFF;
	s9 =	sshrl.u32 s12, $0x3  }
0x2c: {  	[spmem:s9], [sflag:s6] =	dma.local [hbm:s10], $0x2700  }
0x2d: {  	_ =	swait.ge [sflag:s29], $0x2700  }
0x2e: {  	[sflag:s29] =	ssyncset.done $0x0  }
0x2f: {  	s13 =	rddreg [dreg:$0xb];
	[sflag:s29] =	ssyncadd.s32 $0xFFFFD900  }
0x30: {  	[spmem:s24], [sflag:s6] =	dma.local [hbm:s13], $0x2700  }
0x31: {  	_ =	swait.ge [sflag:s29], $0x2700  }
0x32: {  	[sflag:s29] =	ssyncset.done $0x0;
	s10 =	rddreg [dreg:$0xc]  }
0x33: {  	s11 =	rddreg [dreg:$0xd];
	[sflag:s29] =	ssyncadd.s32 $0xFFFFD900;
	s10 =	sshrl.u32 @!p0 s10, $0x3  }
0x34: {  	[spmem:s10], [sflag:s6] =	dma.local @!p0 [hbm:s11], $0x100  }
0x35: {  	s11 =	simm.s32 @!p0 $0x3  }
0x36: {  	_ =	swait.ge @!p0 [sflag:s11], $0x100  }
0x37: {  	[sflag:s11] =	ssyncset.done @!p0 $0x0  }
0x38: {  	[sflag:s11] =	ssyncadd.s32 @!p0 $0xFFFFFF00  }
0x39: {  	[spmem:s25], [sflag:s6] =	dma.local @!p0 [hbm:s17], $0x100  }
0x3a: {  	_ =	swait.ge @!p0 [sflag:s11], $0x100  }
0x3b: {  	[sflag:s11] =	ssyncset.done @!p0 $0x0  }
0x3c: {  	[sflag:s11] =	ssyncadd.s32 @!p0 $0xFFFFFF00  }
0x3d: {  	s14 =	sadd.s32 $0x0, s20;
	[bflag:$0x0] =	sbarrier.arrive $0xFFFF  }
0x3e: {  	[tilespmem:s30], [sflag:$0x4] =	stream.linear.gather [hbm4b:s14+s8], $0x80, $0x38;
	[tilespmem:$0x1BC80] =	vst v63  }
0x3f: {  	_ =	swait.ge [sflag:s31], $0x80  }
0x40: {  	[sflag:s31] =	ssyncset.done $0x0  }
0x41: {  	s12 =	sadd.s32 $0x0, s21;
	[sflag:s31] =	ssyncadd.s32 $0xFFFFFF80  }
0x42: {  	[tilespmem:s0], [sflag:$0x4] =	stream.linear.gather [hbm4b:s12+s8], $0x80, $0x38;
	[tilespmem:$0x1BC80] =	vst v63  }
0x43: {  	_ =	swait.ge [sflag:s31], $0x80  }
0x44: {  	[sflag:s31] =	ssyncset.done $0x0  }
0x45: {  	[sflag:s31] =	ssyncadd.s32 $0xFFFFFF80  }
0x46: {  	[tilespmem:s2], [sflag:$0x1] =	stream.indirect.gather [spmem:s7], $0x40, s30, s1, $0xb8;
	[tilespmem:$0x1BC80] =	vst v63  }
0x47: {  	s11 =	sadd.s32 $0x200, s14  }
0x48: {  	[tilespmem:s3], [sflag:$0x4] =	stream.linear.gather [hbm4b:s11+s8], $0x80, $0x38;
	[tilespmem:$0x1BC80] =	vst v63  }
0x49: {  	_ =	swait.ge [sflag:s31], $0x80  }
0x4a: {  	[sflag:s31] =	ssyncset.done $0x0  }
0x4b: {  	s15 =	sadd.s32 $0x200, s12;
	[sflag:s31] =	ssyncadd.s32 $0xFFFFFF80  }
0x4c: {  	[tilespmem:s4], [sflag:$0x4] =	stream.linear.gather [hbm4b:s15+s8], $0x80, $0x38;
	[tilespmem:$0x1BC80] =	vst v63  }
0x4d: {  	_ =	swait.ge [sflag:s31], $0x80  }
0x4e: {  	[sflag:s31] =	ssyncset.done $0x0  }
0x4f: {  	[sflag:s31] =	ssyncadd.s32 $0xFFFFFF80  }
0x50: {  	[tilespmem:s22], [sflag:$0x2] =	stream.indirect.gather [spmem:s7], $0x40, s3, s1, $0xb8;
	[tilespmem:$0x1BC80] =	vst v63  }
0x51: {  	_ =	swait.ge [sflag:s23], $0x2000  }
0x52: {  	[sflag:s23] =	ssyncset.done $0x0  }
0x53: {  	[sflag:s23] =	ssyncadd.s32 $0xFFFFE000  }
0x54: {  	[spmem:s5] =	stream.indirect.scatter.add.f32 [tilespmem:s2], [sflag:$0x4], $0x40, s0, s1, $0xb8;
	[tilespmem:$0x1BC80] =	vst v63  }
0x55: {  	_ =	swait.ge [sflag:s31], $0x2000  }
0x56: {  	[sflag:s31] =	ssyncset.done $0x0  }
0x57: {  	[sflag:s31] =	ssyncadd.s32 $0xFFFFE000  }
0x58: {  	_ =	swait.ge [sflag:s26], $0x2000  }
0x59: {  	[sflag:s26] =	ssyncset.done $0x0  }
0x5a: {  	[sflag:s26] =	ssyncadd.s32 $0xFFFFE000  }
0x5b: {  	[spmem:s5] =	stream.indirect.scatter.add.f32 [tilespmem:s22], [sflag:$0x3], $0x40, s4, s1, $0xb8;
	[tilespmem:$0x1BC80] =	vst v63  }
0x5c: {  	_ =	swait.ge [sflag:s29], $0x2000  }
0x5d: {  	s12 =	simm.s32 $0x800;
	s11 =	simm.s32 $0x400;
	[sflag:s29] =	ssyncset.done $0x0  }
.LBB2_2:
0x5e: {  	s14 =	sadd.s32 s11, s20  }
0x5f: {  	[sflag:s29] =	ssyncadd.s32 $0xFFFFE000;
	s15 =	smov.u32 s12;
	s13 =	sadd.s32 $0x400, s12  }
0x60: {  	[tilespmem:s30], [sflag:$0x4] =	stream.linear.gather [hbm4b:s14+s8], $0x80, $0x38;
	[tilespmem:$0x1BC80] =	vst v63  }
0x61: {  	p2 =	sne.s32 s12, $0x9800;
	_ =	swait.ge [sflag:s31], $0x80  }
0x62: {  	[sflag:s31] =	ssyncset.done $0x0  }
0x63: {  	s12 =	sadd.s32 s11, s21;
	s11 =	smov.u32 s15;
	[sflag:s31] =	ssyncadd.s32 $0xFFFFFF80  }
0x64: {  	[tilespmem:s0], [sflag:$0x4] =	stream.linear.gather [hbm4b:s12+s8], $0x80, $0x38;
	[tilespmem:$0x1BC80] =	vst v63  }
0x65: {  	_ =	swait.ge [sflag:s31], $0x80  }
0x66: {  	[sflag:s31] =	ssyncset.done $0x0  }
0x67: {  	[sflag:s31] =	ssyncadd.s32 $0xFFFFFF80  }
0x68: {  	[tilespmem:s2], [sflag:$0x1] =	stream.indirect.gather [spmem:s7], $0x40, s30, s1, $0xb8;
	[tilespmem:$0x1BC80] =	vst v63  }
0x69: {  	s14 =	sadd.s32 $0x200, s14  }
0x6a: {  	[tilespmem:s3], [sflag:$0x4] =	stream.linear.gather [hbm4b:s14+s8], $0x80, $0x38;
	[tilespmem:$0x1BC80] =	vst v63  }
0x6b: {  	_ =	swait.ge [sflag:s31], $0x80  }
0x6c: {  	[sflag:s31] =	ssyncset.done $0x0  }
0x6d: {  	s12 =	sadd.s32 $0x200, s12;
	[sflag:s31] =	ssyncadd.s32 $0xFFFFFF80  }
0x6e: {  	[tilespmem:s4], [sflag:$0x4] =	stream.linear.gather [hbm4b:s12+s8], $0x80, $0x38;
	[tilespmem:$0x1BC80] =	vst v63  }
0x6f: {  	_ =	swait.ge [sflag:s31], $0x80  }
0x70: {  	[sflag:s31] =	ssyncset.done $0x0  }
0x71: {  	[sflag:s31] =	ssyncadd.s32 $0xFFFFFF80  }
0x72: {  	[tilespmem:s22], [sflag:$0x2] =	stream.indirect.gather [spmem:s7], $0x40, s3, s1, $0xb8;
	[tilespmem:$0x1BC80] =	vst v63  }
0x73: {  	_ =	swait.ge [sflag:s23], $0x2000  }
0x74: {  	[sflag:s23] =	ssyncset.done $0x0  }
0x75: {  	[sflag:s23] =	ssyncadd.s32 $0xFFFFE000  }
0x76: {  	[spmem:s5] =	stream.indirect.scatter.add.f32 [tilespmem:s2], [sflag:$0x4], $0x40, s0, s1, $0xb8;
	[tilespmem:$0x1BC80] =	vst v63  }
0x77: {  	_ =	swait.ge [sflag:s31], $0x2000  }
0x78: {  	[sflag:s31] =	ssyncset.done $0x0  }
0x79: {  	[sflag:s31] =	ssyncadd.s32 $0xFFFFE000  }
0x7a: {  	_ =	swait.ge [sflag:s26], $0x2000  }
.Ltmp0:
0x7b: {  	[sflag:s26] =	ssyncset.done $0x0;
	(pc) =	sbr.rel @p2 .LBB2_2-.Ltmp0, $4  }
0x7c: {  	[sflag:s26] =	ssyncadd.s32 $0xFFFFE000  }
0x7d: {  	[spmem:s5] =	stream.indirect.scatter.add.f32 [tilespmem:s22], [sflag:$0x3], $0x40, s4, s1, $0xb8;
	[tilespmem:$0x1BC80] =	vst v63  }
0x7e: {  	_ =	swait.ge [sflag:s29], $0x2000  }
0x7f: {  	s12 =	smov.u32 s13;
	[sflag:s29] =	ssyncset.done $0x0  }
0x80: {  	s12 =	sadd.s32 s11, s20;
	[sflag:s29] =	ssyncadd.s32 $0xFFFFE000  }
0x81: {  	[tilespmem:s30], [sflag:$0x4] =	stream.linear.gather [hbm4b:s12+s8], $0x80, $0x38;
	[tilespmem:$0x1BC80] =	vst v63  }
0x82: {  	_ =	swait.ge [sflag:s31], $0x80  }
0x83: {  	[sflag:s31] =	ssyncset.done $0x0  }
0x84: {  	s14 =	sadd.s32 s11, s21;
	[sflag:s31] =	ssyncadd.s32 $0xFFFFFF80  }
0x85: {  	[tilespmem:s0], [sflag:$0x4] =	stream.linear.gather [hbm4b:s14+s8], $0x80, $0x38;
	[tilespmem:$0x1BC80] =	vst v63  }
0x86: {  	_ =	swait.ge [sflag:s31], $0x80  }
0x87: {  	[sflag:s31] =	ssyncset.done $0x0  }
0x88: {  	[sflag:s31] =	ssyncadd.s32 $0xFFFFFF80  }
0x89: {  	[tilespmem:s2], [sflag:$0x1] =	stream.indirect.gather [spmem:s7], $0x40, s30, s1, $0xb8;
	[tilespmem:$0x1BC80] =	vst v63  }
0x8a: {  	s12 =	sadd.s32 $0x200, s12  }
0x8b: {  	[tilespmem:s3], [sflag:$0x4] =	stream.linear.gather [hbm4b:s12+s8], $0x80, $0x38;
	[tilespmem:$0x1BC80] =	vst v63  }
0x8c: {  	_ =	swait.ge [sflag:s31], $0x80  }
0x8d: {  	[sflag:s31] =	ssyncset.done $0x0  }
0x8e: {  	s11 =	sadd.s32 $0x200, s14;
	[sflag:s31] =	ssyncadd.s32 $0xFFFFFF80  }
0x8f: {  	[tilespmem:s4], [sflag:$0x4] =	stream.linear.gather [hbm4b:s11+s8], $0x80, $0x38;
	[tilespmem:$0x1BC80] =	vst v63  }
0x90: {  	_ =	swait.ge [sflag:s31], $0x80  }
0x91: {  	[sflag:s31] =	ssyncset.done $0x0  }
0x92: {  	[sflag:s31] =	ssyncadd.s32 $0xFFFFFF80  }
0x93: {  	[tilespmem:s22], [sflag:$0x2] =	stream.indirect.gather [spmem:s7], $0x40, s3, s1, $0xb8;
	[tilespmem:$0x1BC80] =	vst v63  }
0x94: {  	_ =	swait.ge [sflag:s23], $0x2000  }
0x95: {  	[sflag:s23] =	ssyncset.done $0x0  }
0x96: {  	[sflag:s23] =	ssyncadd.s32 $0xFFFFE000  }
0x97: {  	[spmem:s5] =	stream.indirect.scatter.add.f32 [tilespmem:s2], [sflag:$0x4], $0x40, s0, s1, $0xb8;
	[tilespmem:$0x1BC80] =	vst v63  }
0x98: {  	_ =	swait.ge [sflag:s31], $0x2000  }
0x99: {  	[sflag:s31] =	ssyncset.done $0x0  }
0x9a: {  	[sflag:s31] =	ssyncadd.s32 $0xFFFFE000  }
0x9b: {  	_ =	swait.ge [sflag:s26], $0x2000  }
0x9c: {  	[sflag:s26] =	ssyncset.done $0x0  }
0x9d: {  	[sflag:s26] =	ssyncadd.s32 $0xFFFFE000  }
0x9e: {  	[spmem:s5] =	stream.indirect.scatter.add.f32 [tilespmem:s22], [sflag:$0x3], $0x40, s4, s1, $0xb8;
	[tilespmem:$0x1BC80] =	vst v63  }
0x9f: {  	_ =	swait.ge [sflag:s29], $0x2000  }
0xa0: {  	s12 =	simm.s32 @!p1 $0x13880;
	[sflag:s29] =	ssyncset.done $0x0  }
0xa1: {  	s11 =	simm.s32 @!p1 $0x0;
	s13 =	rddreg [dreg:$0xe];
	[sflag:s29] =	ssyncadd.s32 $0xFFFFE000  }
0xa2: {  	[tilespmem:s12], [sflag:$0x4] =	stream.linear.gather @!p1 [hbm4b:s13+s11], $0x80, $0x38;
	[tilespmem:$0x1BC80] =	vst v63  }
0xa3: {  	s13 =	simm.s32 @!p1 $0x4  }
0xa4: {  	_ =	swait.ge @!p1 [sflag:s13], $0x80  }
0xa5: {  	[sflag:s13] =	ssyncset.done @!p1 $0x0  }
0xa6: {  	s14 =	simm.s32 @!p1 $0x13980;
	[sflag:s13] =	ssyncadd.s32 @!p1 $0xFFFFFF80  }
0xa7: {  	[tilespmem:s14], [sflag:$0x4] =	stream.linear.gather @!p1 [hbm4b:s16+s11], $0x80, $0x38;
	[tilespmem:$0x1BC80] =	vst v63  }
0xa8: {  	_ =	swait.ge @!p1 [sflag:s13], $0x80  }
0xa9: {  	[sflag:s13] =	ssyncset.done @!p1 $0x0  }
0xaa: {  	s15 =	simm.s32 @!p1 $0x13A80;
	s11 =	simm.s32 @!p1 $0x80;
	[sflag:s13] =	ssyncadd.s32 @!p1 $0xFFFFFF80  }
0xab: {  	[tilespmem:s15], [sflag:$0x1] =	stream.indirect.gather @!p1 [spmem:s7], $0x40, s12, s11, $0xb8;
	[tilespmem:$0x1BC80] =	vst v63  }
0xac: {  	s12 =	simm.s32 @!p1 $0x1  }
0xad: {  	_ =	swait.ge @!p1 [sflag:s12], $0x2000  }
0xae: {  	[sflag:s12] =	ssyncset.done @!p1 $0x0  }
0xaf: {  	[sflag:s12] =	ssyncadd.s32 @!p1 $0xFFFFE000  }
0xb0: {  	[spmem:s5] =	stream.indirect.scatter.add.f32 @!p1 [tilespmem:s15], [sflag:$0x4], $0x40, s14, s11, $0xb8;
	[tilespmem:$0x1BC80] =	vst v63  }
0xb1: {  	_ =	swait.ge @!p1 [sflag:s13], $0x2000  }
0xb2: {  	[sflag:s13] =	ssyncset.done @!p1 $0x0  }
0xb3: {  	[sflag:s13] =	ssyncadd.s32 @!p1 $0xFFFFE000  }
0xb4: {  	[bflag:$0x0] =	sbarrier.arrive $0xFFFF  }
0xb5: {  	s15 =	rddreg [dreg:$0x8]  }
0xb6: {  	s11 =	sadd.s32 s15, s18  }
0xb7: {  	[hbm:s11], [sflag:s6] =	dma.local [spmem:s9], $0x2700  }
0xb8: {  	_ =	swait.ge [sflag:s29], $0x2700  }
0xb9: {  	s28 =	sadd.s32 $0x1, s28;
	[sflag:s29] =	ssyncset.done $0x0  }
0xba: {  	p2 =	sne.s32 s28, s19;
	s9 =	sadd.s32 @!p0 $0x27000, s18;
	[sflag:s29] =	ssyncadd.s32 $0xFFFFD900  }
0xbb: {  	[hbm:s9], [sflag:s6] =	dma.local @!p0 [spmem:s10], $0x100  }
.Ltmp1:
0xbc: {  	_ = 	snop;
	(pc) =	sbr.rel @p2 .LBB2_1-.Ltmp1, $4  }
0xbd: {  	s6 =	simm.s32 @!p0 $0x3  }
0xbe: {  	_ =	swait.ge @!p0 [sflag:s6], $0x100  }
0xbf: {  	[sflag:s6] =	ssyncset.done @!p0 $0x0  }
0xc0: {  	[sflag:s6] =	ssyncadd.s32 @!p0 $0xFFFFFF00  }
0xc1: {  	_ =	sfence.sel $0x180000  }
0xc2: {  	[bflag:$0x0] =	sbarrier.arrive $0xFFFF  }
0xc3: {  	_ =	strace $0x9000004A  }
0xc4: {  	s0 =	stileid.u32;
	[bflag:$0x2] =	sbarrier.arrive $0xFFFF  }
0xc5: {  	p0 =	sne.s32 s0, $0x0;
	s0 =	rddreg [dreg:$0x7]  }
0xc6: {  	s0 =	sadd.s32 @!p0 $0x100000, s0  }
0xc7: {  	[sflag:s0] =	ssyncadd.tile.s32 @!p0 $0x1;
	_ =	shalt  }
.Lfunc_end2:
_tile_overlayer_lowered:
.L_overlay_start_2:
0xc8: {  	(tag) =	ssettag $0x2  }
0xc9: {  	s0 =	rddreg [dreg:$0x0];
	s2 =	stileid.u32  }
0xca: {  	s1 =	rddreg [dreg:$0x1];
	p0 =	sne.s32 s2, $0x0  }
0xcb: {  	s3 =	rddreg [dreg:$0x2];
	[bflag:$0x3] =	sbarrier.arrive $0xFFFF;
	s2 =	simm.s32 @!p0 $0x1C03  }
0xcc: {  	[timem:s3], [sflag:s2] =	dma.local @!p0 [hbm:s0], s1  }
0xcd: {  	s0 =	simm.s32 @!p0 $0x3  }
0xce: {  	_ =	swait.ge @!p0 [sflag:s0], s1  }
0xcf: {  	s1 =	ssub.s32 @!p0 $0x0, s1;
	[sflag:s0] =	ssyncset.done @!p0 $0x0  }
0xd0: {  	[sflag:s0] =	ssyncadd.s32 @!p0 s1  }
0xd1: {  	[bflag:$0x3] =	sbarrier.arrive $0xFFFF  }
0xd2: {  	_ =	shalt  }

// kernel: kernel.14.cloned.1.call-start
scs
__scs_entry_jumppad:
0x0: {  	(pc) =	sbr.rel $0x88, $3  }
0x1: {  	(tag) =	ssettag $0x0;
	lr =	simm.s32 $0x1  }
0x2: {  	[smem:$0x3F80] =	sst lr;
	_ =	strace $0xD0000000  }
0x3: {  	_ = 	snop  }
0x4: {  	_ = 	snop  }
0x5: {  	_ = 	snop  }
0x6: {  	_ = 	snop  }
0x7: {  	_ = 	snop  }
__scs_overlays_trampoline_lowered:
0x8: {  	[smem:$0x3F8F] =	sst s0  }
0x9: {  	[smem:$0x3F90] =	sst s1  }
0xa: {  	[smem:$0x3F91] =	sst s2  }
0xb: {  	[smem:$0x3F92] =	sst s3  }
0xc: {  	[smem:$0x3F93] =	sst s4  }
0xd: {  	[smem:$0x3F94] =	sst s5  }
0xe: {  	[smem:$0x3F95] =	sst s6  }
0xf: {  	[smem:$0x3F96] =	sst s7  }
0x10: {  	[smem:$0x3F97] =	sst s8  }
0x11: {  	[smem:$0x3F98] =	sst s9;
	s0 =	simm.s32 @!p0 $0x0  }
0x12: {  	s1 =	sld [smem:$0x3F7E];
	s0 =	simm.s32 @p0 $0x1  }
0x13: {  	[smem:$0x3F99] =	sst s0;
	s0 =	simm.s32 @!p1 $0x0  }
0x14: {  	s2 =	sld [smem:$0x3F7D];
	s0 =	simm.s32 @p1 $0x1  }
0x15: {  	[smem:$0x3F9A] =	sst s0;
	s0 =	simm.s32 @!p2 $0x0  }
0x16: {  	s3 =	sld [smem:$0x3FDB];
	s0 =	simm.s32 @p2 $0x1  }
0x17: {  	s4 =	simm.s32 $0x1BF5;
	[smem:$0x3F9C] =	sst s0  }
0x18: {  	s0 =	sld [smem:$0x3F7F];
	_ =	swait.ge [sflag:s4], $0x0  }
0x19: {  	s7 =	sld [smem:$0x3F80]  }
0x1a: {  	s8 =	sadd.s32 $0xFFFFE003, lr  }
0x1b: {  	s9 =	sadd.s32 $0xFFFFFEF7, lr;
	s5 =	simm.s32 $0xFFFFFFFF;
	p2 =	slt.u32 s8, $0xFFFFF086  }
0x1c: {  	p1 =	slt.u32 s9, $0xF7A;
	s5 =	simm.s32 @!p2 $0x0  }
0x1d: {  	s5 =	simm.s32 @p1 $0x1;
	p0 =	seq.s32 s7, s2  }
0x1e: {  	s7 =	smul.u32 @!p0 $0xF7A, s2;
	p2 =	seq.s32 @!p0 s5, $0x0  }
0x1f: {  	s9 =	smul.u32 $0xF7A, s1;
	s8 =	simm.s32 @!p0 $0x1BF5;
	p2 =	por !p2, p0  }
0x20: {  	[sflag:s8] =	ssyncset.s32 @!p0 $0xFFFFF086;
	s6 =	sadd.s32 @!p0 s3, s7;
	s7 =	simm.s32 @!p0 $0x108  }
0x21: {  	s3 =	sadd.s32 s3, s9;
	s6 =	sadd.s32 @!p0 $0x88, s6;
	s7 =	simm.s32 @p2 $0x1082  }
0x22: {  	[simem:s7], [sflag:s8] =	dma.local @!p0 [hbm:s6], $0xF7A  }
0x23: {  	s9 =	sor.u32 $0xD0000000, s2;
	s6 =	simm.s32 $0x108;
	_ =	swait.ge @!p0 [sflag:s8], $0x0  }
0x24: {  	s3 =	sadd.s32 $0x88, s3;
	s6 =	simm.s32 @!p1 $0x1082;
	[sflag:s4] =	ssyncset.s32 $0xFFFFF086  }
0x25: {  	[simem:s6], [sflag:s4] =	dma.local [hbm:s3], $0xF7A  }
0x26: {  	[smem:$0x3F80] =	sst s1;
	(tag) =	ssettag s2;
	_ =	strace s9  }
0x27: {  	s1 =	sld [smem:$0x3F90]  }
0x28: {  	s2 =	sld [smem:$0x3F91]  }
0x29: {  	s4 =	sld [smem:$0x3F93]  }
0x2a: {  	p0 =	seq.s32 s5, $0x0;
	s5 =	sld [smem:$0x3F94]  }
0x2b: {  	s6 =	sld [smem:$0x3F95]  }
0x2c: {  	s7 =	sld [smem:$0x3F96]  }
0x2d: {  	s3 =	simm.s32 $0x108;
	s8 =	sld [smem:$0x3F97]  }
0x2e: {  	s3 =	simm.s32 @!p0 $0x1082;
	s9 =	sld [smem:$0x3F98]  }
0x2f: {  	lr =	sadd.s32 s0, s3;
	s0 =	sld [smem:$0x3F8F]  }
0x30: {  	s3 =	sld [smem:$0x3F92]  }
0x31: {  	[smem:$0x3F9B] =	sst s10  }
0x32: {  	s10 =	sld [smem:$0x3F99];
	_ =	sdelay $0x3  }
0x33: {  	p0 =	seq.s32 s10, $0x1;
	s10 =	sld [smem:$0x3F9B];
	_ =	sdelay $0x3  }
0x34: {  	[smem:$0x3F9B] =	sst s10  }
0x35: {  	s10 =	sld [smem:$0x3F9A];
	_ =	sdelay $0x3  }
0x36: {  	p1 =	seq.s32 s10, $0x1;
	s10 =	sld [smem:$0x3F9B];
	_ =	sdelay $0x3  }
0x37: {  	[smem:$0x3F9B] =	sst s10  }
0x38: {  	s10 =	sld [smem:$0x3F9C]  }
0x39: {  	_ = 	snop;
	(pc) =	sbr.ind lr, $3  }
0x3a: {  	_ = 	snop  }
0x3b: {  	_ = 	snop  }
0x3c: {  	p2 =	seq.s32 s10, $0x1;
	s10 =	sld [smem:$0x3F9B]  }
0x3d: {  	_ =	shalt  }
0x3e: {  	_ =	shalt  }
0x3f: {  	_ =	shalt  }
0x40: {  	_ =	shalt  }
0x41: {  	_ =	shalt  }
0x42: {  	_ =	shalt  }
0x43: {  	_ =	shalt  }
0x44: {  	_ =	shalt  }
0x45: {  	_ =	shalt  }
0x46: {  	_ =	shalt  }
0x47: {  	_ =	shalt  }
0x48: {  	_ =	shalt  }
0x49: {  	_ =	shalt  }
0x4a: {  	_ =	shalt  }
0x4b: {  	_ =	shalt  }
0x4c: {  	_ =	shalt  }
0x4d: {  	_ =	shalt  }
0x4e: {  	_ =	shalt  }
0x4f: {  	_ =	shalt  }
0x50: {  	_ =	shalt  }
0x51: {  	_ =	shalt  }
0x52: {  	_ =	shalt  }
0x53: {  	_ =	shalt  }
0x54: {  	_ =	shalt  }
0x55: {  	_ =	shalt  }
0x56: {  	_ =	shalt  }
0x57: {  	_ =	shalt  }
0x58: {  	_ =	shalt  }
0x59: {  	_ =	shalt  }
0x5a: {  	_ =	shalt  }
0x5b: {  	_ =	shalt  }
0x5c: {  	_ =	shalt  }
0x5d: {  	_ =	shalt  }
0x5e: {  	_ =	shalt  }
0x5f: {  	_ =	shalt  }
0x60: {  	_ =	shalt  }
0x61: {  	_ =	shalt  }
0x62: {  	_ =	shalt  }
0x63: {  	_ =	shalt  }
0x64: {  	_ =	shalt  }
0x65: {  	_ =	shalt  }
0x66: {  	_ =	shalt  }
0x67: {  	_ =	shalt  }
0x68: {  	_ =	shalt  }
0x69: {  	_ =	shalt  }
0x6a: {  	_ =	shalt  }
0x6b: {  	_ =	shalt  }
0x6c: {  	_ =	shalt  }
0x6d: {  	_ =	shalt  }
0x6e: {  	_ =	shalt  }
0x6f: {  	_ =	shalt  }
0x70: {  	_ =	shalt  }
0x71: {  	_ =	shalt  }
0x72: {  	_ =	shalt  }
0x73: {  	_ =	shalt  }
0x74: {  	_ =	shalt  }
0x75: {  	_ =	shalt  }
0x76: {  	_ =	shalt  }
0x77: {  	_ =	shalt  }
0x78: {  	_ =	shalt  }
0x79: {  	_ =	shalt  }
0x7a: {  	_ =	shalt  }
0x7b: {  	_ =	shalt  }
0x7c: {  	_ =	shalt  }
0x7d: {  	_ =	shalt  }
0x7e: {  	_ =	shalt  }
0x7f: {  	_ =	shalt  }
0x80: {  	_ =	shalt  }
0x81: {  	_ =	shalt  }
0x82: {  	_ =	shalt  }
0x83: {  	_ =	shalt  }
0x84: {  	_ =	shalt  }
0x85: {  	_ =	shalt  }
0x86: {  	_ =	shalt  }
0x87: {  	_ =	shalt  }
.Lfunc_end0:
.L_simem_size_0:
called_computation.2_lowered:
.L_overlay_start_0:
0x88: {  	s2 =	sld [smem:$0x3FD9]  }
0x89: {  	s3 =	sld [smem:$0x3FFE];
	_ =	sdelay $0x1  }
0x8a: {  	s1 =	srdreg.scid  }
0x8b: {  	s0 =	sand.u32 $0x1, s1  }
0x8c: {  	s17 =	sshll.u32 s0, $0xA;
	s2 =	sadd.s32 s3, s2  }
0x8d: {  	s2 =	sadd.s32 s2, s17  }
0x8e: {  	[smem:$0x3FA7] =	sst s2  }
0x8f: {  	_ = 	snop  }
0x90: {  	s2 =	sld [smem:$0x3FC1]  }
0x91: {  	s18 =	sld [smem:$0x3FC0]  }
0x92: {  	s4 =	sld [smem:$0x3FBF]  }
0x93: {  	s5 =	sld [smem:$0x3FBE];
	(tm) =	ssettm $0x1  }
0x94: {  	s6 =	sld [smem:$0x3FFB];
	_ =	sdelay $0x3  }
0x95: {  	_ =	strace s6  }
0x96: {  	s6 =	sld [smem:$0x3FFC];
	_ =	sdelay $0x3  }
0x97: {  	_ =	strace s6  }
0x98: {  	s6 =	sld [smem:$0x3FFD];
	_ =	sdelay $0x3  }
0x99: {  	_ =	strace s6  }
0x9a: {  	_ =	strace $0x8FFFFFFF  }
0x9b: {  	s19 =	sld [smem:$0x3FDB];
	_ =	sdelay $0x1  }
0x9c: {  	s7 =	simm.s32 $_scs_section_size  }
0x9d: {  	s8 =	simm.s32 $_size__tile_overlayer_lowered;
	s9 =	simm.s32 $_tile_overlayer_lowered  }
0x9e: {  	s22 =	simm.s32 $0x1BFF;
	s21 =	sshll.u32 s9, $0x1;
	s6 =	sadd.s32 s7, s19  }
0x9f: {  	s10 =	simm.s32 $0x0;
	s20 =	sshll.u32 s8, $0x1;
	s8 =	sadd.s32 s21, s6  }
0xa0: {  	[timem:s10], [sflag:s22] =	dma.local [hbm:s8], s20  }
0xa1: {  	_ =	swait.ge [sflag:s22], s20  }
0xa2: {  	s7 =	ssub.s32 $0x0, s20;
	[sflag:s22] =	ssyncset.done $0x0  }
0xa3: {  	[sflag:s22] =	ssyncadd.s32 s7;
	_ =	sdelay $0x1  }
0xa4: {  	s23 =	simm.s32 $0x1B8B  }
0xa5: {  	_ =	swait.ge [sflag:s23], $0x1  }
0xa6: {  	[sflag:s23] =	ssyncset.done $0x0  }
0xa7: {  	s25 =	simm.s32 $0x1B8E;
	s24 =	sld [smem:$0x3FFE];
	[sflag:s23] =	ssyncadd.s32 $0xFFFFFFFF  }
0xa8: {  	s26 =	simm.s32 $execute0_lowered;
	[smem:$0x3FD2] =	sst s25  }
0xa9: {  	s8 =	sshll.u32 s26, $0x1;
	_ =	strace $0x8000004C;
	[dreg:$0x1] =	wrdreg $0xFFFFFFFF  }
0xaa: {  	s28 =	simm.s32 $_size_execute0_lowered;
	s6 =	sadd.s32 s6, s8;
	[dreg:$0x0] =	wrdreg $0x0  }
0xab: {  	s8 =	sshll.u32 s28, $0x1;
	[dreg:$0x2] =	wrdreg s6  }
0xac: {  	[dreg:$0x3] =	wrdreg s8  }
0xad: {  	[dreg:$0x4] =	wrdreg $0xC0  }
0xae: {  	_ =	task [dreg:s10], $0x5FFFF  }
0xaf: {  	[dreg:$0x1] =	wrdreg $0xFFFFFFFF  }
0xb0: {  	[dreg:$0x0] =	wrdreg $0x60  }
0xb1: {  	[dreg:$0x2] =	wrdreg s24  }
0xb2: {  	[dreg:$0x3] =	wrdreg s2  }
0xb3: {  	[dreg:$0x4] =	wrdreg s18  }
0xb4: {  	[dreg:$0x5] =	wrdreg s4  }
0xb5: {  	[dreg:$0x6] =	wrdreg s5  }
0xb6: {  	[dreg:$0x7] =	wrdreg $0x0  }
0xb7: {  	[dreg:$0x8] =	wrdreg $0x9C400  }
0xb8: {  	[dreg:$0x9] =	wrdreg $0x9  }
0xb9: {  	_ =	task.clear_ibuf [dreg:s10], $0xAFFFF;
	_ =	strace $0x9000004C  }
0xba: {  	s29 =	simm.s32 $0x9;
	_ =	strace $0x8000004E  }
0xbb: {  	_ =	swait.ge [sflag:s29], $0x1  }
0xbc: {  	[sflag:s29] =	ssyncadd.s32 $0xFFFFFFFF  }
0xbd: {  	_ =	strace $0x9000004E  }
0xbe: {  	_ =	sfence  }
0xbf: {  	s30 =	sld [smem:$0x0];
	_ =	sdelay $0x2  }
0xc0: {  	s31 =	sshll.u32 s1, $0xD;
	s1 =	sshrl.u32 s1, $0x2  }
0xc1: {  	s3 =	sand.u32 $0x4000, s31;
	s1 =	sadd.s32 s1, s30  }
0xc2: {  	s0 =	sor.u32 s3, s0;
	s1 =	sshll.u32 s1, $0x11  }
0xc3: {  	s0 =	sor.u32 s1, s0  }
0xc4: {  	s0 =	sadd.s32 $0x8F2B, s0  }
0xc5: {  	[sflag:s0] =	ssyncadd.remote.s32 $0x1  }
0xc6: {  	_ =	sfence.sel $0xFFFF  }
0xc7: {  	[dreg:$0x0] =	wrdreg $0xFFFFFFFF;
	(pc) =	sbr.abs _section_cstart, $3  }
0xc8: {  	[dreg:$0x1] =	wrdreg $0xFFFFFFFF  }
0xc9: {  	_ =	task.clear_ibuf [dreg:s10], $0x2FFFF;
	_ =	strace $0x9FFFFFFF  }
0xca: {  	(tm) =	ssettm $0x7FFFFFFF  }
0xcb: {  	_ =	shalt  }
tec
execute0_lowered:
.L_overlay_start_1:
0x0: {  	(tag) =	ssettag $0x1  }
0x1: {  	s0 =	rddreg [dreg:$0x0]  }
0x2: {  	s5 =	rddreg [dreg:$0x5]  }
0x3: {  	s7 =	rddreg [dreg:$0x6];
	s8 =	simm.s32 $0x0  }
0x4: {  	s13 =	stileid.u32;
	s1 =	srdreg.scid;
	s29 =	simm.s32 $0x3  }
0x5: {  	s30 =	simm.s32 $0x13880;
	s31 =	simm.s32 $0x4;
	s28 =	simm.s32 $0x0  }
0x6: {  	[smem:$0x7FF] =	sst s8;
	s2 =	smul.u32 $0x2700, s13;
	s1 =	sand.u32 $0x1, s1  }
0x7: {  	s3 =	sadd.s32 $0xDE00, s0;
	s6 =	sadd.s32 $0x4000, s0;
	s10 =	smul.u32 $0x13800, s13  }
0x8: {  	s12 =	sshll.u32 s13, $0x1;
	s19 =	sadd.s32 $0x138000, s5;
	s21 =	sadd.s32 $0x65E00, s0  }
0x9: {  	s23 =	sshll.u32 s13, $0x5;
	p0 =	sne.s32 s13, $0xF;
	_ =	strace $0x8000004D  }
0xa: {  	s4 =	smul.u32 $0x27100, s1;
	s9 =	ssub.s32 $0x2, s1;
	[dreg:$0xc] =	wrdreg s19  }
0xb: {  	s16 =	sor.u32 s1, s12;
	[dreg:$0xd] =	wrdreg s21;
	s24 =	sadd.s32 s23, s3  }
0xc: {  	s25 =	sadd.s32 s23, s6;
	s26 =	sshll.u32 s1, $0x4;
	s1 =	simm.s32 $0x80  }
0xd: {  	s23 =	simm.s32 $0x1;
	[dreg:$0x8] =	wrdreg s2;
	s2 =	sadd.s32 s2, s0  }
0xe: {  	s11 =	sshrl.u32 s9, $0x1;
	s17 =	sadd.s32 s10, s5;
	s10 =	sadd.s32 s10, s7  }
0xf: {  	s21 =	sadd.s32 s26, s25;
	s4 =	sadd.s32 s4, s0;
	s9 =	ssub.s32 s9, s11  }
0x10: {  	[dreg:$0x9] =	wrdreg s17;
	s18 =	sadd.s32 $0x3EE00, s2;
	s11 =	sor.u32 $0x9C0, s16  }
0x11: {  	s2 =	sadd.s32 $0x17C00, s2;
	s17 =	sadd.s32 $0x3EC00, s0;
	[dreg:$0xa] =	wrdreg s18  }
0x12: {  	s0 =	simm.s32 $0x13980;
	[dreg:$0xb] =	wrdreg s2;
	s20 =	sshll.u32 s11, $0x4  }
0x13: {  	s18 =	sadd.s32 $0x66000, s4;
	s19 =	smax.u32 s9, $0x1;
	p1 =	sgt.u32 s11, $0x9C3  }
0x14: {  	s2 =	simm.s32 $0x13A80;
	s4 =	simm.s32 $0x13A00;
	s22 =	sadd.s32 s3, s20  }
0x15: {  	s16 =	sadd.s32 s6, s20;
	s6 =	sadd.s32 $0x138000, s7;
	s20 =	sadd.s32 s26, s24  }
0x16: {  	s24 =	sshrl.u32 s10, $0x3;
	s3 =	simm.s32 $0x13900;
	s26 =	simm.s32 $0x2  }
0x17: {  	[dreg:$0xe] =	wrdreg s22;
	s25 =	sshrl.u32 @!p0 s6, $0x3;
	s22 =	simm.s32 $0x17A80  }
.LBB2_1:
0x18: {  	s6 =	rddreg [dreg:$0x1];
	s9 =	simm.s32 $0x1BA80  }
0x19: {  	[tilespmem:s9], [sflag:$0x3] =	stream.linear.gather [hbm4b:s6+s8], $0x1, $0x38;
	[tilespmem:$0x1BC80] =	vst v63  }
0x1a: {  	s12 =	rddreg [dreg:$0x2];
	s13 =	simm.s32 $0x1BB00  }
0x1b: {  	[tilespmem:s13], [sflag:$0x3] =	stream.linear.gather [hbm4b:s12+s8], $0x1, $0x38;
	[tilespmem:$0x1BC80] =	vst v63  }
0x1c: {  	s14 =	rddreg [dreg:$0x3];
	s15 =	simm.s32 $0x1BB80  }
0x1d: {  	[tilespmem:s15], [sflag:$0x3] =	stream.linear.gather [hbm4b:s14+s8], $0x1, $0x38;
	[tilespmem:$0x1BC80] =	vst v63  }
0x1e: {  	s10 =	simm.s32 $0x1BC00;
	s9 =	rddreg [dreg:$0x4]  }
0x1f: {  	[tilespmem:s10], [sflag:$0x3] =	stream.linear.gather [hbm4b:s9+s8], $0x1, $0x38;
	[tilespmem:$0x1BC80] =	vst v63  }
0x20: {  	_ =	swait.ge [sflag:s29], $0x1  }
0x21: {  	[sflag:s29] =	ssyncset.done $0x0  }
0x22: {  	[sflag:s29] =	ssyncadd.s32 $0xFFFFFFFF  }
0x23: {  	_ =	swait.ge [sflag:s29], $0x1  }
0x24: {  	[sflag:s29] =	ssyncset.done $0x0  }
0x25: {  	[sflag:s29] =	ssyncadd.s32 $0xFFFFFFFF  }
0x26: {  	_ =	swait.ge [sflag:s29], $0x1  }
0x27: {  	[sflag:s29] =	ssyncset.done $0x0  }
0x28: {  	s11 =	stileid.u32;
	[sflag:s29] =	ssyncadd.s32 $0xFFFFFFFF  }
0x29: {  	s6 =	sshll.u32 s11, $0x6;
	_ =	swait.ge [sflag:s29], $0x1  }
0x2a: {  	s6 =	sor.u32 $0x1C03, s6;
	[sflag:s29] =	ssyncset.done $0x0;
	s12 =	rddreg [dreg:$0x9]  }
0x2b: {  	s10 =	rddreg [dreg:$0xa];
	[sflag:s29] =	ssyncadd.s32 $0xFFFFFFFF;
	s9 =	sshrl.u32 s12, $0x3  }
0x2c: {  	[spmem:s9], [sflag:s6] =	dma.local [hbm:s10], $0x2700  }
0x2d: {  	_ =	swait.ge [sflag:s29], $0x2700  }
0x2e: {  	[sflag:s29] =	ssyncset.done $0x0  }
0x2f: {  	s13 =	rddreg [dreg:$0xb];
	[sflag:s29] =	ssyncadd.s32 $0xFFFFD900  }
0x30: {  	[spmem:s24], [sflag:s6] =	dma.local [hbm:s13], $0x2700  }
0x31: {  	_ =	swait.ge [sflag:s29], $0x2700  }
0x32: {  	[sflag:s29] =	ssyncset.done $0x0;
	s10 =	rddreg [dreg:$0xc]  }
0x33: {  	s11 =	rddreg [dreg:$0xd];
	[sflag:s29] =	ssyncadd.s32 $0xFFFFD900;
	s10 =	sshrl.u32 @!p0 s10, $0x3  }
0x34: {  	[spmem:s10], [sflag:s6] =	dma.local @!p0 [hbm:s11], $0x100  }
0x35: {  	s11 =	simm.s32 @!p0 $0x3  }
0x36: {  	_ =	swait.ge @!p0 [sflag:s11], $0x100  }
0x37: {  	[sflag:s11] =	ssyncset.done @!p0 $0x0  }
0x38: {  	[sflag:s11] =	ssyncadd.s32 @!p0 $0xFFFFFF00  }
0x39: {  	[spmem:s25], [sflag:s6] =	dma.local @!p0 [hbm:s17], $0x100  }
0x3a: {  	_ =	swait.ge @!p0 [sflag:s11], $0x100  }
0x3b: {  	[sflag:s11] =	ssyncset.done @!p0 $0x0  }
0x3c: {  	[sflag:s11] =	ssyncadd.s32 @!p0 $0xFFFFFF00  }
0x3d: {  	s14 =	sadd.s32 $0x0, s20;
	[bflag:$0x0] =	sbarrier.arrive $0xFFFF  }
0x3e: {  	[tilespmem:s30], [sflag:$0x4] =	stream.linear.gather [hbm4b:s14+s8], $0x80, $0x38;
	[tilespmem:$0x1BC80] =	vst v63  }
0x3f: {  	_ =	swait.ge [sflag:s31], $0x80  }
0x40: {  	[sflag:s31] =	ssyncset.done $0x0  }
0x41: {  	s12 =	sadd.s32 $0x0, s21;
	[sflag:s31] =	ssyncadd.s32 $0xFFFFFF80  }
0x42: {  	[tilespmem:s0], [sflag:$0x4] =	stream.linear.gather [hbm4b:s12+s8], $0x80, $0x38;
	[tilespmem:$0x1BC80] =	vst v63  }
0x43: {  	_ =	swait.ge [sflag:s31], $0x80  }
0x44: {  	[sflag:s31] =	ssyncset.done $0x0  }
0x45: {  	[sflag:s31] =	ssyncadd.s32 $0xFFFFFF80  }
0x46: {  	[tilespmem:s2], [sflag:$0x1] =	stream.indirect.gather [spmem:s7], $0x40, s30, s1, $0xb8;
	[tilespmem:$0x1BC80] =	vst v63  }
0x47: {  	s11 =	sadd.s32 $0x200, s14  }
0x48: {  	[tilespmem:s3], [sflag:$0x4] =	stream.linear.gather [hbm4b:s11+s8], $0x80, $0x38;
	[tilespmem:$0x1BC80] =	vst v63  }
0x49: {  	_ =	swait.ge [sflag:s31], $0x80  }
0x4a: {  	[sflag:s31] =	ssyncset.done $0x0  }
0x4b: {  	s15 =	sadd.s32 $0x200, s12;
	[sflag:s31] =	ssyncadd.s32 $0xFFFFFF80  }
0x4c: {  	[tilespmem:s4], [sflag:$0x4] =	stream.linear.gather [hbm4b:s15+s8], $0x80, $0x38;
	[tilespmem:$0x1BC80] =	vst v63  }
0x4d: {  	_ =	swait.ge [sflag:s31], $0x80  }
0x4e: {  	[sflag:s31] =	ssyncset.done $0x0  }
0x4f: {  	[sflag:s31] =	ssyncadd.s32 $0xFFFFFF80  }
0x50: {  	[tilespmem:s22], [sflag:$0x2] =	stream.indirect.gather [spmem:s7], $0x40, s3, s1, $0xb8;
	[tilespmem:$0x1BC80] =	vst v63  }
0x51: {  	_ =	swait.ge [sflag:s23], $0x2000  }
0x52: {  	[sflag:s23] =	ssyncset.done $0x0  }
0x53: {  	[sflag:s23] =	ssyncadd.s32 $0xFFFFE000  }
0x54: {  	[spmem:s5] =	stream.indirect.scatter.add.f32 [tilespmem:s2], [sflag:$0x4], $0x40, s0, s1, $0xb8;
	[tilespmem:$0x1BC80] =	vst v63  }
0x55: {  	_ =	swait.ge [sflag:s31], $0x2000  }
0x56: {  	[sflag:s31] =	ssyncset.done $0x0  }
0x57: {  	[sflag:s31] =	ssyncadd.s32 $0xFFFFE000  }
0x58: {  	_ =	swait.ge [sflag:s26], $0x2000  }
0x59: {  	[sflag:s26] =	ssyncset.done $0x0  }
0x5a: {  	[sflag:s26] =	ssyncadd.s32 $0xFFFFE000  }
0x5b: {  	[spmem:s5] =	stream.indirect.scatter.add.f32 [tilespmem:s22], [sflag:$0x3], $0x40, s4, s1, $0xb8;
	[tilespmem:$0x1BC80] =	vst v63  }
0x5c: {  	_ =	swait.ge [sflag:s29], $0x2000  }
0x5d: {  	s12 =	simm.s32 $0x800;
	s11 =	simm.s32 $0x400;
	[sflag:s29] =	ssyncset.done $0x0  }
.LBB2_2:
0x5e: {  	s14 =	sadd.s32 s11, s20  }
0x5f: {  	[sflag:s29] =	ssyncadd.s32 $0xFFFFE000;
	s15 =	smov.u32 s12;
	s13 =	sadd.s32 $0x400, s12  }
0x60: {  	[tilespmem:s30], [sflag:$0x4] =	stream.linear.gather [hbm4b:s14+s8], $0x80, $0x38;
	[tilespmem:$0x1BC80] =	vst v63  }
0x61: {  	p2 =	sne.s32 s12, $0x9800;
	_ =	swait.ge [sflag:s31], $0x80  }
0x62: {  	[sflag:s31] =	ssyncset.done $0x0  }
0x63: {  	s12 =	sadd.s32 s11, s21;
	s11 =	smov.u32 s15;
	[sflag:s31] =	ssyncadd.s32 $0xFFFFFF80  }
0x64: {  	[tilespmem:s0], [sflag:$0x4] =	stream.linear.gather [hbm4b:s12+s8], $0x80, $0x38;
	[tilespmem:$0x1BC80] =	vst v63  }
0x65: {  	_ =	swait.ge [sflag:s31], $0x80  }
0x66: {  	[sflag:s31] =	ssyncset.done $0x0  }
0x67: {  	[sflag:s31] =	ssyncadd.s32 $0xFFFFFF80  }
0x68: {  	[tilespmem:s2], [sflag:$0x1] =	stream.indirect.gather [spmem:s7], $0x40, s30, s1, $0xb8;
	[tilespmem:$0x1BC80] =	vst v63  }
0x69: {  	s14 =	sadd.s32 $0x200, s14  }
0x6a: {  	[tilespmem:s3], [sflag:$0x4] =	stream.linear.gather [hbm4b:s14+s8], $0x80, $0x38;
	[tilespmem:$0x1BC80] =	vst v63  }
0x6b: {  	_ =	swait.ge [sflag:s31], $0x80  }
0x6c: {  	[sflag:s31] =	ssyncset.done $0x0  }
0x6d: {  	s12 =	sadd.s32 $0x200, s12;
	[sflag:s31] =	ssyncadd.s32 $0xFFFFFF80  }
0x6e: {  	[tilespmem:s4], [sflag:$0x4] =	stream.linear.gather [hbm4b:s12+s8], $0x80, $0x38;
	[tilespmem:$0x1BC80] =	vst v63  }
0x6f: {  	_ =	swait.ge [sflag:s31], $0x80  }
0x70: {  	[sflag:s31] =	ssyncset.done $0x0  }
0x71: {  	[sflag:s31] =	ssyncadd.s32 $0xFFFFFF80  }
0x72: {  	[tilespmem:s22], [sflag:$0x2] =	stream.indirect.gather [spmem:s7], $0x40, s3, s1, $0xb8;
	[tilespmem:$0x1BC80] =	vst v63  }
0x73: {  	_ =	swait.ge [sflag:s23], $0x2000  }
0x74: {  	[sflag:s23] =	ssyncset.done $0x0  }
0x75: {  	[sflag:s23] =	ssyncadd.s32 $0xFFFFE000  }
0x76: {  	[spmem:s5] =	stream.indirect.scatter.add.f32 [tilespmem:s2], [sflag:$0x4], $0x40, s0, s1, $0xb8;
	[tilespmem:$0x1BC80] =	vst v63  }
0x77: {  	_ =	swait.ge [sflag:s31], $0x2000  }
0x78: {  	[sflag:s31] =	ssyncset.done $0x0  }
0x79: {  	[sflag:s31] =	ssyncadd.s32 $0xFFFFE000  }
0x7a: {  	_ =	swait.ge [sflag:s26], $0x2000  }
.Ltmp0:
0x7b: {  	[sflag:s26] =	ssyncset.done $0x0;
	(pc) =	sbr.rel @p2 .LBB2_2-.Ltmp0, $4  }
0x7c: {  	[sflag:s26] =	ssyncadd.s32 $0xFFFFE000  }
0x7d: {  	[spmem:s5] =	stream.indirect.scatter.add.f32 [tilespmem:s22], [sflag:$0x3], $0x40, s4, s1, $0xb8;
	[tilespmem:$0x1BC80] =	vst v63  }
0x7e: {  	_ =	swait.ge [sflag:s29], $0x2000  }
0x7f: {  	s12 =	smov.u32 s13;
	[sflag:s29] =	ssyncset.done $0x0  }
0x80: {  	s12 =	sadd.s32 s11, s20;
	[sflag:s29] =	ssyncadd.s32 $0xFFFFE000  }
0x81: {  	[tilespmem:s30], [sflag:$0x4] =	stream.linear.gather [hbm4b:s12+s8], $0x80, $0x38;
	[tilespmem:$0x1BC80] =	vst v63  }
0x82: {  	_ =	swait.ge [sflag:s31], $0x80  }
0x83: {  	[sflag:s31] =	ssyncset.done $0x0  }
0x84: {  	s14 =	sadd.s32 s11, s21;
	[sflag:s31] =	ssyncadd.s32 $0xFFFFFF80  }
0x85: {  	[tilespmem:s0], [sflag:$0x4] =	stream.linear.gather [hbm4b:s14+s8], $0x80, $0x38;
	[tilespmem:$0x1BC80] =	vst v63  }
0x86: {  	_ =	swait.ge [sflag:s31], $0x80  }
0x87: {  	[sflag:s31] =	ssyncset.done $0x0  }
0x88: {  	[sflag:s31] =	ssyncadd.s32 $0xFFFFFF80  }
0x89: {  	[tilespmem:s2], [sflag:$0x1] =	stream.indirect.gather [spmem:s7], $0x40, s30, s1, $0xb8;
	[tilespmem:$0x1BC80] =	vst v63  }
0x8a: {  	s12 =	sadd.s32 $0x200, s12  }
0x8b: {  	[tilespmem:s3], [sflag:$0x4] =	stream.linear.gather [hbm4b:s12+s8], $0x80, $0x38;
	[tilespmem:$0x1BC80] =	vst v63  }
0x8c: {  	_ =	swait.ge [sflag:s31], $0x80  }
0x8d: {  	[sflag:s31] =	ssyncset.done $0x0  }
0x8e: {  	s11 =	sadd.s32 $0x200, s14;
	[sflag:s31] =	ssyncadd.s32 $0xFFFFFF80  }
0x8f: {  	[tilespmem:s4], [sflag:$0x4] =	stream.linear.gather [hbm4b:s11+s8], $0x80, $0x38;
	[tilespmem:$0x1BC80] =	vst v63  }
0x90: {  	_ =	swait.ge [sflag:s31], $0x80  }
0x91: {  	[sflag:s31] =	ssyncset.done $0x0  }
0x92: {  	[sflag:s31] =	ssyncadd.s32 $0xFFFFFF80  }
0x93: {  	[tilespmem:s22], [sflag:$0x2] =	stream.indirect.gather [spmem:s7], $0x40, s3, s1, $0xb8;
	[tilespmem:$0x1BC80] =	vst v63  }
0x94: {  	_ =	swait.ge [sflag:s23], $0x2000  }
0x95: {  	[sflag:s23] =	ssyncset.done $0x0  }
0x96: {  	[sflag:s23] =	ssyncadd.s32 $0xFFFFE000  }
0x97: {  	[spmem:s5] =	stream.indirect.scatter.add.f32 [tilespmem:s2], [sflag:$0x4], $0x40, s0, s1, $0xb8;
	[tilespmem:$0x1BC80] =	vst v63  }
0x98: {  	_ =	swait.ge [sflag:s31], $0x2000  }
0x99: {  	[sflag:s31] =	ssyncset.done $0x0  }
0x9a: {  	[sflag:s31] =	ssyncadd.s32 $0xFFFFE000  }
0x9b: {  	_ =	swait.ge [sflag:s26], $0x2000  }
0x9c: {  	[sflag:s26] =	ssyncset.done $0x0  }
0x9d: {  	[sflag:s26] =	ssyncadd.s32 $0xFFFFE000  }
0x9e: {  	[spmem:s5] =	stream.indirect.scatter.add.f32 [tilespmem:s22], [sflag:$0x3], $0x40, s4, s1, $0xb8;
	[tilespmem:$0x1BC80] =	vst v63  }
0x9f: {  	_ =	swait.ge [sflag:s29], $0x2000  }
0xa0: {  	s12 =	simm.s32 @!p1 $0x13880;
	[sflag:s29] =	ssyncset.done $0x0  }
0xa1: {  	s11 =	simm.s32 @!p1 $0x0;
	s13 =	rddreg [dreg:$0xe];
	[sflag:s29] =	ssyncadd.s32 $0xFFFFE000  }
0xa2: {  	[tilespmem:s12], [sflag:$0x4] =	stream.linear.gather @!p1 [hbm4b:s13+s11], $0x80, $0x38;
	[tilespmem:$0x1BC80] =	vst v63  }
0xa3: {  	s13 =	simm.s32 @!p1 $0x4  }
0xa4: {  	_ =	swait.ge @!p1 [sflag:s13], $0x80  }
0xa5: {  	[sflag:s13] =	ssyncset.done @!p1 $0x0  }
0xa6: {  	s14 =	simm.s32 @!p1 $0x13980;
	[sflag:s13] =	ssyncadd.s32 @!p1 $0xFFFFFF80  }
0xa7: {  	[tilespmem:s14], [sflag:$0x4] =	stream.linear.gather @!p1 [hbm4b:s16+s11], $0x80, $0x38;
	[tilespmem:$0x1BC80] =	vst v63  }
0xa8: {  	_ =	swait.ge @!p1 [sflag:s13], $0x80  }
0xa9: {  	[sflag:s13] =	ssyncset.done @!p1 $0x0  }
0xaa: {  	s15 =	simm.s32 @!p1 $0x13A80;
	s11 =	simm.s32 @!p1 $0x80;
	[sflag:s13] =	ssyncadd.s32 @!p1 $0xFFFFFF80  }
0xab: {  	[tilespmem:s15], [sflag:$0x1] =	stream.indirect.gather @!p1 [spmem:s7], $0x40, s12, s11, $0xb8;
	[tilespmem:$0x1BC80] =	vst v63  }
0xac: {  	s12 =	simm.s32 @!p1 $0x1  }
0xad: {  	_ =	swait.ge @!p1 [sflag:s12], $0x2000  }
0xae: {  	[sflag:s12] =	ssyncset.done @!p1 $0x0  }
0xaf: {  	[sflag:s12] =	ssyncadd.s32 @!p1 $0xFFFFE000  }
0xb0: {  	[spmem:s5] =	stream.indirect.scatter.add.f32 @!p1 [tilespmem:s15], [sflag:$0x4], $0x40, s14, s11, $0xb8;
	[tilespmem:$0x1BC80] =	vst v63  }
0xb1: {  	_ =	swait.ge @!p1 [sflag:s13], $0x2000  }
0xb2: {  	[sflag:s13] =	ssyncset.done @!p1 $0x0  }
0xb3: {  	[sflag:s13] =	ssyncadd.s32 @!p1 $0xFFFFE000  }
0xb4: {  	[bflag:$0x0] =	sbarrier.arrive $0xFFFF  }
0xb5: {  	s15 =	rddreg [dreg:$0x8]  }
0xb6: {  	s11 =	sadd.s32 s15, s18  }
0xb7: {  	[hbm:s11], [sflag:s6] =	dma.local [spmem:s9], $0x2700  }
0xb8: {  	_ =	swait.ge [sflag:s29], $0x2700  }
0xb9: {  	s28 =	sadd.s32 $0x1, s28;
	[sflag:s29] =	ssyncset.done $0x0  }
0xba: {  	p2 =	sne.s32 s28, s19;
	s9 =	sadd.s32 @!p0 $0x27000, s18;
	[sflag:s29] =	ssyncadd.s32 $0xFFFFD900  }
0xbb: {  	[hbm:s9], [sflag:s6] =	dma.local @!p0 [spmem:s10], $0x100  }
.Ltmp1:
0xbc: {  	_ = 	snop;
	(pc) =	sbr.rel @p2 .LBB2_1-.Ltmp1, $4  }
0xbd: {  	s6 =	simm.s32 @!p0 $0x3  }
0xbe: {  	_ =	swait.ge @!p0 [sflag:s6], $0x100  }
0xbf: {  	[sflag:s6] =	ssyncset.done @!p0 $0x0  }
0xc0: {  	[sflag:s6] =	ssyncadd.s32 @!p0 $0xFFFFFF00  }
0xc1: {  	_ =	sfence.sel $0x180000  }
0xc2: {  	[bflag:$0x0] =	sbarrier.arrive $0xFFFF  }
0xc3: {  	_ =	strace $0x9000004D  }
0xc4: {  	s0 =	stileid.u32;
	[bflag:$0x2] =	sbarrier.arrive $0xFFFF  }
0xc5: {  	p0 =	sne.s32 s0, $0x0;
	s0 =	rddreg [dreg:$0x7]  }
0xc6: {  	s0 =	sadd.s32 @!p0 $0x100000, s0  }
0xc7: {  	[sflag:s0] =	ssyncadd.tile.s32 @!p0 $0x1;
	_ =	shalt  }
.Lfunc_end2:
_tile_overlayer_lowered:
.L_overlay_start_2:
0xc8: {  	(tag) =	ssettag $0x2  }
0xc9: {  	s0 =	rddreg [dreg:$0x0];
	s2 =	stileid.u32  }
0xca: {  	s1 =	rddreg [dreg:$0x1];
	p0 =	sne.s32 s2, $0x0  }
0xcb: {  	s3 =	rddreg [dreg:$0x2];
	[bflag:$0x3] =	sbarrier.arrive $0xFFFF;
	s2 =	simm.s32 @!p0 $0x1C03  }
0xcc: {  	[timem:s3], [sflag:s2] =	dma.local @!p0 [hbm:s0], s1  }
0xcd: {  	s0 =	simm.s32 @!p0 $0x3  }
0xce: {  	_ =	swait.ge @!p0 [sflag:s0], s1  }
0xcf: {  	s1 =	ssub.s32 @!p0 $0x0, s1;
	[sflag:s0] =	ssyncset.done @!p0 $0x0  }
0xd0: {  	[sflag:s0] =	ssyncadd.s32 @!p0 s1  }
0xd1: {  	[bflag:$0x3] =	sbarrier.arrive $0xFFFF  }
0xd2: {  	_ =	shalt  }

// kernel: kernel.8.cloned.1.call-start
scs
__scs_entry_jumppad:
0x0: {  	(pc) =	sbr.rel $0x88, $3  }
0x1: {  	(tag) =	ssettag $0x0;
	lr =	simm.s32 $0x1  }
0x2: {  	[smem:$0x3F80] =	sst lr;
	_ =	strace $0xD0000000  }
0x3: {  	_ = 	snop  }
0x4: {  	_ = 	snop  }
0x5: {  	_ = 	snop  }
0x6: {  	_ = 	snop  }
0x7: {  	_ = 	snop  }
__scs_overlays_trampoline_lowered:
0x8: {  	[smem:$0x3F8F] =	sst s0  }
0x9: {  	[smem:$0x3F90] =	sst s1  }
0xa: {  	[smem:$0x3F91] =	sst s2  }
0xb: {  	[smem:$0x3F92] =	sst s3  }
0xc: {  	[smem:$0x3F93] =	sst s4  }
0xd: {  	[smem:$0x3F94] =	sst s5  }
0xe: {  	[smem:$0x3F95] =	sst s6  }
0xf: {  	[smem:$0x3F96] =	sst s7  }
0x10: {  	[smem:$0x3F97] =	sst s8  }
0x11: {  	[smem:$0x3F98] =	sst s9;
	s0 =	simm.s32 @!p0 $0x0  }
0x12: {  	s1 =	sld [smem:$0x3F7E];
	s0 =	simm.s32 @p0 $0x1  }
0x13: {  	[smem:$0x3F99] =	sst s0;
	s0 =	simm.s32 @!p1 $0x0  }
0x14: {  	s2 =	sld [smem:$0x3F7D];
	s0 =	simm.s32 @p1 $0x1  }
0x15: {  	[smem:$0x3F9A] =	sst s0;
	s0 =	simm.s32 @!p2 $0x0  }
0x16: {  	s3 =	sld [smem:$0x3FDB];
	s0 =	simm.s32 @p2 $0x1  }
0x17: {  	s4 =	simm.s32 $0x1BF5;
	[smem:$0x3F9C] =	sst s0  }
0x18: {  	s0 =	sld [smem:$0x3F7F];
	_ =	swait.ge [sflag:s4], $0x0  }
0x19: {  	s7 =	sld [smem:$0x3F80]  }
0x1a: {  	s8 =	sadd.s32 $0xFFFFE003, lr  }
0x1b: {  	s9 =	sadd.s32 $0xFFFFFEF7, lr;
	s5 =	simm.s32 $0xFFFFFFFF;
	p2 =	slt.u32 s8, $0xFFFFF086  }
0x1c: {  	p1 =	slt.u32 s9, $0xF7A;
	s5 =	simm.s32 @!p2 $0x0  }
0x1d: {  	s5 =	simm.s32 @p1 $0x1;
	p0 =	seq.s32 s7, s2  }
0x1e: {  	s7 =	smul.u32 @!p0 $0xF7A, s2;
	p2 =	seq.s32 @!p0 s5, $0x0  }
0x1f: {  	s9 =	smul.u32 $0xF7A, s1;
	s8 =	simm.s32 @!p0 $0x1BF5;
	p2 =	por !p2, p0  }
0x20: {  	[sflag:s8] =	ssyncset.s32 @!p0 $0xFFFFF086;
	s6 =	sadd.s32 @!p0 s3, s7;
	s7 =	simm.s32 @!p0 $0x108  }
0x21: {  	s3 =	sadd.s32 s3, s9;
	s6 =	sadd.s32 @!p0 $0x88, s6;
	s7 =	simm.s32 @p2 $0x1082  }
0x22: {  	[simem:s7], [sflag:s8] =	dma.local @!p0 [hbm:s6], $0xF7A  }
0x23: {  	s9 =	sor.u32 $0xD0000000, s2;
	s6 =	simm.s32 $0x108;
	_ =	swait.ge @!p0 [sflag:s8], $0x0  }
0x24: {  	s3 =	sadd.s32 $0x88, s3;
	s6 =	simm.s32 @!p1 $0x1082;
	[sflag:s4] =	ssyncset.s32 $0xFFFFF086  }
0x25: {  	[simem:s6], [sflag:s4] =	dma.local [hbm:s3], $0xF7A  }
0x26: {  	[smem:$0x3F80] =	sst s1;
	(tag) =	ssettag s2;
	_ =	strace s9  }
0x27: {  	s1 =	sld [smem:$0x3F90]  }
0x28: {  	s2 =	sld [smem:$0x3F91]  }
0x29: {  	s4 =	sld [smem:$0x3F93]  }
0x2a: {  	p0 =	seq.s32 s5, $0x0;
	s5 =	sld [smem:$0x3F94]  }
0x2b: {  	s6 =	sld [smem:$0x3F95]  }
0x2c: {  	s7 =	sld [smem:$0x3F96]  }
0x2d: {  	s3 =	simm.s32 $0x108;
	s8 =	sld [smem:$0x3F97]  }
0x2e: {  	s3 =	simm.s32 @!p0 $0x1082;
	s9 =	sld [smem:$0x3F98]  }
0x2f: {  	lr =	sadd.s32 s0, s3;
	s0 =	sld [smem:$0x3F8F]  }
0x30: {  	s3 =	sld [smem:$0x3F92]  }
0x31: {  	[smem:$0x3F9B] =	sst s10  }
0x32: {  	s10 =	sld [smem:$0x3F99];
	_ =	sdelay $0x3  }
0x33: {  	p0 =	seq.s32 s10, $0x1;
	s10 =	sld [smem:$0x3F9B];
	_ =	sdelay $0x3  }
0x34: {  	[smem:$0x3F9B] =	sst s10  }
0x35: {  	s10 =	sld [smem:$0x3F9A];
	_ =	sdelay $0x3  }
0x36: {  	p1 =	seq.s32 s10, $0x1;
	s10 =	sld [smem:$0x3F9B];
	_ =	sdelay $0x3  }
0x37: {  	[smem:$0x3F9B] =	sst s10  }
0x38: {  	s10 =	sld [smem:$0x3F9C]  }
0x39: {  	_ = 	snop;
	(pc) =	sbr.ind lr, $3  }
0x3a: {  	_ = 	snop  }
0x3b: {  	_ = 	snop  }
0x3c: {  	p2 =	seq.s32 s10, $0x1;
	s10 =	sld [smem:$0x3F9B]  }
0x3d: {  	_ =	shalt  }
0x3e: {  	_ =	shalt  }
0x3f: {  	_ =	shalt  }
0x40: {  	_ =	shalt  }
0x41: {  	_ =	shalt  }
0x42: {  	_ =	shalt  }
0x43: {  	_ =	shalt  }
0x44: {  	_ =	shalt  }
0x45: {  	_ =	shalt  }
0x46: {  	_ =	shalt  }
0x47: {  	_ =	shalt  }
0x48: {  	_ =	shalt  }
0x49: {  	_ =	shalt  }
0x4a: {  	_ =	shalt  }
0x4b: {  	_ =	shalt  }
0x4c: {  	_ =	shalt  }
0x4d: {  	_ =	shalt  }
0x4e: {  	_ =	shalt  }
0x4f: {  	_ =	shalt  }
0x50: {  	_ =	shalt  }
0x51: {  	_ =	shalt  }
0x52: {  	_ =	shalt  }
0x53: {  	_ =	shalt  }
0x54: {  	_ =	shalt  }
0x55: {  	_ =	shalt  }
0x56: {  	_ =	shalt  }
0x57: {  	_ =	shalt  }
0x58: {  	_ =	shalt  }
0x59: {  	_ =	shalt  }
0x5a: {  	_ =	shalt  }
0x5b: {  	_ =	shalt  }
0x5c: {  	_ =	shalt  }
0x5d: {  	_ =	shalt  }
0x5e: {  	_ =	shalt  }
0x5f: {  	_ =	shalt  }
0x60: {  	_ =	shalt  }
0x61: {  	_ =	shalt  }
0x62: {  	_ =	shalt  }
0x63: {  	_ =	shalt  }
0x64: {  	_ =	shalt  }
0x65: {  	_ =	shalt  }
0x66: {  	_ =	shalt  }
0x67: {  	_ =	shalt  }
0x68: {  	_ =	shalt  }
0x69: {  	_ =	shalt  }
0x6a: {  	_ =	shalt  }
0x6b: {  	_ =	shalt  }
0x6c: {  	_ =	shalt  }
0x6d: {  	_ =	shalt  }
0x6e: {  	_ =	shalt  }
0x6f: {  	_ =	shalt  }
0x70: {  	_ =	shalt  }
0x71: {  	_ =	shalt  }
0x72: {  	_ =	shalt  }
0x73: {  	_ =	shalt  }
0x74: {  	_ =	shalt  }
0x75: {  	_ =	shalt  }
0x76: {  	_ =	shalt  }
0x77: {  	_ =	shalt  }
0x78: {  	_ =	shalt  }
0x79: {  	_ =	shalt  }
0x7a: {  	_ =	shalt  }
0x7b: {  	_ =	shalt  }
0x7c: {  	_ =	shalt  }
0x7d: {  	_ =	shalt  }
0x7e: {  	_ =	shalt  }
0x7f: {  	_ =	shalt  }
0x80: {  	_ =	shalt  }
0x81: {  	_ =	shalt  }
0x82: {  	_ =	shalt  }
0x83: {  	_ =	shalt  }
0x84: {  	_ =	shalt  }
0x85: {  	_ =	shalt  }
0x86: {  	_ =	shalt  }
0x87: {  	_ =	shalt  }
.Lfunc_end0:
.L_simem_size_0:
called_computation_lowered:
.L_overlay_start_0:
0x88: {  	s2 =	sld [smem:$0x3FD9]  }
0x89: {  	s3 =	sld [smem:$0x3FFE];
	_ =	sdelay $0x1  }
0x8a: {  	s1 =	srdreg.scid  }
0x8b: {  	s0 =	sand.u32 $0x1, s1  }
0x8c: {  	s17 =	sshll.u32 s0, $0xA;
	s2 =	sadd.s32 s3, s2  }
0x8d: {  	s2 =	sadd.s32 s2, s17  }
0x8e: {  	[smem:$0x3FA7] =	sst s2  }
0x8f: {  	_ = 	snop  }
0x90: {  	s2 =	sld [smem:$0x3FC9]  }
0x91: {  	s18 =	sld [smem:$0x3FC8]  }
0x92: {  	s4 =	sld [smem:$0x3FC7]  }
0x93: {  	s5 =	sld [smem:$0x3FC6]  }
0x94: {  	s6 =	sld [smem:$0x3FBD];
	(tm) =	ssettm $0x1  }
0x95: {  	s7 =	sld [smem:$0x3FFB];
	_ =	sdelay $0x3  }
0x96: {  	_ =	strace s7  }
0x97: {  	s7 =	sld [smem:$0x3FFC];
	_ =	sdelay $0x3  }
0x98: {  	_ =	strace s7  }
0x99: {  	s7 =	sld [smem:$0x3FFD];
	_ =	sdelay $0x3  }
0x9a: {  	_ =	strace s7  }
0x9b: {  	_ =	strace $0x8FFFFFFF  }
0x9c: {  	s19 =	sld [smem:$0x3FDB];
	_ =	sdelay $0x1  }
0x9d: {  	s8 =	simm.s32 $_scs_section_size  }
0x9e: {  	s9 =	simm.s32 $_size__tile_overlayer_lowered;
	s10 =	simm.s32 $_tile_overlayer_lowered  }
0x9f: {  	s22 =	simm.s32 $0x1BFF;
	s21 =	sshll.u32 s10, $0x1;
	s7 =	sadd.s32 s8, s19  }
0xa0: {  	s11 =	simm.s32 $0x0;
	s20 =	sshll.u32 s9, $0x1;
	s9 =	sadd.s32 s21, s7  }
0xa1: {  	[timem:s11], [sflag:s22] =	dma.local [hbm:s9], s20  }
0xa2: {  	_ =	swait.ge [sflag:s22], s20  }
0xa3: {  	s8 =	ssub.s32 $0x0, s20;
	[sflag:s22] =	ssyncset.done $0x0  }
0xa4: {  	[sflag:s22] =	ssyncadd.s32 s8;
	_ =	sdelay $0x1  }
0xa5: {  	s23 =	simm.s32 $0x1B8B  }
0xa6: {  	_ =	swait.ge [sflag:s23], $0x1  }
0xa7: {  	[sflag:s23] =	ssyncset.done $0x0  }
0xa8: {  	s25 =	simm.s32 $0x1B8E;
	s24 =	sld [smem:$0x3FFE];
	[sflag:s23] =	ssyncadd.s32 $0xFFFFFFFF  }
0xa9: {  	s26 =	simm.s32 $execute0_lowered;
	[smem:$0x3FD2] =	sst s25  }
0xaa: {  	s9 =	sshll.u32 s26, $0x1;
	_ =	strace $0x80000046;
	[dreg:$0x1] =	wrdreg $0xFFFFFFFF  }
0xab: {  	s28 =	simm.s32 $_size_execute0_lowered;
	s7 =	sadd.s32 s7, s9;
	[dreg:$0x0] =	wrdreg $0x0  }
0xac: {  	s9 =	sshll.u32 s28, $0x1;
	[dreg:$0x2] =	wrdreg s7  }
0xad: {  	[dreg:$0x3] =	wrdreg s9  }
0xae: {  	[dreg:$0x4] =	wrdreg $0xC0  }
0xaf: {  	_ =	task [dreg:s11], $0x5FFFF  }
0xb0: {  	[dreg:$0x1] =	wrdreg $0xFFFFFFFF  }
0xb1: {  	[dreg:$0x0] =	wrdreg $0x60  }
0xb2: {  	[dreg:$0x2] =	wrdreg s6  }
0xb3: {  	[dreg:$0x3] =	wrdreg s24  }
0xb4: {  	[dreg:$0x4] =	wrdreg s2  }
0xb5: {  	[dreg:$0x5] =	wrdreg s18  }
0xb6: {  	[dreg:$0x6] =	wrdreg s4  }
0xb7: {  	[dreg:$0x7] =	wrdreg s5  }
0xb8: {  	[dreg:$0x8] =	wrdreg $0x0  }
0xb9: {  	[dreg:$0x9] =	wrdreg $0x9  }
0xba: {  	_ =	task.clear_ibuf [dreg:s11], $0xAFFFF;
	_ =	strace $0x90000046  }
0xbb: {  	s29 =	simm.s32 $0x9;
	_ =	strace $0x80000048  }
0xbc: {  	_ =	swait.ge [sflag:s29], $0x1  }
0xbd: {  	[sflag:s29] =	ssyncadd.s32 $0xFFFFFFFF  }
0xbe: {  	_ =	strace $0x90000048  }
0xbf: {  	_ =	sfence  }
0xc0: {  	s30 =	sld [smem:$0x0];
	_ =	sdelay $0x2  }
0xc1: {  	s31 =	sshll.u32 s1, $0xD;
	s1 =	sshrl.u32 s1, $0x2  }
0xc2: {  	s3 =	sand.u32 $0x4000, s31;
	s1 =	sadd.s32 s1, s30  }
0xc3: {  	s0 =	sor.u32 s3, s0;
	s1 =	sshll.u32 s1, $0x11  }
0xc4: {  	s0 =	sor.u32 s1, s0  }
0xc5: {  	s0 =	sadd.s32 $0x8F2B, s0  }
0xc6: {  	[sflag:s0] =	ssyncadd.remote.s32 $0x1  }
0xc7: {  	_ =	sfence.sel $0xFFFF  }
0xc8: {  	[dreg:$0x0] =	wrdreg $0xFFFFFFFF;
	(pc) =	sbr.abs _section_cstart, $3  }
0xc9: {  	[dreg:$0x1] =	wrdreg $0xFFFFFFFF  }
0xca: {  	_ =	task.clear_ibuf [dreg:s11], $0x2FFFF;
	_ =	strace $0x9FFFFFFF  }
0xcb: {  	(tm) =	ssettm $0x7FFFFFFF  }
tec
execute0_lowered:
.L_overlay_start_1:
0x0: {  	(tag) =	ssettag $0x1  }
0x1: {  	s0 =	rddreg [dreg:$0x0]  }
0x2: {  	s1 =	rddreg [dreg:$0x1]  }
0x3: {  	s7 =	rddreg [dreg:$0x6];
	s8 =	simm.s32 $0x0  }
0x4: {  	s20 =	stileid.u32;
	s2 =	srdreg.scid;
	s24 =	simm.s32 $0x3  }
0x5: {  	s28 =	simm.s32 $0x13980;
	s29 =	simm.s32 $0x80;
	s30 =	simm.s32 $0x13A80  }
0x6: {  	s31 =	simm.s32 $0x13900;
	[smem:$0x7FF] =	sst s8;
	s9 =	smul.u32 $0x2700, s20  }
0x7: {  	s2 =	sand.u32 $0x1, s2;
	s4 =	sadd.s32 $0xDE00, s1;
	s5 =	sadd.s32 $0x4000, s1  }
0x8: {  	s6 =	smul.u32 $0x4E000, s20;
	s12 =	sshll.u32 s20, $0x1;
	s26 =	sshll.u32 s20, $0x5  }
0x9: {  	p0 =	sne.s32 s20, $0xF;
	_ =	strace $0x80000047;
	s3 =	smul.u32 $0x27100, s2  }
0xa: {  	s10 =	ssub.s32 $0x2, s2;
	s13 =	sor.u32 s2, s12;
	s12 =	sadd.s32 $0x138000, s7  }
0xb: {  	s2 =	sshll.u32 s2, $0x4;
	[dreg:$0x8] =	wrdreg s9;
	s9 =	sadd.s32 s9, s1  }
0xc: {  	s11 =	sshrl.u32 s10, $0x1;
	s6 =	sshrl.u32 s6, $0x2;
	s23 =	sor.u32 $0x9C0, s13  }
0xd: {  	s13 =	sadd.s32 $0x3EC00, s1;
	s3 =	sadd.s32 s3, s1;
	s15 =	ssub.s32 s10, s11  }
0xe: {  	s6 =	sadd.s32 s6, s7;
	s22 =	sadd.s32 $0x17C00, s9;
	s25 =	sshll.u32 s23, $0x4  }
0xf: {  	p1 =	sgt.u32 s23, $0x9C3;
	s1 =	simm.s32 $0x13A00;
	[dreg:$0x9] =	wrdreg s6  }
0x10: {  	[dreg:$0xa] =	wrdreg s22;
	s14 =	sadd.s32 $0x3EE00, s3;
	s15 =	smax.u32 s15, $0x1  }
0x11: {  	s16 =	sadd.s32 s4, s25;
	s4 =	sadd.s32 s26, s4;
	s3 =	sadd.s32 s26, s5  }
0x12: {  	s17 =	sadd.s32 s5, s25;
	s25 =	simm.s32 $0x13880;
	s26 =	simm.s32 $0x4  }
0x13: {  	s6 =	simm.s32 $0x0;
	s18 =	sadd.s32 s2, s4;
	s19 =	sadd.s32 s2, s3  }
0x14: {  	s2 =	simm.s32 $0x17A80;
	s3 =	simm.s32 $0x1;
	s4 =	simm.s32 $0x2  }
.LBB2_1:
0x15: {  	s5 =	rddreg [dreg:$0x2];
	s9 =	simm.s32 $0x1BA80  }
0x16: {  	[tilespmem:s9], [sflag:$0x3] =	stream.linear.gather [hbm4b:s5+s8], $0x1, $0x38;
	[tilespmem:$0x1BC80] =	vst v63  }
0x17: {  	s22 =	rddreg [dreg:$0x3];
	s23 =	simm.s32 $0x1BB00  }
0x18: {  	[tilespmem:s23], [sflag:$0x3] =	stream.linear.gather [hbm4b:s22+s8], $0x1, $0x38;
	[tilespmem:$0x1BC80] =	vst v63  }
0x19: {  	s10 =	rddreg [dreg:$0x4];
	s11 =	simm.s32 $0x1BB80  }
0x1a: {  	[tilespmem:s11], [sflag:$0x3] =	stream.linear.gather [hbm4b:s10+s8], $0x1, $0x38;
	[tilespmem:$0x1BC80] =	vst v63  }
0x1b: {  	s20 =	rddreg [dreg:$0x5];
	s21 =	simm.s32 $0x1BC00  }
0x1c: {  	[tilespmem:s21], [sflag:$0x3] =	stream.linear.gather [hbm4b:s20+s8], $0x1, $0x38;
	[tilespmem:$0x1BC80] =	vst v63  }
0x1d: {  	_ =	swait.ge [sflag:s24], $0x1  }
0x1e: {  	[sflag:s24] =	ssyncset.done $0x0  }
0x1f: {  	[sflag:s24] =	ssyncadd.s32 $0xFFFFFFFF  }
0x20: {  	_ =	swait.ge [sflag:s24], $0x1  }
0x21: {  	[sflag:s24] =	ssyncset.done $0x0  }
0x22: {  	[sflag:s24] =	ssyncadd.s32 $0xFFFFFFFF  }
0x23: {  	_ =	swait.ge [sflag:s24], $0x1  }
0x24: {  	[sflag:s24] =	ssyncset.done $0x0  }
0x25: {  	s22 =	stileid.u32;
	[sflag:s24] =	ssyncadd.s32 $0xFFFFFFFF  }
0x26: {  	s5 =	sshll.u32 s22, $0x6;
	_ =	swait.ge [sflag:s24], $0x1  }
0x27: {  	s20 =	sor.u32 $0x1C03, s5;
	[sflag:s24] =	ssyncset.done $0x0;
	s23 =	rddreg [dreg:$0x9]  }
0x28: {  	s9 =	rddreg [dreg:$0xa];
	[sflag:s24] =	ssyncadd.s32 $0xFFFFFFFF;
	s21 =	sshrl.u32 s23, $0x3  }
0x29: {  	[spmem:s21], [sflag:s20] =	dma.local [hbm:s9], $0x2700  }
0x2a: {  	_ =	swait.ge [sflag:s24], $0x2700  }
0x2b: {  	[sflag:s24] =	ssyncset.done $0x0  }
0x2c: {  	s22 =	sshrl.u32 @!p0 s12, $0x3;
	s5 =	simm.s32 @!p0 $0x3;
	[sflag:s24] =	ssyncadd.s32 $0xFFFFD900  }
0x2d: {  	[spmem:s22], [sflag:s20] =	dma.local @!p0 [hbm:s13], $0x100  }
0x2e: {  	_ =	swait.ge @!p0 [sflag:s5], $0x100  }
0x2f: {  	[sflag:s5] =	ssyncset.done @!p0 $0x0  }
0x30: {  	[sflag:s5] =	ssyncadd.s32 @!p0 $0xFFFFFF00  }
0x31: {  	s10 =	sadd.s32 $0x0, s18;
	[bflag:$0x0] =	sbarrier.arrive $0xFFFF  }
0x32: {  	[tilespmem:s25], [sflag:$0x4] =	stream.linear.gather [hbm4b:s10+s8], $0x80, $0x38;
	[tilespmem:$0x1BC80] =	vst v63  }
0x33: {  	_ =	swait.ge [sflag:s26], $0x80  }
0x34: {  	[sflag:s26] =	ssyncset.done $0x0  }
0x35: {  	s11 =	sadd.s32 $0x0, s19;
	[sflag:s26] =	ssyncadd.s32 $0xFFFFFF80  }
0x36: {  	[tilespmem:s28], [sflag:$0x4] =	stream.linear.gather [hbm4b:s11+s8], $0x80, $0x38;
	[tilespmem:$0x1BC80] =	vst v63  }
0x37: {  	_ =	swait.ge [sflag:s26], $0x80  }
0x38: {  	[sflag:s26] =	ssyncset.done $0x0  }
0x39: {  	[sflag:s26] =	ssyncadd.s32 $0xFFFFFF80  }
0x3a: {  	[tilespmem:s30], [sflag:$0x1] =	stream.indirect.gather [hbm4b:s0+s29], $0x80, s25, s29, $0xb8;
	[tilespmem:$0x1BC80] =	vst v63  }
0x3b: {  	s5 =	sadd.s32 $0x200, s10  }
0x3c: {  	[tilespmem:s31], [sflag:$0x4] =	stream.linear.gather [hbm4b:s5+s8], $0x80, $0x38;
	[tilespmem:$0x1BC80] =	vst v63  }
0x3d: {  	_ =	swait.ge [sflag:s26], $0x80  }
0x3e: {  	[sflag:s26] =	ssyncset.done $0x0  }
0x3f: {  	s23 =	sadd.s32 $0x200, s11;
	[sflag:s26] =	ssyncadd.s32 $0xFFFFFF80  }
0x40: {  	[tilespmem:s1], [sflag:$0x4] =	stream.linear.gather [hbm4b:s23+s8], $0x80, $0x38;
	[tilespmem:$0x1BC80] =	vst v63  }
0x41: {  	_ =	swait.ge [sflag:s26], $0x80  }
0x42: {  	[sflag:s26] =	ssyncset.done $0x0  }
0x43: {  	[sflag:s26] =	ssyncadd.s32 $0xFFFFFF80  }
0x44: {  	[tilespmem:s2], [sflag:$0x2] =	stream.indirect.gather [hbm4b:s0+s29], $0x80, s31, s29, $0xb8;
	[tilespmem:$0x1BC80] =	vst v63  }
0x45: {  	_ =	swait.ge [sflag:s3], $0x4000  }
0x46: {  	[sflag:s3] =	ssyncset.done $0x0  }
0x47: {  	[sflag:s3] =	ssyncadd.s32 $0xFFFFC000  }
0x48: {  	[spmem:s7] =	stream.indirect.scatter.add.f32 [tilespmem:s30], [sflag:$0x4], $0x80, s28, s29, $0xb8;
	[tilespmem:$0x1BC80] =	vst v63  }
0x49: {  	_ =	swait.ge [sflag:s26], $0x4000  }
0x4a: {  	[sflag:s26] =	ssyncset.done $0x0  }
0x4b: {  	[sflag:s26] =	ssyncadd.s32 $0xFFFFC000  }
0x4c: {  	_ =	swait.ge [sflag:s4], $0x4000  }
0x4d: {  	[sflag:s4] =	ssyncset.done $0x0  }
0x4e: {  	[sflag:s4] =	ssyncadd.s32 $0xFFFFC000  }
0x4f: {  	[spmem:s7] =	stream.indirect.scatter.add.f32 [tilespmem:s2], [sflag:$0x3], $0x80, s1, s29, $0xb8;
	[tilespmem:$0x1BC80] =	vst v63  }
0x50: {  	_ =	swait.ge [sflag:s24], $0x4000  }
0x51: {  	s5 =	simm.s32 $0x800;
	s23 =	simm.s32 $0x400;
	[sflag:s24] =	ssyncset.done $0x0  }
.LBB2_2:
0x52: {  	s10 =	sadd.s32 s23, s18  }
0x53: {  	[sflag:s24] =	ssyncadd.s32 $0xFFFFC000;
	s11 =	smov.u32 s5;
	s9 =	sadd.s32 $0x400, s5  }
0x54: {  	[tilespmem:s25], [sflag:$0x4] =	stream.linear.gather [hbm4b:s10+s8], $0x80, $0x38;
	[tilespmem:$0x1BC80] =	vst v63  }
0x55: {  	p2 =	sne.s32 s5, $0x9800;
	_ =	swait.ge [sflag:s26], $0x80  }
0x56: {  	[sflag:s26] =	ssyncset.done $0x0  }
0x57: {  	s5 =	sadd.s32 s23, s19;
	s23 =	smov.u32 s11;
	[sflag:s26] =	ssyncadd.s32 $0xFFFFFF80  }
0x58: {  	[tilespmem:s28], [sflag:$0x4] =	stream.linear.gather [hbm4b:s5+s8], $0x80, $0x38;
	[tilespmem:$0x1BC80] =	vst v63  }
0x59: {  	_ =	swait.ge [sflag:s26], $0x80  }
0x5a: {  	[sflag:s26] =	ssyncset.done $0x0  }
0x5b: {  	[sflag:s26] =	ssyncadd.s32 $0xFFFFFF80  }
0x5c: {  	[tilespmem:s30], [sflag:$0x1] =	stream.indirect.gather [hbm4b:s0+s29], $0x80, s25, s29, $0xb8;
	[tilespmem:$0x1BC80] =	vst v63  }
0x5d: {  	s10 =	sadd.s32 $0x200, s10  }
0x5e: {  	[tilespmem:s31], [sflag:$0x4] =	stream.linear.gather [hbm4b:s10+s8], $0x80, $0x38;
	[tilespmem:$0x1BC80] =	vst v63  }
0x5f: {  	_ =	swait.ge [sflag:s26], $0x80  }
0x60: {  	[sflag:s26] =	ssyncset.done $0x0  }
0x61: {  	s5 =	sadd.s32 $0x200, s5;
	[sflag:s26] =	ssyncadd.s32 $0xFFFFFF80  }
0x62: {  	[tilespmem:s1], [sflag:$0x4] =	stream.linear.gather [hbm4b:s5+s8], $0x80, $0x38;
	[tilespmem:$0x1BC80] =	vst v63  }
0x63: {  	_ =	swait.ge [sflag:s26], $0x80  }
0x64: {  	[sflag:s26] =	ssyncset.done $0x0  }
0x65: {  	[sflag:s26] =	ssyncadd.s32 $0xFFFFFF80  }
0x66: {  	[tilespmem:s2], [sflag:$0x2] =	stream.indirect.gather [hbm4b:s0+s29], $0x80, s31, s29, $0xb8;
	[tilespmem:$0x1BC80] =	vst v63  }
0x67: {  	_ =	swait.ge [sflag:s3], $0x4000  }
0x68: {  	[sflag:s3] =	ssyncset.done $0x0  }
0x69: {  	[sflag:s3] =	ssyncadd.s32 $0xFFFFC000  }
0x6a: {  	[spmem:s7] =	stream.indirect.scatter.add.f32 [tilespmem:s30], [sflag:$0x4], $0x80, s28, s29, $0xb8;
	[tilespmem:$0x1BC80] =	vst v63  }
0x6b: {  	_ =	swait.ge [sflag:s26], $0x4000  }
0x6c: {  	[sflag:s26] =	ssyncset.done $0x0  }
0x6d: {  	[sflag:s26] =	ssyncadd.s32 $0xFFFFC000  }
0x6e: {  	_ =	swait.ge [sflag:s4], $0x4000  }
.Ltmp0:
0x6f: {  	[sflag:s4] =	ssyncset.done $0x0;
	(pc) =	sbr.rel @p2 .LBB2_2-.Ltmp0, $4  }
0x70: {  	[sflag:s4] =	ssyncadd.s32 $0xFFFFC000  }
0x71: {  	[spmem:s7] =	stream.indirect.scatter.add.f32 [tilespmem:s2], [sflag:$0x3], $0x80, s1, s29, $0xb8;
	[tilespmem:$0x1BC80] =	vst v63  }
0x72: {  	_ =	swait.ge [sflag:s24], $0x4000  }
0x73: {  	s5 =	smov.u32 s9;
	[sflag:s24] =	ssyncset.done $0x0  }
0x74: {  	s5 =	sadd.s32 s23, s18;
	[sflag:s24] =	ssyncadd.s32 $0xFFFFC000  }
0x75: {  	[tilespmem:s25], [sflag:$0x4] =	stream.linear.gather [hbm4b:s5+s8], $0x80, $0x38;
	[tilespmem:$0x1BC80] =	vst v63  }
0x76: {  	_ =	swait.ge [sflag:s26], $0x80  }
0x77: {  	[sflag:s26] =	ssyncset.done $0x0  }
0x78: {  	s9 =	sadd.s32 s23, s19;
	[sflag:s26] =	ssyncadd.s32 $0xFFFFFF80  }
0x79: {  	[tilespmem:s28], [sflag:$0x4] =	stream.linear.gather [hbm4b:s9+s8], $0x80, $0x38;
	[tilespmem:$0x1BC80] =	vst v63  }
0x7a: {  	_ =	swait.ge [sflag:s26], $0x80  }
0x7b: {  	[sflag:s26] =	ssyncset.done $0x0  }
0x7c: {  	[sflag:s26] =	ssyncadd.s32 $0xFFFFFF80  }
0x7d: {  	[tilespmem:s30], [sflag:$0x1] =	stream.indirect.gather [hbm4b:s0+s29], $0x80, s25, s29, $0xb8;
	[tilespmem:$0x1BC80] =	vst v63  }
0x7e: {  	s5 =	sadd.s32 $0x200, s5  }
0x7f: {  	[tilespmem:s31], [sflag:$0x4] =	stream.linear.gather [hbm4b:s5+s8], $0x80, $0x38;
	[tilespmem:$0x1BC80] =	vst v63  }
0x80: {  	_ =	swait.ge [sflag:s26], $0x80  }
0x81: {  	[sflag:s26] =	ssyncset.done $0x0  }
0x82: {  	s11 =	sadd.s32 $0x200, s9;
	[sflag:s26] =	ssyncadd.s32 $0xFFFFFF80  }
0x83: {  	[tilespmem:s1], [sflag:$0x4] =	stream.linear.gather [hbm4b:s11+s8], $0x80, $0x38;
	[tilespmem:$0x1BC80] =	vst v63  }
0x84: {  	_ =	swait.ge [sflag:s26], $0x80  }
0x85: {  	[sflag:s26] =	ssyncset.done $0x0  }
0x86: {  	[sflag:s26] =	ssyncadd.s32 $0xFFFFFF80  }
0x87: {  	[tilespmem:s2], [sflag:$0x2] =	stream.indirect.gather [hbm4b:s0+s29], $0x80, s31, s29, $0xb8;
	[tilespmem:$0x1BC80] =	vst v63  }
0x88: {  	_ =	swait.ge [sflag:s3], $0x4000  }
0x89: {  	[sflag:s3] =	ssyncset.done $0x0  }
0x8a: {  	[sflag:s3] =	ssyncadd.s32 $0xFFFFC000  }
0x8b: {  	[spmem:s7] =	stream.indirect.scatter.add.f32 [tilespmem:s30], [sflag:$0x4], $0x80, s28, s29, $0xb8;
	[tilespmem:$0x1BC80] =	vst v63  }
0x8c: {  	_ =	swait.ge [sflag:s26], $0x4000  }
0x8d: {  	[sflag:s26] =	ssyncset.done $0x0  }
0x8e: {  	[sflag:s26] =	ssyncadd.s32 $0xFFFFC000  }
0x8f: {  	_ =	swait.ge [sflag:s4], $0x4000  }
0x90: {  	[sflag:s4] =	ssyncset.done $0x0  }
0x91: {  	[sflag:s4] =	ssyncadd.s32 $0xFFFFC000  }
0x92: {  	[spmem:s7] =	stream.indirect.scatter.add.f32 [tilespmem:s2], [sflag:$0x3], $0x80, s1, s29, $0xb8;
	[tilespmem:$0x1BC80] =	vst v63  }
0x93: {  	_ =	swait.ge [sflag:s24], $0x4000  }
0x94: {  	s10 =	simm.s32 @!p1 $0x4;
	[sflag:s24] =	ssyncset.done $0x0  }
0x95: {  	s9 =	simm.s32 @!p1 $0x13880;
	s5 =	simm.s32 @!p1 $0x0;
	[sflag:s24] =	ssyncadd.s32 $0xFFFFC000  }
0x96: {  	[tilespmem:s9], [sflag:$0x4] =	stream.linear.gather @!p1 [hbm4b:s16+s5], $0x80, $0x38;
	[tilespmem:$0x1BC80] =	vst v63  }
0x97: {  	_ =	swait.ge @!p1 [sflag:s10], $0x80  }
0x98: {  	[sflag:s10] =	ssyncset.done @!p1 $0x0  }
0x99: {  	s11 =	simm.s32 @!p1 $0x13980;
	[sflag:s10] =	ssyncadd.s32 @!p1 $0xFFFFFF80  }
0x9a: {  	[tilespmem:s11], [sflag:$0x4] =	stream.linear.gather @!p1 [hbm4b:s17+s5], $0x80, $0x38;
	[tilespmem:$0x1BC80] =	vst v63  }
0x9b: {  	_ =	swait.ge @!p1 [sflag:s10], $0x80  }
0x9c: {  	[sflag:s10] =	ssyncset.done @!p1 $0x0  }
0x9d: {  	s23 =	simm.s32 @!p1 $0x13A80;
	s5 =	simm.s32 @!p1 $0x80;
	[sflag:s10] =	ssyncadd.s32 @!p1 $0xFFFFFF80  }
0x9e: {  	[tilespmem:s23], [sflag:$0x1] =	stream.indirect.gather @!p1 [hbm4b:s0+s5], $0x80, s9, s5, $0xb8;
	[tilespmem:$0x1BC80] =	vst v63  }
0x9f: {  	s9 =	simm.s32 @!p1 $0x1  }
0xa0: {  	_ =	swait.ge @!p1 [sflag:s9], $0x4000  }
0xa1: {  	[sflag:s9] =	ssyncset.done @!p1 $0x0  }
0xa2: {  	[sflag:s9] =	ssyncadd.s32 @!p1 $0xFFFFC000  }
0xa3: {  	[spmem:s7] =	stream.indirect.scatter.add.f32 @!p1 [tilespmem:s23], [sflag:$0x4], $0x80, s11, s5, $0xb8;
	[tilespmem:$0x1BC80] =	vst v63  }
0xa4: {  	_ =	swait.ge @!p1 [sflag:s10], $0x4000  }
0xa5: {  	[sflag:s10] =	ssyncset.done @!p1 $0x0  }
0xa6: {  	[sflag:s10] =	ssyncadd.s32 @!p1 $0xFFFFC000  }
0xa7: {  	[bflag:$0x0] =	sbarrier.arrive $0xFFFF  }
0xa8: {  	s23 =	rddreg [dreg:$0x8]  }
0xa9: {  	s5 =	sadd.s32 s23, s14  }
0xaa: {  	[hbm:s5], [sflag:s20] =	dma.local [spmem:s21], $0x2700  }
0xab: {  	_ =	swait.ge [sflag:s24], $0x2700  }
0xac: {  	s6 =	sadd.s32 $0x1, s6;
	[sflag:s24] =	ssyncset.done $0x0  }
0xad: {  	p2 =	sne.s32 s6, s15;
	s5 =	sadd.s32 @!p0 $0x27000, s14;
	[sflag:s24] =	ssyncadd.s32 $0xFFFFD900  }
0xae: {  	[hbm:s5], [sflag:s20] =	dma.local @!p0 [spmem:s22], $0x100  }
.Ltmp1:
0xaf: {  	_ = 	snop;
	(pc) =	sbr.rel @p2 .LBB2_1-.Ltmp1, $4  }
0xb0: {  	s5 =	simm.s32 @!p0 $0x3  }
0xb1: {  	_ =	swait.ge @!p0 [sflag:s5], $0x100  }
0xb2: {  	[sflag:s5] =	ssyncset.done @!p0 $0x0  }
0xb3: {  	[sflag:s5] =	ssyncadd.s32 @!p0 $0xFFFFFF00  }
0xb4: {  	_ =	sfence.sel $0x180000  }
0xb5: {  	[bflag:$0x0] =	sbarrier.arrive $0xFFFF  }
0xb6: {  	_ =	strace $0x90000047  }
0xb7: {  	s0 =	stileid.u32;
	[bflag:$0x2] =	sbarrier.arrive $0xFFFF  }
0xb8: {  	p0 =	sne.s32 s0, $0x0;
	s0 =	rddreg [dreg:$0x7]  }
0xb9: {  	s0 =	sadd.s32 @!p0 $0x100000, s0  }
0xba: {  	[sflag:s0] =	ssyncadd.tile.s32 @!p0 $0x1;
	_ =	shalt  }
.Lfunc_end2:
_tile_overlayer_lowered:
.L_overlay_start_2:
0xbb: {  	(tag) =	ssettag $0x2  }
0xbc: {  	s0 =	rddreg [dreg:$0x0];
	s2 =	stileid.u32  }
0xbd: {  	s1 =	rddreg [dreg:$0x1];
	p0 =	sne.s32 s2, $0x0  }
0xbe: {  	s3 =	rddreg [dreg:$0x2];
	[bflag:$0x3] =	sbarrier.arrive $0xFFFF;
	s2 =	simm.s32 @!p0 $0x1C03  }
0xbf: {  	[timem:s3], [sflag:s2] =	dma.local @!p0 [hbm:s0], s1  }
0xc0: {  	s0 =	simm.s32 @!p0 $0x3  }
0xc1: {  	_ =	swait.ge @!p0 [sflag:s0], s1  }
0xc2: {  	s1 =	ssub.s32 @!p0 $0x0, s1;
	[sflag:s0] =	ssyncset.done @!p0 $0x0  }
0xc3: {  	[sflag:s0] =	ssyncadd.s32 @!p0 s1  }
0xc4: {  	[bflag:$0x3] =	sbarrier.arrive $0xFFFF  }
0xc5: {  	_ =	shalt  }

</sc_bundles>
